<compile_context>
chip_gen: v7x
topology: tpu7x:2x2x1
jax: 0.10.2.dev20260603
libtpu: 0.0.44.dev20260713+nightly
codegen_flags: <defaults>
</compile_context>

<pallas_src>
import functools

import jax
import jax.numpy as jnp
from jax import lax
from jax.experimental import pallas as pl
from jax.experimental.pallas import tpu as pltpu
from jax.experimental.pallas import tpu_sc as plsc

_N = 200000
_C = 80
_CW = 1024
_FULL = _N // _CW
_TAILW = _N - _FULL * _CW
_NP = _FULL * _CW + _CW
_NW = 32


@functools.partial(
    pl.kernel,
    out_type=jax.ShapeDtypeStruct((_NP,), jnp.float32),
    mesh=plsc.VectorSubcoreMesh(core_axis_name="c", subcore_axis_name="s"),
    scratch_types=[
        pltpu.VMEM((_C, _CW), jnp.float32),
        pltpu.VMEM((_C, _TAILW), jnp.float32),
        pltpu.VMEM((_CW,), jnp.int32),
        pltpu.VMEM((_CW,), jnp.float32),
    ],
    compiler_params=pltpu.CompilerParams(
        use_tc_tiling_on_sc=True, needs_layout_passes=False),
)
def _gs_gather(gt_hbm, tail_hbm, lab_hbm, gs_hbm, chunk_v, tail_v, lab_v, gs_v):
    w = lax.axis_index("s") * 2 + lax.axis_index("c")
    nt = jnp.where(w < _FULL - (_FULL // _NW) * _NW, _FULL // _NW + 1,
                   _FULL // _NW)

    def body(t, carry):
        j = w + t * _NW
        col0 = pl.multiple_of(j * _CW, _CW)
        pltpu.sync_copy(lab_hbm.at[pl.ds(col0, _CW)], lab_v)
        pltpu.sync_copy(gt_hbm.at[:, pl.ds(col0, _CW)], chunk_v)
        for k in range(_CW // 16):
            lab16 = lab_v[pl.ds(k * 16, 16)]
            cols = lax.iota(jnp.int32, 16) + (k * 16)
            gs_v[pl.ds(k * 16, 16)] = plsc.load_gather(chunk_v, [lab16, cols])
        pltpu.sync_copy(gs_v, gs_hbm.at[pl.ds(col0, _CW)])
        return carry

    lax.fori_loop(0, nt, body, 0)

    @pl.when(w == _FULL % _NW)
    def _tail():
        base = _FULL * _CW
        pltpu.sync_copy(lab_hbm.at[pl.ds(base, _CW)], lab_v)
        pltpu.sync_copy(tail_hbm, tail_v)
        for k in range(_TAILW // 16):
            lab16 = lab_v[pl.ds(k * 16, 16)]
            cols = lax.iota(jnp.int32, 16) + (k * 16)
            gs_v[pl.ds(k * 16, 16)] = plsc.load_gather(tail_v, [lab16, cols])
        pltpu.sync_copy(gs_v.at[pl.ds(0, _TAILW)], gs_hbm.at[pl.ds(base, _TAILW)])


def _qfl_block_t(pred_ref, gs_ref, label_ref, out_ref):
    x = pred_ref[...]
    gs = gs_ref[...]
    lab = label_ref[...]
    C, B = x.shape

    rows = lax.broadcasted_iota(jnp.int32, (C, B), 0)
    onehot = rows == lab

    th = jnp.tanh(0.5 * x)
    s = 0.5 * th + 0.5
    s_abs = 0.5 * jnp.abs(th) + 0.5
    sp = -jnp.log(s_abs)
    base = jnp.maximum(x, 0.0) + sp

    a = jnp.where(onehot, gs, 0.0)
    t = jnp.where(onehot, gs - s, s)
    out_ref[...] = (base - x * a) * (t * t)


@jax.jit
def kernel(pred_logits, gt_label, gt_score):
    N, C = pred_logits.shape
    BN = 20480
    grid = (pl.cdiv(N, BN),)
    pt = pred_logits.T
    gt = gt_score.T
    lab = gt_label.astype(jnp.int32)
    lab_p = jnp.pad(lab, (0, _NP - N))
    tail = gt[:, _FULL * _CW:]
    gs = _gs_gather(gt, tail, lab_p)
    out_t = pl.pallas_call(
        _qfl_block_t,
        grid=grid,
        in_specs=[
            pl.BlockSpec((C, BN), lambda i: (0, i)),
            pl.BlockSpec((BN,), lambda i: (i,)),
            pl.BlockSpec((BN,), lambda i: (i,)),
        ],
        out_specs=pl.BlockSpec((C, BN), lambda i: (0, i)),
        out_shape=jax.ShapeDtypeStruct((C, N), jnp.float32),
    )(pt, gs, lab)
    return out_t.T

# --- scband reference (transcript-rebuilt; emitter-appended) ---
"""Pipeline reference for scband-classification-loss-90967407329967 (READ-ONLY COPY).

The authoritative reference and input builder live on the scoring server;
editing this copy changes nothing except your own understanding.
"""

import jax, jax.numpy as jnp
import numpy as np


def _bce_with_logits(x, t):
    # numerically stable binary_cross_entropy_with_logits, reduction='none'
    return jnp.maximum(x, 0.0) - x * t + jnp.log1p(jnp.exp(-jnp.abs(x)))


def setup_inputs(seed: int = 0) -> dict:
    key = jax.random.key(seed)
    k1, k2, k3 = jax.random.split(key, 3)
    N, C = 200000, 80
    pred_logits = jax.random.normal(k1, (N, C), dtype=jnp.float32)
    gt_label = jax.random.randint(k2, (N,), 0, 80).astype(jnp.int32)
    gt_score = jax.random.uniform(k3, (N, C), dtype=jnp.float32)
    return {"pred_logits": pred_logits, "gt_label": gt_label, "gt_score": gt_score}


def reference(pred_logits, gt_label, gt_score):
    # quality focal loss branch (cfg['cls_loss'] == 'qfl')
    beta = 2.0
    gt_label = gt_label.astype(jnp.int32)
    N, C = pred_logits.shape
    # gt_score = gt_score[arange(N), gt_label]
    gs = gt_score[jnp.arange(N), gt_label]
    pred_sigmoid = jax.nn.sigmoid(pred_logits)
    scale_factor = pred_sigmoid
    zerolabel = jnp.zeros_like(pred_logits)
    ce_loss = _bce_with_logits(pred_logits, zerolabel) * jnp.power(scale_factor, beta)
    bg_class_ind = C
    mask = (gt_label >= 0) & (gt_label < bg_class_ind)
    rows = jnp.arange(N)
    safe_label = jnp.where(mask, gt_label, 0)
    gs_sel = gs  # gs was already gathered per-row at gt_label
    sf = gs_sel - pred_sigmoid[rows, safe_label]
    vals = _bce_with_logits(pred_logits[rows, safe_label], gs_sel) * jnp.power(jnp.abs(sf), beta)
    current = ce_loss[rows, safe_label]
    ce_loss = ce_loss.at[rows, safe_label].set(jnp.where(mask, vals, current))
    return ce_loss

if __name__ == "__main__":
    import jax
    _d = setup_inputs()
    print(jax.jit(kernel)(*tuple(_d.values())))

</pallas_src>

<mosaic_0001>
#map = affine_map<(d0, d1) -> (0, 0)>
#map1 = affine_map<(d0, d1) -> (0)>
module attributes {stable_mosaic.version = 14 : i64} {
  func.func @_gs_gather(%arg0: i32, %arg1: i32, %arg2: memref<80x200000xf32, #tpu.memory_space<hbm>>, %arg3: memref<80x320xf32, #tpu.memory_space<hbm>>, %arg4: memref<200704xi32, #tpu.memory_space<hbm>>, %arg5: memref<200704xf32, #tpu.memory_space<hbm>>, %arg6: memref<80x1024xf32, #tpu.memory_space<vmem>>, %arg7: memref<80x320xf32, #tpu.memory_space<vmem>>, %arg8: memref<1024xi32, #tpu.memory_space<vmem>>, %arg9: memref<1024xf32, #tpu.memory_space<vmem>>) attributes {dimension_semantics = [#tpu.dimension_semantics<core_parallel>, #tpu.dimension_semantics<subcore_parallel>], iteration_bounds = array<i64: 2, 16>, scalar_prefetch = 0 : i64, scratch_operands = 4 : i64, tpu.core_type = #tpu.core_type<sc_vector_subcore>, window_params = [{transform_indices = #map}, {transform_indices = #map}, {transform_indices = #map1}, {transform_indices = #map1}]} {
    %mul3A = arith.constant 2 : i32
    %mul3A_0 = arith.muli %arg1, %mul3A : i32
    %add3A = arith.addi %mul3A_0, %arg0 : i32
    %lt3A = arith.constant 3 : i32
    %lt3A_1 = arith.cmpi slt, %add3A, %lt3A : i32
    %jit3A = arith.constant 7 : i32
    %jit3A_2 = arith.constant 6 : i32
    %select_n3A = arith.select %lt3A_1, %jit3A, %jit3A_2 : i32
    %while3A = arith.constant 0 : i32
    %while3A_3 = arith.constant 0 : i32
    %while3A_4 = arith.subi %select_n3A, %while3A_3 : i32
    %while3A_5 = arith.addi %while3A_3, %while3A_4 : i32
    %while3A_6 = arith.constant 1 : i32
    %while3A_7 = arith.divsi %while3A_4, %while3A_6 : i32
    %while3A_8 = arith.muli %while3A_7, %while3A_6 : i32
    %while3A_9 = arith.addi %while3A_3, %while3A_8 : i32
    %while3A_10 = arith.constant 1 : i32
    scf.for %while3A_14 = %while3A_3 to %while3A_9 step %while3A_10  : i32 {
      %mul3A_15 = arith.constant 32 : i32
      %mul3A_16 = arith.muli %while3A_14, %mul3A_15 : i32
      %add3A_17 = arith.addi %add3A, %mul3A_16 : i32
      %mul3A_18 = arith.constant 1024 : i32
      %mul3A_19 = arith.muli %add3A_17, %mul3A_18 : i32
      %multiple_of3A = tpu.assume_multiple %mul3A_19, 1024 : i32
      "tpu.region"() ({
        %run_scoped3A = tpu.sem_alloc : memref<!tpu.dma_semaphore, #tpu.memory_space<semaphore_mem>>
        %dma_start3A = tpu.memref_slice %arg4[%multiple_of3A] : memref<200704xi32, #tpu.memory_space<hbm>> -> memref<1024xi32, #tpu.memory_space<hbm>>
        %dma_start3A_592 = tpu.memref_slice %arg4[%multiple_of3A] : memref<200704xi32, #tpu.memory_space<hbm>> -> memref<1024xi32, #tpu.memory_space<hbm>>
        tpu.enqueue_dma source(%dma_start3A_592 : memref<1024xi32, #tpu.memory_space<hbm>>) target(%arg8 : memref<1024xi32, #tpu.memory_space<vmem>>) target_semaphore(%run_scoped3A : memref<!tpu.dma_semaphore, #tpu.memory_space<semaphore_mem>>)
        %dma_wait3A = tpu.memref_slice %arg4[%multiple_of3A] : memref<200704xi32, #tpu.memory_space<hbm>> -> memref<1024xi32, #tpu.memory_space<hbm>>
        %dma_wait3A_593 = tpu.memref_slice %arg4[%multiple_of3A] : memref<200704xi32, #tpu.memory_space<hbm>> -> memref<1024xi32, #tpu.memory_space<hbm>>
        tpu.wait_dma2 semaphore(%run_scoped3A : memref<!tpu.dma_semaphore, #tpu.memory_space<semaphore_mem>>) src(%dma_wait3A_593 : memref<1024xi32, #tpu.memory_space<hbm>>) dst(%arg8 : memref<1024xi32, #tpu.memory_space<vmem>>)
        tpu.yield
      }) : () -> ()
      "tpu.region"() ({
        %run_scoped3A = tpu.sem_alloc : memref<!tpu.dma_semaphore, #tpu.memory_space<semaphore_mem>>
        %dma_start3A = arith.constant 0 : i32
        %dma_start3A_592 = tpu.memref_slice %arg2[%dma_start3A, %multiple_of3A] : memref<80x200000xf32, #tpu.memory_space<hbm>> -> memref<80x1024xf32, #tpu.memory_space<hbm>>
        %dma_start3A_593 = arith.constant 0 : i32
        %dma_start3A_594 = tpu.memref_slice %arg2[%dma_start3A_593, %multiple_of3A] : memref<80x200000xf32, #tpu.memory_space<hbm>> -> memref<80x1024xf32, #tpu.memory_space<hbm>>
        tpu.enqueue_dma source(%dma_start3A_594 : memref<80x1024xf32, #tpu.memory_space<hbm>>) target(%arg6 : memref<80x1024xf32, #tpu.memory_space<vmem>>) target_semaphore(%run_scoped3A : memref<!tpu.dma_semaphore, #tpu.memory_space<semaphore_mem>>)
        %dma_wait3A = arith.constant 0 : i32
        %dma_wait3A_595 = tpu.memref_slice %arg2[%dma_wait3A, %multiple_of3A] : memref<80x200000xf32, #tpu.memory_space<hbm>> -> memref<80x1024xf32, #tpu.memory_space<hbm>>
        %dma_wait3A_596 = arith.constant 0 : i32
        %dma_wait3A_597 = tpu.memref_slice %arg2[%dma_wait3A_596, %multiple_of3A] : memref<80x200000xf32, #tpu.memory_space<hbm>> -> memref<80x1024xf32, #tpu.memory_space<hbm>>
        tpu.wait_dma2 semaphore(%run_scoped3A : memref<!tpu.dma_semaphore, #tpu.memory_space<semaphore_mem>>) src(%dma_wait3A_597 : memref<80x1024xf32, #tpu.memory_space<hbm>>) dst(%arg6 : memref<80x1024xf32, #tpu.memory_space<vmem>>)
        tpu.yield
      }) : () -> ()
      %get3A = arith.constant 0 : index
      %get3A_20 = tpu.vector_load %arg8[%get3A] {strides = array<i32>} : memref<1024xi32, #tpu.memory_space<vmem>>, vector<16xi32>,
      %iota3A = tpu.iota {dimensions = array<i32: 0>} : vector<16xi32>
      %add3A_21 = arith.constant 0 : i32
      %add3A_22 = vector.broadcast %add3A_21 : i32 to vector<16xi32>
      %add3A_23 = arith.addi %iota3A, %add3A_22 : vector<16xi32>
      %gather3A = tpu.vector_load_idx %arg6[%get3A_20, %add3A_23] : memref<80x1024xf32, #tpu.memory_space<vmem>>[vector<16xi32>, vector<16xi32>], vector<16xf32>,
      %swap3A = arith.constant 0 : index
      %swap3A_24 = tpu.vector_load %arg9[%swap3A] {strides = array<i32>} : memref<1024xf32, #tpu.memory_space<vmem>>, vector<16xf32>,
      tpu.vector_store %arg9[%swap3A], %gather3A {strides = array<i32>} : memref<1024xf32, #tpu.memory_space<vmem>>, vector<16xf32>,
      %get3A_25 = arith.constant 16 : index
      %get3A_26 = tpu.vector_load %arg8[%get3A_25] {strides = array<i32>} : memref<1024xi32, #tpu.memory_space<vmem>>, vector<16xi32>,
      %iota3A_27 = tpu.iota {dimensions = array<i32: 0>} : vector<16xi32>
      %add3A_28 = arith.constant 16 : i32
      %add3A_29 = vector.broadcast %add3A_28 : i32 to vector<16xi32>
      %add3A_30 = arith.addi %iota3A_27, %add3A_29 : vector<16xi32>
      %gather3A_31 = tpu.vector_load_idx %arg6[%get3A_26, %add3A_30] : memref<80x1024xf32, #tpu.memory_space<vmem>>[vector<16xi32>, vector<16xi32>], vector<16xf32>,
      %swap3A_32 = arith.constant 16 : index
      %swap3A_33 = tpu.vector_load %arg9[%swap3A_32] {strides = array<i32>} : memref<1024xf32, #tpu.memory_space<vmem>>, vector<16xf32>,
      tpu.vector_store %arg9[%swap3A_32], %gather3A_31 {strides = array<i32>} : memref<1024xf32, #tpu.memory_space<vmem>>, vector<16xf32>,
      %get3A_34 = arith.constant 32 : index
      %get3A_35 = tpu.vector_load %arg8[%get3A_34] {strides = array<i32>} : memref<1024xi32, #tpu.memory_space<vmem>>, vector<16xi32>,
      %iota3A_36 = tpu.iota {dimensions = array<i32: 0>} : vector<16xi32>
      %add3A_37 = arith.constant 32 : i32
      %add3A_38 = vector.broadcast %add3A_37 : i32 to vector<16xi32>
      %add3A_39 = arith.addi %iota3A_36, %add3A_38 : vector<16xi32>
      %gather3A_40 = tpu.vector_load_idx %arg6[%get3A_35, %add3A_39] : memref<80x1024xf32, #tpu.memory_space<vmem>>[vector<16xi32>, vector<16xi32>], vector<16xf32>,
      %swap3A_41 = arith.constant 32 : index
      %swap3A_42 = tpu.vector_load %arg9[%swap3A_41] {strides = array<i32>} : memref<1024xf32, #tpu.memory_space<vmem>>, vector<16xf32>,
      tpu.vector_store %arg9[%swap3A_41], %gather3A_40 {strides = array<i32>} : memref<1024xf32, #tpu.memory_space<vmem>>, vector<16xf32>,
      %get3A_43 = arith.constant 48 : index
      %get3A_44 = tpu.vector_load %arg8[%get3A_43] {strides = array<i32>} : memref<1024xi32, #tpu.memory_space<vmem>>, vector<16xi32>,
      %iota3A_45 = tpu.iota {dimensions = array<i32: 0>} : vector<16xi32>
      %add3A_46 = arith.constant 48 : i32
      %add3A_47 = vector.broadcast %add3A_46 : i32 to vector<16xi32>
      %add3A_48 = arith.addi %iota3A_45, %add3A_47 : vector<16xi32>
      %gather3A_49 = tpu.vector_load_idx %arg6[%get3A_44, %add3A_48] : memref<80x1024xf32, #tpu.memory_space<vmem>>[vector<16xi32>, vector<16xi32>], vector<16xf32>,
      %swap3A_50 = arith.constant 48 : index
      %swap3A_51 = tpu.vector_load %arg9[%swap3A_50] {strides = array<i32>} : memref<1024xf32, #tpu.memory_space<vmem>>, vector<16xf32>,
      tpu.vector_store %arg9[%swap3A_50], %gather3A_49 {strides = array<i32>} : memref<1024xf32, #tpu.memory_space<vmem>>, vector<16xf32>,
      %get3A_52 = arith.constant 64 : index
      %get3A_53 = tpu.vector_load %arg8[%get3A_52] {strides = array<i32>} : memref<1024xi32, #tpu.memory_space<vmem>>, vector<16xi32>,
      %iota3A_54 = tpu.iota {dimensions = array<i32: 0>} : vector<16xi32>
      %add3A_55 = arith.constant 64 : i32
      %add3A_56 = vector.broadcast %add3A_55 : i32 to vector<16xi32>
      %add3A_57 = arith.addi %iota3A_54, %add3A_56 : vector<16xi32>
      %gather3A_58 = tpu.vector_load_idx %arg6[%get3A_53, %add3A_57] : memref<80x1024xf32, #tpu.memory_space<vmem>>[vector<16xi32>, vector<16xi32>], vector<16xf32>,
      %swap3A_59 = arith.constant 64 : index
      %swap3A_60 = tpu.vector_load %arg9[%swap3A_59] {strides = array<i32>} : memref<1024xf32, #tpu.memory_space<vmem>>, vector<16xf32>,
      tpu.vector_store %arg9[%swap3A_59], %gather3A_58 {strides = array<i32>} : memref<1024xf32, #tpu.memory_space<vmem>>, vector<16xf32>,
      %get3A_61 = arith.constant 80 : index
      %get3A_62 = tpu.vector_load %arg8[%get3A_61] {strides = array<i32>} : memref<1024xi32, #tpu.memory_space<vmem>>, vector<16xi32>,
      %iota3A_63 = tpu.iota {dimensions = array<i32: 0>} : vector<16xi32>
      %add3A_64 = arith.constant 80 : i32
      %add3A_65 = vector.broadcast %add3A_64 : i32 to vector<16xi32>
      %add3A_66 = arith.addi %iota3A_63, %add3A_65 : vector<16xi32>
      %gather3A_67 = tpu.vector_load_idx %arg6[%get3A_62, %add3A_66] : memref<80x1024xf32, #tpu.memory_space<vmem>>[vector<16xi32>, vector<16xi32>], vector<16xf32>,
      %swap3A_68 = arith.constant 80 : index
      %swap3A_69 = tpu.vector_load %arg9[%swap3A_68] {strides = array<i32>} : memref<1024xf32, #tpu.memory_space<vmem>>, vector<16xf32>,
      tpu.vector_store %arg9[%swap3A_68], %gather3A_67 {strides = array<i32>} : memref<1024xf32, #tpu.memory_space<vmem>>, vector<16xf32>,
      %get3A_70 = arith.constant 96 : index
      %get3A_71 = tpu.vector_load %arg8[%get3A_70] {strides = array<i32>} : memref<1024xi32, #tpu.memory_space<vmem>>, vector<16xi32>,
      %iota3A_72 = tpu.iota {dimensions = array<i32: 0>} : vector<16xi32>
      %add3A_73 = arith.constant 96 : i32
      %add3A_74 = vector.broadcast %add3A_73 : i32 to vector<16xi32>
      %add3A_75 = arith.addi %iota3A_72, %add3A_74 : vector<16xi32>
      %gather3A_76 = tpu.vector_load_idx %arg6[%get3A_71, %add3A_75] : memref<80x1024xf32, #tpu.memory_space<vmem>>[vector<16xi32>, vector<16xi32>], vector<16xf32>,
      %swap3A_77 = arith.constant 96 : index
      %swap3A_78 = tpu.vector_load %arg9[%swap3A_77] {strides = array<i32>} : memref<1024xf32, #tpu.memory_space<vmem>>, vector<16xf32>,
      tpu.vector_store %arg9[%swap3A_77], %gather3A_76 {strides = array<i32>} : memref<1024xf32, #tpu.memory_space<vmem>>, vector<16xf32>,
      %get3A_79 = arith.constant 112 : index
      %get3A_80 = tpu.vector_load %arg8[%get3A_79] {strides = array<i32>} : memref<1024xi32, #tpu.memory_space<vmem>>, vector<16xi32>,
      %iota3A_81 = tpu.iota {dimensions = array<i32: 0>} : vector<16xi32>
      %add3A_82 = arith.constant 112 : i32
      %add3A_83 = vector.broadcast %add3A_82 : i32 to vector<16xi32>
      %add3A_84 = arith.addi %iota3A_81, %add3A_83 : vector<16xi32>
      %gather3A_85 = tpu.vector_load_idx %arg6[%get3A_80, %add3A_84] : memref<80x1024xf32, #tpu.memory_space<vmem>>[vector<16xi32>, vector<16xi32>], vector<16xf32>,
      %swap3A_86 = arith.constant 112 : index
      %swap3A_87 = tpu.vector_load %arg9[%swap3A_86] {strides = array<i32>} : memref<1024xf32, #tpu.memory_space<vmem>>, vector<16xf32>,
      tpu.vector_store %arg9[%swap3A_86], %gather3A_85 {strides = array<i32>} : memref<1024xf32, #tpu.memory_space<vmem>>, vector<16xf32>,
      %get3A_88 = arith.constant 128 : index
      %get3A_89 = tpu.vector_load %arg8[%get3A_88] {strides = array<i32>} : memref<1024xi32, #tpu.memory_space<vmem>>, vector<16xi32>,
      %iota3A_90 = tpu.iota {dimensions = array<i32: 0>} : vector<16xi32>
      %add3A_91 = arith.constant 128 : i32
      %add3A_92 = vector.broadcast %add3A_91 : i32 to vector<16xi32>
      %add3A_93 = arith.addi %iota3A_90, %add3A_92 : vector<16xi32>
      %gather3A_94 = tpu.vector_load_idx %arg6[%get3A_89, %add3A_93] : memref<80x1024xf32, #tpu.memory_space<vmem>>[vector<16xi32>, vector<16xi32>], vector<16xf32>,
      %swap3A_95 = arith.constant 128 : index
      %swap3A_96 = tpu.vector_load %arg9[%swap3A_95] {strides = array<i32>} : memref<1024xf32, #tpu.memory_space<vmem>>, vector<16xf32>,
      tpu.vector_store %arg9[%swap3A_95], %gather3A_94 {strides = array<i32>} : memref<1024xf32, #tpu.memory_space<vmem>>, vector<16xf32>,
      %get3A_97 = arith.constant 144 : index
      %get3A_98 = tpu.vector_load %arg8[%get3A_97] {strides = array<i32>} : memref<1024xi32, #tpu.memory_space<vmem>>, vector<16xi32>,
      %iota3A_99 = tpu.iota {dimensions = array<i32: 0>} : vector<16xi32>
      %add3A_100 = arith.constant 144 : i32
      %add3A_101 = vector.broadcast %add3A_100 : i32 to vector<16xi32>
      %add3A_102 = arith.addi %iota3A_99, %add3A_101 : vector<16xi32>
      %gather3A_103 = tpu.vector_load_idx %arg6[%get3A_98, %add3A_102] : memref<80x1024xf32, #tpu.memory_space<vmem>>[vector<16xi32>, vector<16xi32>], vector<16xf32>,
      %swap3A_104 = arith.constant 144 : index
      %swap3A_105 = tpu.vector_load %arg9[%swap3A_104] {strides = array<i32>} : memref<1024xf32, #tpu.memory_space<vmem>>, vector<16xf32>,
      tpu.vector_store %arg9[%swap3A_104], %gather3A_103 {strides = array<i32>} : memref<1024xf32, #tpu.memory_space<vmem>>, vector<16xf32>,
      %get3A_106 = arith.constant 160 : index
      %get3A_107 = tpu.vector_load %arg8[%get3A_106] {strides = array<i32>} : memref<1024xi32, #tpu.memory_space<vmem>>, vector<16xi32>,
      %iota3A_108 = tpu.iota {dimensions = array<i32: 0>} : vector<16xi32>
      %add3A_109 = arith.constant 160 : i32
      %add3A_110 = vector.broadcast %add3A_109 : i32 to vector<16xi32>
      %add3A_111 = arith.addi %iota3A_108, %add3A_110 : vector<16xi32>
      %gather3A_112 = tpu.vector_load_idx %arg6[%get3A_107, %add3A_111] : memref<80x1024xf32, #tpu.memory_space<vmem>>[vector<16xi32>, vector<16xi32>], vector<16xf32>,
      %swap3A_113 = arith.constant 160 : index
      %swap3A_114 = tpu.vector_load %arg9[%swap3A_113] {strides = array<i32>} : memref<1024xf32, #tpu.memory_space<vmem>>, vector<16xf32>,
      tpu.vector_store %arg9[%swap3A_113], %gather3A_112 {strides = array<i32>} : memref<1024xf32, #tpu.memory_space<vmem>>, vector<16xf32>,
      %get3A_115 = arith.constant 176 : index
      %get3A_116 = tpu.vector_load %arg8[%get3A_115] {strides = array<i32>} : memref<1024xi32, #tpu.memory_space<vmem>>, vector<16xi32>,
      %iota3A_117 = tpu.iota {dimensions = array<i32: 0>} : vector<16xi32>
      %add3A_118 = arith.constant 176 : i32
      %add3A_119 = vector.broadcast %add3A_118 : i32 to vector<16xi32>
      %add3A_120 = arith.addi %iota3A_117, %add3A_119 : vector<16xi32>
      %gather3A_121 = tpu.vector_load_idx %arg6[%get3A_116, %add3A_120] : memref<80x1024xf32, #tpu.memory_space<vmem>>[vector<16xi32>, vector<16xi32>], vector<16xf32>,
      %swap3A_122 = arith.constant 176 : index
      %swap3A_123 = tpu.vector_load %arg9[%swap3A_122] {strides = array<i32>} : memref<1024xf32, #tpu.memory_space<vmem>>, vector<16xf32>,
      tpu.vector_store %arg9[%swap3A_122], %gather3A_121 {strides = array<i32>} : memref<1024xf32, #tpu.memory_space<vmem>>, vector<16xf32>,
      %get3A_124 = arith.constant 192 : index
      %get3A_125 = tpu.vector_load %arg8[%get3A_124] {strides = array<i32>} : memref<1024xi32, #tpu.memory_space<vmem>>, vector<16xi32>,
      %iota3A_126 = tpu.iota {dimensions = array<i32: 0>} : vector<16xi32>
      %add3A_127 = arith.constant 192 : i32
      %add3A_128 = vector.broadcast %add3A_127 : i32 to vector<16xi32>
      %add3A_129 = arith.addi %iota3A_126, %add3A_128 : vector<16xi32>
      %gather3A_130 = tpu.vector_load_idx %arg6[%get3A_125, %add3A_129] : memref<80x1024xf32, #tpu.memory_space<vmem>>[vector<16xi32>, vector<16xi32>], vector<16xf32>,
      %swap3A_131 = arith.constant 192 : index
      %swap3A_132 = tpu.vector_load %arg9[%swap3A_131] {strides = array<i32>} : memref<1024xf32, #tpu.memory_space<vmem>>, vector<16xf32>,
      tpu.vector_store %arg9[%swap3A_131], %gather3A_130 {strides = array<i32>} : memref<1024xf32, #tpu.memory_space<vmem>>, vector<16xf32>,
      %get3A_133 = arith.constant 208 : index
      %get3A_134 = tpu.vector_load %arg8[%get3A_133] {strides = array<i32>} : memref<1024xi32, #tpu.memory_space<vmem>>, vector<16xi32>,
      %iota3A_135 = tpu.iota {dimensions = array<i32: 0>} : vector<16xi32>
      %add3A_136 = arith.constant 208 : i32
      %add3A_137 = vector.broadcast %add3A_136 : i32 to vector<16xi32>
      %add3A_138 = arith.addi %iota3A_135, %add3A_137 : vector<16xi32>
      %gather3A_139 = tpu.vector_load_idx %arg6[%get3A_134, %add3A_138] : memref<80x1024xf32, #tpu.memory_space<vmem>>[vector<16xi32>, vector<16xi32>], vector<16xf32>,
      %swap3A_140 = arith.constant 208 : index
      %swap3A_141 = tpu.vector_load %arg9[%swap3A_140] {strides = array<i32>} : memref<1024xf32, #tpu.memory_space<vmem>>, vector<16xf32>,
      tpu.vector_store %arg9[%swap3A_140], %gather3A_139 {strides = array<i32>} : memref<1024xf32, #tpu.memory_space<vmem>>, vector<16xf32>,
      %get3A_142 = arith.constant 224 : index
      %get3A_143 = tpu.vector_load %arg8[%get3A_142] {strides = array<i32>} : memref<1024xi32, #tpu.memory_space<vmem>>, vector<16xi32>,
      %iota3A_144 = tpu.iota {dimensions = array<i32: 0>} : vector<16xi32>
      %add3A_145 = arith.constant 224 : i32
      %add3A_146 = vector.broadcast %add3A_145 : i32 to vector<16xi32>
      %add3A_147 = arith.addi %iota3A_144, %add3A_146 : vector<16xi32>
      %gather3A_148 = tpu.vector_load_idx %arg6[%get3A_143, %add3A_147] : memref<80x1024xf32, #tpu.memory_space<vmem>>[vector<16xi32>, vector<16xi32>], vector<16xf32>,
      %swap3A_149 = arith.constant 224 : index
      %swap3A_150 = tpu.vector_load %arg9[%swap3A_149] {strides = array<i32>} : memref<1024xf32, #tpu.memory_space<vmem>>, vector<16xf32>,
      tpu.vector_store %arg9[%swap3A_149], %gather3A_148 {strides = array<i32>} : memref<1024xf32, #tpu.memory_space<vmem>>, vector<16xf32>,
      %get3A_151 = arith.constant 240 : index
      %get3A_152 = tpu.vector_load %arg8[%get3A_151] {strides = array<i32>} : memref<1024xi32, #tpu.memory_space<vmem>>, vector<16xi32>,
      %iota3A_153 = tpu.iota {dimensions = array<i32: 0>} : vector<16xi32>
      %add3A_154 = arith.constant 240 : i32
      %add3A_155 = vector.broadcast %add3A_154 : i32 to vector<16xi32>
      %add3A_156 = arith.addi %iota3A_153, %add3A_155 : vector<16xi32>
      %gather3A_157 = tpu.vector_load_idx %arg6[%get3A_152, %add3A_156] : memref<80x1024xf32, #tpu.memory_space<vmem>>[vector<16xi32>, vector<16xi32>], vector<16xf32>,
      %swap3A_158 = arith.constant 240 : index
      %swap3A_159 = tpu.vector_load %arg9[%swap3A_158] {strides = array<i32>} : memref<1024xf32, #tpu.memory_space<vmem>>, vector<16xf32>,
      tpu.vector_store %arg9[%swap3A_158], %gather3A_157 {strides = array<i32>} : memref<1024xf32, #tpu.memory_space<vmem>>, vector<16xf32>,
      %get3A_160 = arith.constant 256 : index
      %get3A_161 = tpu.vector_load %arg8[%get3A_160] {strides = array<i32>} : memref<1024xi32, #tpu.memory_space<vmem>>, vector<16xi32>,
      %iota3A_162 = tpu.iota {dimensions = array<i32: 0>} : vector<16xi32>
      %add3A_163 = arith.constant 256 : i32
      %add3A_164 = vector.broadcast %add3A_163 : i32 to vector<16xi32>
      %add3A_165 = arith.addi %iota3A_162, %add3A_164 : vector<16xi32>
      %gather3A_166 = tpu.vector_load_idx %arg6[%get3A_161, %add3A_165] : memref<80x1024xf32, #tpu.memory_space<vmem>>[vector<16xi32>, vector<16xi32>], vector<16xf32>,
      %swap3A_167 = arith.constant 256 : index
      %swap3A_168 = tpu.vector_load %arg9[%swap3A_167] {strides = array<i32>} : memref<1024xf32, #tpu.memory_space<vmem>>, vector<16xf32>,
      tpu.vector_store %arg9[%swap3A_167], %gather3A_166 {strides = array<i32>} : memref<1024xf32, #tpu.memory_space<vmem>>, vector<16xf32>,
      %get3A_169 = arith.constant 272 : index
      %get3A_170 = tpu.vector_load %arg8[%get3A_169] {strides = array<i32>} : memref<1024xi32, #tpu.memory_space<vmem>>, vector<16xi32>,
      %iota3A_171 = tpu.iota {dimensions = array<i32: 0>} : vector<16xi32>
      %add3A_172 = arith.constant 272 : i32
      %add3A_173 = vector.broadcast %add3A_172 : i32 to vector<16xi32>
      %add3A_174 = arith.addi %iota3A_171, %add3A_173 : vector<16xi32>
      %gather3A_175 = tpu.vector_load_idx %arg6[%get3A_170, %add3A_174] : memref<80x1024xf32, #tpu.memory_space<vmem>>[vector<16xi32>, vector<16xi32>], vector<16xf32>,
      %swap3A_176 = arith.constant 272 : index
      %swap3A_177 = tpu.vector_load %arg9[%swap3A_176] {strides = array<i32>} : memref<1024xf32, #tpu.memory_space<vmem>>, vector<16xf32>,
      tpu.vector_store %arg9[%swap3A_176], %gather3A_175 {strides = array<i32>} : memref<1024xf32, #tpu.memory_space<vmem>>, vector<16xf32>,
      %get3A_178 = arith.constant 288 : index
      %get3A_179 = tpu.vector_load %arg8[%get3A_178] {strides = array<i32>} : memref<1024xi32, #tpu.memory_space<vmem>>, vector<16xi32>,
      %iota3A_180 = tpu.iota {dimensions = array<i32: 0>} : vector<16xi32>
      %add3A_181 = arith.constant 288 : i32
      %add3A_182 = vector.broadcast %add3A_181 : i32 to vector<16xi32>
      %add3A_183 = arith.addi %iota3A_180, %add3A_182 : vector<16xi32>
      %gather3A_184 = tpu.vector_load_idx %arg6[%get3A_179, %add3A_183] : memref<80x1024xf32, #tpu.memory_space<vmem>>[vector<16xi32>, vector<16xi32>], vector<16xf32>,
      %swap3A_185 = arith.constant 288 : index
      %swap3A_186 = tpu.vector_load %arg9[%swap3A_185] {strides = array<i32>} : memref<1024xf32, #tpu.memory_space<vmem>>, vector<16xf32>,
      tpu.vector_store %arg9[%swap3A_185], %gather3A_184 {strides = array<i32>} : memref<1024xf32, #tpu.memory_space<vmem>>, vector<16xf32>,
      %get3A_187 = arith.constant 304 : index
      %get3A_188 = tpu.vector_load %arg8[%get3A_187] {strides = array<i32>} : memref<1024xi32, #tpu.memory_space<vmem>>, vector<16xi32>,
      %iota3A_189 = tpu.iota {dimensions = array<i32: 0>} : vector<16xi32>
      %add3A_190 = arith.constant 304 : i32
      %add3A_191 = vector.broadcast %add3A_190 : i32 to vector<16xi32>
      %add3A_192 = arith.addi %iota3A_189, %add3A_191 : vector<16xi32>
      %gather3A_193 = tpu.vector_load_idx %arg6[%get3A_188, %add3A_192] : memref<80x1024xf32, #tpu.memory_space<vmem>>[vector<16xi32>, vector<16xi32>], vector<16xf32>,
      %swap3A_194 = arith.constant 304 : index
      %swap3A_195 = tpu.vector_load %arg9[%swap3A_194] {strides = array<i32>} : memref<1024xf32, #tpu.memory_space<vmem>>, vector<16xf32>,
      tpu.vector_store %arg9[%swap3A_194], %gather3A_193 {strides = array<i32>} : memref<1024xf32, #tpu.memory_space<vmem>>, vector<16xf32>,
      %get3A_196 = arith.constant 320 : index
      %get3A_197 = tpu.vector_load %arg8[%get3A_196] {strides = array<i32>} : memref<1024xi32, #tpu.memory_space<vmem>>, vector<16xi32>,
      %iota3A_198 = tpu.iota {dimensions = array<i32: 0>} : vector<16xi32>
      %add3A_199 = arith.constant 320 : i32
      %add3A_200 = vector.broadcast %add3A_199 : i32 to vector<16xi32>
      %add3A_201 = arith.addi %iota3A_198, %add3A_200 : vector<16xi32>
      %gather3A_202 = tpu.vector_load_idx %arg6[%get3A_197, %add3A_201] : memref<80x1024xf32, #tpu.memory_space<vmem>>[vector<16xi32>, vector<16xi32>], vector<16xf32>,
      %swap3A_203 = arith.constant 320 : index
      %swap3A_204 = tpu.vector_load %arg9[%swap3A_203] {strides = array<i32>} : memref<1024xf32, #tpu.memory_space<vmem>>, vector<16xf32>,
      tpu.vector_store %arg9[%swap3A_203], %gather3A_202 {strides = array<i32>} : memref<1024xf32, #tpu.memory_space<vmem>>, vector<16xf32>,
      %get3A_205 = arith.constant 336 : index
      %get3A_206 = tpu.vector_load %arg8[%get3A_205] {strides = array<i32>} : memref<1024xi32, #tpu.memory_space<vmem>>, vector<16xi32>,
      %iota3A_207 = tpu.iota {dimensions = array<i32: 0>} : vector<16xi32>
      %add3A_208 = arith.constant 336 : i32
      %add3A_209 = vector.broadcast %add3A_208 : i32 to vector<16xi32>
      %add3A_210 = arith.addi %iota3A_207, %add3A_209 : vector<16xi32>
      %gather3A_211 = tpu.vector_load_idx %arg6[%get3A_206, %add3A_210] : memref<80x1024xf32, #tpu.memory_space<vmem>>[vector<16xi32>, vector<16xi32>], vector<16xf32>,
      %swap3A_212 = arith.constant 336 : index
      %swap3A_213 = tpu.vector_load %arg9[%swap3A_212] {strides = array<i32>} : memref<1024xf32, #tpu.memory_space<vmem>>, vector<16xf32>,
      tpu.vector_store %arg9[%swap3A_212], %gather3A_211 {strides = array<i32>} : memref<1024xf32, #tpu.memory_space<vmem>>, vector<16xf32>,
      %get3A_214 = arith.constant 352 : index
      %get3A_215 = tpu.vector_load %arg8[%get3A_214] {strides = array<i32>} : memref<1024xi32, #tpu.memory_space<vmem>>, vector<16xi32>,
      %iota3A_216 = tpu.iota {dimensions = array<i32: 0>} : vector<16xi32>
      %add3A_217 = arith.constant 352 : i32
      %add3A_218 = vector.broadcast %add3A_217 : i32 to vector<16xi32>
      %add3A_219 = arith.addi %iota3A_216, %add3A_218 : vector<16xi32>
      %gather3A_220 = tpu.vector_load_idx %arg6[%get3A_215, %add3A_219] : memref<80x1024xf32, #tpu.memory_space<vmem>>[vector<16xi32>, vector<16xi32>], vector<16xf32>,
      %swap3A_221 = arith.constant 352 : index
      %swap3A_222 = tpu.vector_load %arg9[%swap3A_221] {strides = array<i32>} : memref<1024xf32, #tpu.memory_space<vmem>>, vector<16xf32>,
      tpu.vector_store %arg9[%swap3A_221], %gather3A_220 {strides = array<i32>} : memref<1024xf32, #tpu.memory_space<vmem>>, vector<16xf32>,
      %get3A_223 = arith.constant 368 : index
      %get3A_224 = tpu.vector_load %arg8[%get3A_223] {strides = array<i32>} : memref<1024xi32, #tpu.memory_space<vmem>>, vector<16xi32>,
      %iota3A_225 = tpu.iota {dimensions = array<i32: 0>} : vector<16xi32>
      %add3A_226 = arith.constant 368 : i32
      %add3A_227 = vector.broadcast %add3A_226 : i32 to vector<16xi32>
      %add3A_228 = arith.addi %iota3A_225, %add3A_227 : vector<16xi32>
      %gather3A_229 = tpu.vector_load_idx %arg6[%get3A_224, %add3A_228] : memref<80x1024xf32, #tpu.memory_space<vmem>>[vector<16xi32>, vector<16xi32>], vector<16xf32>,
      %swap3A_230 = arith.constant 368 : index
      %swap3A_231 = tpu.vector_load %arg9[%swap3A_230] {strides = array<i32>} : memref<1024xf32, #tpu.memory_space<vmem>>, vector<16xf32>,
      tpu.vector_store %arg9[%swap3A_230], %gather3A_229 {strides = array<i32>} : memref<1024xf32, #tpu.memory_space<vmem>>, vector<16xf32>,
      %get3A_232 = arith.constant 384 : index
      %get3A_233 = tpu.vector_load %arg8[%get3A_232] {strides = array<i32>} : memref<1024xi32, #tpu.memory_space<vmem>>, vector<16xi32>,
      %iota3A_234 = tpu.iota {dimensions = array<i32: 0>} : vector<16xi32>
      %add3A_235 = arith.constant 384 : i32
      %add3A_236 = vector.broadcast %add3A_235 : i32 to vector<16xi32>
      %add3A_237 = arith.addi %iota3A_234, %add3A_236 : vector<16xi32>
      %gather3A_238 = tpu.vector_load_idx %arg6[%get3A_233, %add3A_237] : memref<80x1024xf32, #tpu.memory_space<vmem>>[vector<16xi32>, vector<16xi32>], vector<16xf32>,
      %swap3A_239 = arith.constant 384 : index
      %swap3A_240 = tpu.vector_load %arg9[%swap3A_239] {strides = array<i32>} : memref<1024xf32, #tpu.memory_space<vmem>>, vector<16xf32>,
      tpu.vector_store %arg9[%swap3A_239], %gather3A_238 {strides = array<i32>} : memref<1024xf32, #tpu.memory_space<vmem>>, vector<16xf32>,
      %get3A_241 = arith.constant 400 : index
      %get3A_242 = tpu.vector_load %arg8[%get3A_241] {strides = array<i32>} : memref<1024xi32, #tpu.memory_space<vmem>>, vector<16xi32>,
      %iota3A_243 = tpu.iota {dimensions = array<i32: 0>} : vector<16xi32>
      %add3A_244 = arith.constant 400 : i32
      %add3A_245 = vector.broadcast %add3A_244 : i32 to vector<16xi32>
      %add3A_246 = arith.addi %iota3A_243, %add3A_245 : vector<16xi32>
      %gather3A_247 = tpu.vector_load_idx %arg6[%get3A_242, %add3A_246] : memref<80x1024xf32, #tpu.memory_space<vmem>>[vector<16xi32>, vector<16xi32>], vector<16xf32>,
      %swap3A_248 = arith.constant 400 : index
      %swap3A_249 = tpu.vector_load %arg9[%swap3A_248] {strides = array<i32>} : memref<1024xf32, #tpu.memory_space<vmem>>, vector<16xf32>,
      tpu.vector_store %arg9[%swap3A_248], %gather3A_247 {strides = array<i32>} : memref<1024xf32, #tpu.memory_space<vmem>>, vector<16xf32>,
      %get3A_250 = arith.constant 416 : index
      %get3A_251 = tpu.vector_load %arg8[%get3A_250] {strides = array<i32>} : memref<1024xi32, #tpu.memory_space<vmem>>, vector<16xi32>,
      %iota3A_252 = tpu.iota {dimensions = array<i32: 0>} : vector<16xi32>
      %add3A_253 = arith.constant 416 : i32
      %add3A_254 = vector.broadcast %add3A_253 : i32 to vector<16xi32>
      %add3A_255 = arith.addi %iota3A_252, %add3A_254 : vector<16xi32>
      %gather3A_256 = tpu.vector_load_idx %arg6[%get3A_251, %add3A_255] : memref<80x1024xf32, #tpu.memory_space<vmem>>[vector<16xi32>, vector<16xi32>], vector<16xf32>,
      %swap3A_257 = arith.constant 416 : index
      %swap3A_258 = tpu.vector_load %arg9[%swap3A_257] {strides = array<i32>} : memref<1024xf32, #tpu.memory_space<vmem>>, vector<16xf32>,
      tpu.vector_store %arg9[%swap3A_257], %gather3A_256 {strides = array<i32>} : memref<1024xf32, #tpu.memory_space<vmem>>, vector<16xf32>,
      %get3A_259 = arith.constant 432 : index
      %get3A_260 = tpu.vector_load %arg8[%get3A_259] {strides = array<i32>} : memref<1024xi32, #tpu.memory_space<vmem>>, vector<16xi32>,
      %iota3A_261 = tpu.iota {dimensions = array<i32: 0>} : vector<16xi32>
      %add3A_262 = arith.constant 432 : i32
      %add3A_263 = vector.broadcast %add3A_262 : i32 to vector<16xi32>
      %add3A_264 = arith.addi %iota3A_261, %add3A_263 : vector<16xi32>
      %gather3A_265 = tpu.vector_load_idx %arg6[%get3A_260, %add3A_264] : memref<80x1024xf32, #tpu.memory_space<vmem>>[vector<16xi32>, vector<16xi32>], vector<16xf32>,
      %swap3A_266 = arith.constant 432 : index
      %swap3A_267 = tpu.vector_load %arg9[%swap3A_266] {strides = array<i32>} : memref<1024xf32, #tpu.memory_space<vmem>>, vector<16xf32>,
      tpu.vector_store %arg9[%swap3A_266], %gather3A_265 {strides = array<i32>} : memref<1024xf32, #tpu.memory_space<vmem>>, vector<16xf32>,
      %get3A_268 = arith.constant 448 : index
      %get3A_269 = tpu.vector_load %arg8[%get3A_268] {strides = array<i32>} : memref<1024xi32, #tpu.memory_space<vmem>>, vector<16xi32>,
      %iota3A_270 = tpu.iota {dimensions = array<i32: 0>} : vector<16xi32>
      %add3A_271 = arith.constant 448 : i32
      %add3A_272 = vector.broadcast %add3A_271 : i32 to vector<16xi32>
      %add3A_273 = arith.addi %iota3A_270, %add3A_272 : vector<16xi32>
      %gather3A_274 = tpu.vector_load_idx %arg6[%get3A_269, %add3A_273] : memref<80x1024xf32, #tpu.memory_space<vmem>>[vector<16xi32>, vector<16xi32>], vector<16xf32>,
      %swap3A_275 = arith.constant 448 : index
      %swap3A_276 = tpu.vector_load %arg9[%swap3A_275] {strides = array<i32>} : memref<1024xf32, #tpu.memory_space<vmem>>, vector<16xf32>,
      tpu.vector_store %arg9[%swap3A_275], %gather3A_274 {strides = array<i32>} : memref<1024xf32, #tpu.memory_space<vmem>>, vector<16xf32>,
      %get3A_277 = arith.constant 464 : index
      %get3A_278 = tpu.vector_load %arg8[%get3A_277] {strides = array<i32>} : memref<1024xi32, #tpu.memory_space<vmem>>, vector<16xi32>,
      %iota3A_279 = tpu.iota {dimensions = array<i32: 0>} : vector<16xi32>
      %add3A_280 = arith.constant 464 : i32
      %add3A_281 = vector.broadcast %add3A_280 : i32 to vector<16xi32>
      %add3A_282 = arith.addi %iota3A_279, %add3A_281 : vector<16xi32>
      %gather3A_283 = tpu.vector_load_idx %arg6[%get3A_278, %add3A_282] : memref<80x1024xf32, #tpu.memory_space<vmem>>[vector<16xi32>, vector<16xi32>], vector<16xf32>,
      %swap3A_284 = arith.constant 464 : index
      %swap3A_285 = tpu.vector_load %arg9[%swap3A_284] {strides = array<i32>} : memref<1024xf32, #tpu.memory_space<vmem>>, vector<16xf32>,
      tpu.vector_store %arg9[%swap3A_284], %gather3A_283 {strides = array<i32>} : memref<1024xf32, #tpu.memory_space<vmem>>, vector<16xf32>,
      %get3A_286 = arith.constant 480 : index
      %get3A_287 = tpu.vector_load %arg8[%get3A_286] {strides = array<i32>} : memref<1024xi32, #tpu.memory_space<vmem>>, vector<16xi32>,
      %iota3A_288 = tpu.iota {dimensions = array<i32: 0>} : vector<16xi32>
      %add3A_289 = arith.constant 480 : i32
      %add3A_290 = vector.broadcast %add3A_289 : i32 to vector<16xi32>
      %add3A_291 = arith.addi %iota3A_288, %add3A_290 : vector<16xi32>
      %gather3A_292 = tpu.vector_load_idx %arg6[%get3A_287, %add3A_291] : memref<80x1024xf32, #tpu.memory_space<vmem>>[vector<16xi32>, vector<16xi32>], vector<16xf32>,
      %swap3A_293 = arith.constant 480 : index
      %swap3A_294 = tpu.vector_load %arg9[%swap3A_293] {strides = array<i32>} : memref<1024xf32, #tpu.memory_space<vmem>>, vector<16xf32>,
      tpu.vector_store %arg9[%swap3A_293], %gather3A_292 {strides = array<i32>} : memref<1024xf32, #tpu.memory_space<vmem>>, vector<16xf32>,
      %get3A_295 = arith.constant 496 : index
      %get3A_296 = tpu.vector_load %arg8[%get3A_295] {strides = array<i32>} : memref<1024xi32, #tpu.memory_space<vmem>>, vector<16xi32>,
      %iota3A_297 = tpu.iota {dimensions = array<i32: 0>} : vector<16xi32>
      %add3A_298 = arith.constant 496 : i32
      %add3A_299 = vector.broadcast %add3A_298 : i32 to vector<16xi32>
      %add3A_300 = arith.addi %iota3A_297, %add3A_299 : vector<16xi32>
      %gather3A_301 = tpu.vector_load_idx %arg6[%get3A_296, %add3A_300] : memref<80x1024xf32, #tpu.memory_space<vmem>>[vector<16xi32>, vector<16xi32>], vector<16xf32>,
      %swap3A_302 = arith.constant 496 : index
      %swap3A_303 = tpu.vector_load %arg9[%swap3A_302] {strides = array<i32>} : memref<1024xf32, #tpu.memory_space<vmem>>, vector<16xf32>,
      tpu.vector_store %arg9[%swap3A_302], %gather3A_301 {strides = array<i32>} : memref<1024xf32, #tpu.memory_space<vmem>>, vector<16xf32>,
      %get3A_304 = arith.constant 512 : index
      %get3A_305 = tpu.vector_load %arg8[%get3A_304] {strides = array<i32>} : memref<1024xi32, #tpu.memory_space<vmem>>, vector<16xi32>,
      %iota3A_306 = tpu.iota {dimensions = array<i32: 0>} : vector<16xi32>
      %add3A_307 = arith.constant 512 : i32
      %add3A_308 = vector.broadcast %add3A_307 : i32 to vector<16xi32>
      %add3A_309 = arith.addi %iota3A_306, %add3A_308 : vector<16xi32>
      %gather3A_310 = tpu.vector_load_idx %arg6[%get3A_305, %add3A_309] : memref<80x1024xf32, #tpu.memory_space<vmem>>[vector<16xi32>, vector<16xi32>], vector<16xf32>,
      %swap3A_311 = arith.constant 512 : index
      %swap3A_312 = tpu.vector_load %arg9[%swap3A_311] {strides = array<i32>} : memref<1024xf32, #tpu.memory_space<vmem>>, vector<16xf32>,
      tpu.vector_store %arg9[%swap3A_311], %gather3A_310 {strides = array<i32>} : memref<1024xf32, #tpu.memory_space<vmem>>, vector<16xf32>,
      %get3A_313 = arith.constant 528 : index
      %get3A_314 = tpu.vector_load %arg8[%get3A_313] {strides = array<i32>} : memref<1024xi32, #tpu.memory_space<vmem>>, vector<16xi32>,
      %iota3A_315 = tpu.iota {dimensions = array<i32: 0>} : vector<16xi32>
      %add3A_316 = arith.constant 528 : i32
      %add3A_317 = vector.broadcast %add3A_316 : i32 to vector<16xi32>
      %add3A_318 = arith.addi %iota3A_315, %add3A_317 : vector<16xi32>
      %gather3A_319 = tpu.vector_load_idx %arg6[%get3A_314, %add3A_318] : memref<80x1024xf32, #tpu.memory_space<vmem>>[vector<16xi32>, vector<16xi32>], vector<16xf32>,
      %swap3A_320 = arith.constant 528 : index
      %swap3A_321 = tpu.vector_load %arg9[%swap3A_320] {strides = array<i32>} : memref<1024xf32, #tpu.memory_space<vmem>>, vector<16xf32>,
      tpu.vector_store %arg9[%swap3A_320], %gather3A_319 {strides = array<i32>} : memref<1024xf32, #tpu.memory_space<vmem>>, vector<16xf32>,
      %get3A_322 = arith.constant 544 : index
      %get3A_323 = tpu.vector_load %arg8[%get3A_322] {strides = array<i32>} : memref<1024xi32, #tpu.memory_space<vmem>>, vector<16xi32>,
      %iota3A_324 = tpu.iota {dimensions = array<i32: 0>} : vector<16xi32>
      %add3A_325 = arith.constant 544 : i32
      %add3A_326 = vector.broadcast %add3A_325 : i32 to vector<16xi32>
      %add3A_327 = arith.addi %iota3A_324, %add3A_326 : vector<16xi32>
      %gather3A_328 = tpu.vector_load_idx %arg6[%get3A_323, %add3A_327] : memref<80x1024xf32, #tpu.memory_space<vmem>>[vector<16xi32>, vector<16xi32>], vector<16xf32>,
      %swap3A_329 = arith.constant 544 : index
      %swap3A_330 = tpu.vector_load %arg9[%swap3A_329] {strides = array<i32>} : memref<1024xf32, #tpu.memory_space<vmem>>, vector<16xf32>,
      tpu.vector_store %arg9[%swap3A_329], %gather3A_328 {strides = array<i32>} : memref<1024xf32, #tpu.memory_space<vmem>>, vector<16xf32>,
      %get3A_331 = arith.constant 560 : index
      %get3A_332 = tpu.vector_load %arg8[%get3A_331] {strides = array<i32>} : memref<1024xi32, #tpu.memory_space<vmem>>, vector<16xi32>,
      %iota3A_333 = tpu.iota {dimensions = array<i32: 0>} : vector<16xi32>
      %add3A_334 = arith.constant 560 : i32
      %add3A_335 = vector.broadcast %add3A_334 : i32 to vector<16xi32>
      %add3A_336 = arith.addi %iota3A_333, %add3A_335 : vector<16xi32>
      %gather3A_337 = tpu.vector_load_idx %arg6[%get3A_332, %add3A_336] : memref<80x1024xf32, #tpu.memory_space<vmem>>[vector<16xi32>, vector<16xi32>], vector<16xf32>,
      %swap3A_338 = arith.constant 560 : index
      %swap3A_339 = tpu.vector_load %arg9[%swap3A_338] {strides = array<i32>} : memref<1024xf32, #tpu.memory_space<vmem>>, vector<16xf32>,
      tpu.vector_store %arg9[%swap3A_338], %gather3A_337 {strides = array<i32>} : memref<1024xf32, #tpu.memory_space<vmem>>, vector<16xf32>,
      %get3A_340 = arith.constant 576 : index
      %get3A_341 = tpu.vector_load %arg8[%get3A_340] {strides = array<i32>} : memref<1024xi32, #tpu.memory_space<vmem>>, vector<16xi32>,
      %iota3A_342 = tpu.iota {dimensions = array<i32: 0>} : vector<16xi32>
      %add3A_343 = arith.constant 576 : i32
      %add3A_344 = vector.broadcast %add3A_343 : i32 to vector<16xi32>
      %add3A_345 = arith.addi %iota3A_342, %add3A_344 : vector<16xi32>
      %gather3A_346 = tpu.vector_load_idx %arg6[%get3A_341, %add3A_345] : memref<80x1024xf32, #tpu.memory_space<vmem>>[vector<16xi32>, vector<16xi32>], vector<16xf32>,
      %swap3A_347 = arith.constant 576 : index
      %swap3A_348 = tpu.vector_load %arg9[%swap3A_347] {strides = array<i32>} : memref<1024xf32, #tpu.memory_space<vmem>>, vector<16xf32>,
      tpu.vector_store %arg9[%swap3A_347], %gather3A_346 {strides = array<i32>} : memref<1024xf32, #tpu.memory_space<vmem>>, vector<16xf32>,
      %get3A_349 = arith.constant 592 : index
      %get3A_350 = tpu.vector_load %arg8[%get3A_349] {strides = array<i32>} : memref<1024xi32, #tpu.memory_space<vmem>>, vector<16xi32>,
      %iota3A_351 = tpu.iota {dimensions = array<i32: 0>} : vector<16xi32>
      %add3A_352 = arith.constant 592 : i32
      %add3A_353 = vector.broadcast %add3A_352 : i32 to vector<16xi32>
      %add3A_354 = arith.addi %iota3A_351, %add3A_353 : vector<16xi32>
      %gather3A_355 = tpu.vector_load_idx %arg6[%get3A_350, %add3A_354] : memref<80x1024xf32, #tpu.memory_space<vmem>>[vector<16xi32>, vector<16xi32>], vector<16xf32>,
      %swap3A_356 = arith.constant 592 : index
      %swap3A_357 = tpu.vector_load %arg9[%swap3A_356] {strides = array<i32>} : memref<1024xf32, #tpu.memory_space<vmem>>, vector<16xf32>,
      tpu.vector_store %arg9[%swap3A_356], %gather3A_355 {strides = array<i32>} : memref<1024xf32, #tpu.memory_space<vmem>>, vector<16xf32>,
      %get3A_358 = arith.constant 608 : index
      %get3A_359 = tpu.vector_load %arg8[%get3A_358] {strides = array<i32>} : memref<1024xi32, #tpu.memory_space<vmem>>, vector<16xi32>,
      %iota3A_360 = tpu.iota {dimensions = array<i32: 0>} : vector<16xi32>
      %add3A_361 = arith.constant 608 : i32
      %add3A_362 = vector.broadcast %add3A_361 : i32 to vector<16xi32>
      %add3A_363 = arith.addi %iota3A_360, %add3A_362 : vector<16xi32>
      %gather3A_364 = tpu.vector_load_idx %arg6[%get3A_359, %add3A_363] : memref<80x1024xf32, #tpu.memory_space<vmem>>[vector<16xi32>, vector<16xi32>], vector<16xf32>,
      %swap3A_365 = arith.constant 608 : index
      %swap3A_366 = tpu.vector_load %arg9[%swap3A_365] {strides = array<i32>} : memref<1024xf32, #tpu.memory_space<vmem>>, vector<16xf32>,
      tpu.vector_store %arg9[%swap3A_365], %gather3A_364 {strides = array<i32>} : memref<1024xf32, #tpu.memory_space<vmem>>, vector<16xf32>,
      %get3A_367 = arith.constant 624 : index
      %get3A_368 = tpu.vector_load %arg8[%get3A_367] {strides = array<i32>} : memref<1024xi32, #tpu.memory_space<vmem>>, vector<16xi32>,
      %iota3A_369 = tpu.iota {dimensions = array<i32: 0>} : vector<16xi32>
      %add3A_370 = arith.constant 624 : i32
      %add3A_371 = vector.broadcast %add3A_370 : i32 to vector<16xi32>
      %add3A_372 = arith.addi %iota3A_369, %add3A_371 : vector<16xi32>
      %gather3A_373 = tpu.vector_load_idx %arg6[%get3A_368, %add3A_372] : memref<80x1024xf32, #tpu.memory_space<vmem>>[vector<16xi32>, vector<16xi32>], vector<16xf32>,
      %swap3A_374 = arith.constant 624 : index
      %swap3A_375 = tpu.vector_load %arg9[%swap3A_374] {strides = array<i32>} : memref<1024xf32, #tpu.memory_space<vmem>>, vector<16xf32>,
      tpu.vector_store %arg9[%swap3A_374], %gather3A_373 {strides = array<i32>} : memref<1024xf32, #tpu.memory_space<vmem>>, vector<16xf32>,
      %get3A_376 = arith.constant 640 : index
      %get3A_377 = tpu.vector_load %arg8[%get3A_376] {strides = array<i32>} : memref<1024xi32, #tpu.memory_space<vmem>>, vector<16xi32>,
      %iota3A_378 = tpu.iota {dimensions = array<i32: 0>} : vector<16xi32>
      %add3A_379 = arith.constant 640 : i32
      %add3A_380 = vector.broadcast %add3A_379 : i32 to vector<16xi32>
      %add3A_381 = arith.addi %iota3A_378, %add3A_380 : vector<16xi32>
      %gather3A_382 = tpu.vector_load_idx %arg6[%get3A_377, %add3A_381] : memref<80x1024xf32, #tpu.memory_space<vmem>>[vector<16xi32>, vector<16xi32>], vector<16xf32>,
      %swap3A_383 = arith.constant 640 : index
      %swap3A_384 = tpu.vector_load %arg9[%swap3A_383] {strides = array<i32>} : memref<1024xf32, #tpu.memory_space<vmem>>, vector<16xf32>,
      tpu.vector_store %arg9[%swap3A_383], %gather3A_382 {strides = array<i32>} : memref<1024xf32, #tpu.memory_space<vmem>>, vector<16xf32>,
      %get3A_385 = arith.constant 656 : index
      %get3A_386 = tpu.vector_load %arg8[%get3A_385] {strides = array<i32>} : memref<1024xi32, #tpu.memory_space<vmem>>, vector<16xi32>,
      %iota3A_387 = tpu.iota {dimensions = array<i32: 0>} : vector<16xi32>
      %add3A_388 = arith.constant 656 : i32
      %add3A_389 = vector.broadcast %add3A_388 : i32 to vector<16xi32>
      %add3A_390 = arith.addi %iota3A_387, %add3A_389 : vector<16xi32>
      %gather3A_391 = tpu.vector_load_idx %arg6[%get3A_386, %add3A_390] : memref<80x1024xf32, #tpu.memory_space<vmem>>[vector<16xi32>, vector<16xi32>], vector<16xf32>,
      %swap3A_392 = arith.constant 656 : index
      %swap3A_393 = tpu.vector_load %arg9[%swap3A_392] {strides = array<i32>} : memref<1024xf32, #tpu.memory_space<vmem>>, vector<16xf32>,
      tpu.vector_store %arg9[%swap3A_392], %gather3A_391 {strides = array<i32>} : memref<1024xf32, #tpu.memory_space<vmem>>, vector<16xf32>,
      %get3A_394 = arith.constant 672 : index
      %get3A_395 = tpu.vector_load %arg8[%get3A_394] {strides = array<i32>} : memref<1024xi32, #tpu.memory_space<vmem>>, vector<16xi32>,
      %iota3A_396 = tpu.iota {dimensions = array<i32: 0>} : vector<16xi32>
      %add3A_397 = arith.constant 672 : i32
      %add3A_398 = vector.broadcast %add3A_397 : i32 to vector<16xi32>
      %add3A_399 = arith.addi %iota3A_396, %add3A_398 : vector<16xi32>
      %gather3A_400 = tpu.vector_load_idx %arg6[%get3A_395, %add3A_399] : memref<80x1024xf32, #tpu.memory_space<vmem>>[vector<16xi32>, vector<16xi32>], vector<16xf32>,
      %swap3A_401 = arith.constant 672 : index
      %swap3A_402 = tpu.vector_load %arg9[%swap3A_401] {strides = array<i32>} : memref<1024xf32, #tpu.memory_space<vmem>>, vector<16xf32>,
      tpu.vector_store %arg9[%swap3A_401], %gather3A_400 {strides = array<i32>} : memref<1024xf32, #tpu.memory_space<vmem>>, vector<16xf32>,
      %get3A_403 = arith.constant 688 : index
      %get3A_404 = tpu.vector_load %arg8[%get3A_403] {strides = array<i32>} : memref<1024xi32, #tpu.memory_space<vmem>>, vector<16xi32>,
      %iota3A_405 = tpu.iota {dimensions = array<i32: 0>} : vector<16xi32>
      %add3A_406 = arith.constant 688 : i32
      %add3A_407 = vector.broadcast %add3A_406 : i32 to vector<16xi32>
      %add3A_408 = arith.addi %iota3A_405, %add3A_407 : vector<16xi32>
      %gather3A_409 = tpu.vector_load_idx %arg6[%get3A_404, %add3A_408] : memref<80x1024xf32, #tpu.memory_space<vmem>>[vector<16xi32>, vector<16xi32>], vector<16xf32>,
      %swap3A_410 = arith.constant 688 : index
      %swap3A_411 = tpu.vector_load %arg9[%swap3A_410] {strides = array<i32>} : memref<1024xf32, #tpu.memory_space<vmem>>, vector<16xf32>,
      tpu.vector_store %arg9[%swap3A_410], %gather3A_409 {strides = array<i32>} : memref<1024xf32, #tpu.memory_space<vmem>>, vector<16xf32>,
      %get3A_412 = arith.constant 704 : index
      %get3A_413 = tpu.vector_load %arg8[%get3A_412] {strides = array<i32>} : memref<1024xi32, #tpu.memory_space<vmem>>, vector<16xi32>,
      %iota3A_414 = tpu.iota {dimensions = array<i32: 0>} : vector<16xi32>
      %add3A_415 = arith.constant 704 : i32
      %add3A_416 = vector.broadcast %add3A_415 : i32 to vector<16xi32>
      %add3A_417 = arith.addi %iota3A_414, %add3A_416 : vector<16xi32>
      %gather3A_418 = tpu.vector_load_idx %arg6[%get3A_413, %add3A_417] : memref<80x1024xf32, #tpu.memory_space<vmem>>[vector<16xi32>, vector<16xi32>], vector<16xf32>,
      %swap3A_419 = arith.constant 704 : index
      %swap3A_420 = tpu.vector_load %arg9[%swap3A_419] {strides = array<i32>} : memref<1024xf32, #tpu.memory_space<vmem>>, vector<16xf32>,
      tpu.vector_store %arg9[%swap3A_419], %gather3A_418 {strides = array<i32>} : memref<1024xf32, #tpu.memory_space<vmem>>, vector<16xf32>,
      %get3A_421 = arith.constant 720 : index
      %get3A_422 = tpu.vector_load %arg8[%get3A_421] {strides = array<i32>} : memref<1024xi32, #tpu.memory_space<vmem>>, vector<16xi32>,
      %iota3A_423 = tpu.iota {dimensions = array<i32: 0>} : vector<16xi32>
      %add3A_424 = arith.constant 720 : i32
      %add3A_425 = vector.broadcast %add3A_424 : i32 to vector<16xi32>
      %add3A_426 = arith.addi %iota3A_423, %add3A_425 : vector<16xi32>
      %gather3A_427 = tpu.vector_load_idx %arg6[%get3A_422, %add3A_426] : memref<80x1024xf32, #tpu.memory_space<vmem>>[vector<16xi32>, vector<16xi32>], vector<16xf32>,
      %swap3A_428 = arith.constant 720 : index
      %swap3A_429 = tpu.vector_load %arg9[%swap3A_428] {strides = array<i32>} : memref<1024xf32, #tpu.memory_space<vmem>>, vector<16xf32>,
      tpu.vector_store %arg9[%swap3A_428], %gather3A_427 {strides = array<i32>} : memref<1024xf32, #tpu.memory_space<vmem>>, vector<16xf32>,
      %get3A_430 = arith.constant 736 : index
      %get3A_431 = tpu.vector_load %arg8[%get3A_430] {strides = array<i32>} : memref<1024xi32, #tpu.memory_space<vmem>>, vector<16xi32>,
      %iota3A_432 = tpu.iota {dimensions = array<i32: 0>} : vector<16xi32>
      %add3A_433 = arith.constant 736 : i32
      %add3A_434 = vector.broadcast %add3A_433 : i32 to vector<16xi32>
      %add3A_435 = arith.addi %iota3A_432, %add3A_434 : vector<16xi32>
      %gather3A_436 = tpu.vector_load_idx %arg6[%get3A_431, %add3A_435] : memref<80x1024xf32, #tpu.memory_space<vmem>>[vector<16xi32>, vector<16xi32>], vector<16xf32>,
      %swap3A_437 = arith.constant 736 : index
      %swap3A_438 = tpu.vector_load %arg9[%swap3A_437] {strides = array<i32>} : memref<1024xf32, #tpu.memory_space<vmem>>, vector<16xf32>,
      tpu.vector_store %arg9[%swap3A_437], %gather3A_436 {strides = array<i32>} : memref<1024xf32, #tpu.memory_space<vmem>>, vector<16xf32>,
      %get3A_439 = arith.constant 752 : index
      %get3A_440 = tpu.vector_load %arg8[%get3A_439] {strides = array<i32>} : memref<1024xi32, #tpu.memory_space<vmem>>, vector<16xi32>,
      %iota3A_441 = tpu.iota {dimensions = array<i32: 0>} : vector<16xi32>
      %add3A_442 = arith.constant 752 : i32
      %add3A_443 = vector.broadcast %add3A_442 : i32 to vector<16xi32>
      %add3A_444 = arith.addi %iota3A_441, %add3A_443 : vector<16xi32>
      %gather3A_445 = tpu.vector_load_idx %arg6[%get3A_440, %add3A_444] : memref<80x1024xf32, #tpu.memory_space<vmem>>[vector<16xi32>, vector<16xi32>], vector<16xf32>,
      %swap3A_446 = arith.constant 752 : index
      %swap3A_447 = tpu.vector_load %arg9[%swap3A_446] {strides = array<i32>} : memref<1024xf32, #tpu.memory_space<vmem>>, vector<16xf32>,
      tpu.vector_store %arg9[%swap3A_446], %gather3A_445 {strides = array<i32>} : memref<1024xf32, #tpu.memory_space<vmem>>, vector<16xf32>,
      %get3A_448 = arith.constant 768 : index
      %get3A_449 = tpu.vector_load %arg8[%get3A_448] {strides = array<i32>} : memref<1024xi32, #tpu.memory_space<vmem>>, vector<16xi32>,
      %iota3A_450 = tpu.iota {dimensions = array<i32: 0>} : vector<16xi32>
      %add3A_451 = arith.constant 768 : i32
      %add3A_452 = vector.broadcast %add3A_451 : i32 to vector<16xi32>
      %add3A_453 = arith.addi %iota3A_450, %add3A_452 : vector<16xi32>
      %gather3A_454 = tpu.vector_load_idx %arg6[%get3A_449, %add3A_453] : memref<80x1024xf32, #tpu.memory_space<vmem>>[vector<16xi32>, vector<16xi32>], vector<16xf32>,
      %swap3A_455 = arith.constant 768 : index
      %swap3A_456 = tpu.vector_load %arg9[%swap3A_455] {strides = array<i32>} : memref<1024xf32, #tpu.memory_space<vmem>>, vector<16xf32>,
      tpu.vector_store %arg9[%swap3A_455], %gather3A_454 {strides = array<i32>} : memref<1024xf32, #tpu.memory_space<vmem>>, vector<16xf32>,
      %get3A_457 = arith.constant 784 : index
      %get3A_458 = tpu.vector_load %arg8[%get3A_457] {strides = array<i32>} : memref<1024xi32, #tpu.memory_space<vmem>>, vector<16xi32>,
      %iota3A_459 = tpu.iota {dimensions = array<i32: 0>} : vector<16xi32>
      %add3A_460 = arith.constant 784 : i32
      %add3A_461 = vector.broadcast %add3A_460 : i32 to vector<16xi32>
      %add3A_462 = arith.addi %iota3A_459, %add3A_461 : vector<16xi32>
      %gather3A_463 = tpu.vector_load_idx %arg6[%get3A_458, %add3A_462] : memref<80x1024xf32, #tpu.memory_space<vmem>>[vector<16xi32>, vector<16xi32>], vector<16xf32>,
      %swap3A_464 = arith.constant 784 : index
      %swap3A_465 = tpu.vector_load %arg9[%swap3A_464] {strides = array<i32>} : memref<1024xf32, #tpu.memory_space<vmem>>, vector<16xf32>,
      tpu.vector_store %arg9[%swap3A_464], %gather3A_463 {strides = array<i32>} : memref<1024xf32, #tpu.memory_space<vmem>>, vector<16xf32>,
      %get3A_466 = arith.constant 800 : index
      %get3A_467 = tpu.vector_load %arg8[%get3A_466] {strides = array<i32>} : memref<1024xi32, #tpu.memory_space<vmem>>, vector<16xi32>,
      %iota3A_468 = tpu.iota {dimensions = array<i32: 0>} : vector<16xi32>
      %add3A_469 = arith.constant 800 : i32
      %add3A_470 = vector.broadcast %add3A_469 : i32 to vector<16xi32>
      %add3A_471 = arith.addi %iota3A_468, %add3A_470 : vector<16xi32>
      %gather3A_472 = tpu.vector_load_idx %arg6[%get3A_467, %add3A_471] : memref<80x1024xf32, #tpu.memory_space<vmem>>[vector<16xi32>, vector<16xi32>], vector<16xf32>,
      %swap3A_473 = arith.constant 800 : index
      %swap3A_474 = tpu.vector_load %arg9[%swap3A_473] {strides = array<i32>} : memref<1024xf32, #tpu.memory_space<vmem>>, vector<16xf32>,
      tpu.vector_store %arg9[%swap3A_473], %gather3A_472 {strides = array<i32>} : memref<1024xf32, #tpu.memory_space<vmem>>, vector<16xf32>,
      %get3A_475 = arith.constant 816 : index
      %get3A_476 = tpu.vector_load %arg8[%get3A_475] {strides = array<i32>} : memref<1024xi32, #tpu.memory_space<vmem>>, vector<16xi32>,
      %iota3A_477 = tpu.iota {dimensions = array<i32: 0>} : vector<16xi32>
      %add3A_478 = arith.constant 816 : i32
      %add3A_479 = vector.broadcast %add3A_478 : i32 to vector<16xi32>
      %add3A_480 = arith.addi %iota3A_477, %add3A_479 : vector<16xi32>
      %gather3A_481 = tpu.vector_load_idx %arg6[%get3A_476, %add3A_480] : memref<80x1024xf32, #tpu.memory_space<vmem>>[vector<16xi32>, vector<16xi32>], vector<16xf32>,
      %swap3A_482 = arith.constant 816 : index
      %swap3A_483 = tpu.vector_load %arg9[%swap3A_482] {strides = array<i32>} : memref<1024xf32, #tpu.memory_space<vmem>>, vector<16xf32>,
      tpu.vector_store %arg9[%swap3A_482], %gather3A_481 {strides = array<i32>} : memref<1024xf32, #tpu.memory_space<vmem>>, vector<16xf32>,
      %get3A_484 = arith.constant 832 : index
      %get3A_485 = tpu.vector_load %arg8[%get3A_484] {strides = array<i32>} : memref<1024xi32, #tpu.memory_space<vmem>>, vector<16xi32>,
      %iota3A_486 = tpu.iota {dimensions = array<i32: 0>} : vector<16xi32>
      %add3A_487 = arith.constant 832 : i32
      %add3A_488 = vector.broadcast %add3A_487 : i32 to vector<16xi32>
      %add3A_489 = arith.addi %iota3A_486, %add3A_488 : vector<16xi32>
      %gather3A_490 = tpu.vector_load_idx %arg6[%get3A_485, %add3A_489] : memref<80x1024xf32, #tpu.memory_space<vmem>>[vector<16xi32>, vector<16xi32>], vector<16xf32>,
      %swap3A_491 = arith.constant 832 : index
      %swap3A_492 = tpu.vector_load %arg9[%swap3A_491] {strides = array<i32>} : memref<1024xf32, #tpu.memory_space<vmem>>, vector<16xf32>,
      tpu.vector_store %arg9[%swap3A_491], %gather3A_490 {strides = array<i32>} : memref<1024xf32, #tpu.memory_space<vmem>>, vector<16xf32>,
      %get3A_493 = arith.constant 848 : index
      %get3A_494 = tpu.vector_load %arg8[%get3A_493] {strides = array<i32>} : memref<1024xi32, #tpu.memory_space<vmem>>, vector<16xi32>,
      %iota3A_495 = tpu.iota {dimensions = array<i32: 0>} : vector<16xi32>
      %add3A_496 = arith.constant 848 : i32
      %add3A_497 = vector.broadcast %add3A_496 : i32 to vector<16xi32>
      %add3A_498 = arith.addi %iota3A_495, %add3A_497 : vector<16xi32>
      %gather3A_499 = tpu.vector_load_idx %arg6[%get3A_494, %add3A_498] : memref<80x1024xf32, #tpu.memory_space<vmem>>[vector<16xi32>, vector<16xi32>], vector<16xf32>,
      %swap3A_500 = arith.constant 848 : index
      %swap3A_501 = tpu.vector_load %arg9[%swap3A_500] {strides = array<i32>} : memref<1024xf32, #tpu.memory_space<vmem>>, vector<16xf32>,
      tpu.vector_store %arg9[%swap3A_500], %gather3A_499 {strides = array<i32>} : memref<1024xf32, #tpu.memory_space<vmem>>, vector<16xf32>,
      %get3A_502 = arith.constant 864 : index
      %get3A_503 = tpu.vector_load %arg8[%get3A_502] {strides = array<i32>} : memref<1024xi32, #tpu.memory_space<vmem>>, vector<16xi32>,
      %iota3A_504 = tpu.iota {dimensions = array<i32: 0>} : vector<16xi32>
      %add3A_505 = arith.constant 864 : i32
      %add3A_506 = vector.broadcast %add3A_505 : i32 to vector<16xi32>
      %add3A_507 = arith.addi %iota3A_504, %add3A_506 : vector<16xi32>
      %gather3A_508 = tpu.vector_load_idx %arg6[%get3A_503, %add3A_507] : memref<80x1024xf32, #tpu.memory_space<vmem>>[vector<16xi32>, vector<16xi32>], vector<16xf32>,
      %swap3A_509 = arith.constant 864 : index
      %swap3A_510 = tpu.vector_load %arg9[%swap3A_509] {strides = array<i32>} : memref<1024xf32, #tpu.memory_space<vmem>>, vector<16xf32>,
      tpu.vector_store %arg9[%swap3A_509], %gather3A_508 {strides = array<i32>} : memref<1024xf32, #tpu.memory_space<vmem>>, vector<16xf32>,
      %get3A_511 = arith.constant 880 : index
      %get3A_512 = tpu.vector_load %arg8[%get3A_511] {strides = array<i32>} : memref<1024xi32, #tpu.memory_space<vmem>>, vector<16xi32>,
      %iota3A_513 = tpu.iota {dimensions = array<i32: 0>} : vector<16xi32>
      %add3A_514 = arith.constant 880 : i32
      %add3A_515 = vector.broadcast %add3A_514 : i32 to vector<16xi32>
      %add3A_516 = arith.addi %iota3A_513, %add3A_515 : vector<16xi32>
      %gather3A_517 = tpu.vector_load_idx %arg6[%get3A_512, %add3A_516] : memref<80x1024xf32, #tpu.memory_space<vmem>>[vector<16xi32>, vector<16xi32>], vector<16xf32>,
      %swap3A_518 = arith.constant 880 : index
      %swap3A_519 = tpu.vector_load %arg9[%swap3A_518] {strides = array<i32>} : memref<1024xf32, #tpu.memory_space<vmem>>, vector<16xf32>,
      tpu.vector_store %arg9[%swap3A_518], %gather3A_517 {strides = array<i32>} : memref<1024xf32, #tpu.memory_space<vmem>>, vector<16xf32>,
      %get3A_520 = arith.constant 896 : index
      %get3A_521 = tpu.vector_load %arg8[%get3A_520] {strides = array<i32>} : memref<1024xi32, #tpu.memory_space<vmem>>, vector<16xi32>,
      %iota3A_522 = tpu.iota {dimensions = array<i32: 0>} : vector<16xi32>
      %add3A_523 = arith.constant 896 : i32
      %add3A_524 = vector.broadcast %add3A_523 : i32 to vector<16xi32>
      %add3A_525 = arith.addi %iota3A_522, %add3A_524 : vector<16xi32>
      %gather3A_526 = tpu.vector_load_idx %arg6[%get3A_521, %add3A_525] : memref<80x1024xf32, #tpu.memory_space<vmem>>[vector<16xi32>, vector<16xi32>], vector<16xf32>,
      %swap3A_527 = arith.constant 896 : index
      %swap3A_528 = tpu.vector_load %arg9[%swap3A_527] {strides = array<i32>} : memref<1024xf32, #tpu.memory_space<vmem>>, vector<16xf32>,
      tpu.vector_store %arg9[%swap3A_527], %gather3A_526 {strides = array<i32>} : memref<1024xf32, #tpu.memory_space<vmem>>, vector<16xf32>,
      %get3A_529 = arith.constant 912 : index
      %get3A_530 = tpu.vector_load %arg8[%get3A_529] {strides = array<i32>} : memref<1024xi32, #tpu.memory_space<vmem>>, vector<16xi32>,
      %iota3A_531 = tpu.iota {dimensions = array<i32: 0>} : vector<16xi32>
      %add3A_532 = arith.constant 912 : i32
      %add3A_533 = vector.broadcast %add3A_532 : i32 to vector<16xi32>
      %add3A_534 = arith.addi %iota3A_531, %add3A_533 : vector<16xi32>
      %gather3A_535 = tpu.vector_load_idx %arg6[%get3A_530, %add3A_534] : memref<80x1024xf32, #tpu.memory_space<vmem>>[vector<16xi32>, vector<16xi32>], vector<16xf32>,
      %swap3A_536 = arith.constant 912 : index
      %swap3A_537 = tpu.vector_load %arg9[%swap3A_536] {strides = array<i32>} : memref<1024xf32, #tpu.memory_space<vmem>>, vector<16xf32>,
      tpu.vector_store %arg9[%swap3A_536], %gather3A_535 {strides = array<i32>} : memref<1024xf32, #tpu.memory_space<vmem>>, vector<16xf32>,
      %get3A_538 = arith.constant 928 : index
      %get3A_539 = tpu.vector_load %arg8[%get3A_538] {strides = array<i32>} : memref<1024xi32, #tpu.memory_space<vmem>>, vector<16xi32>,
      %iota3A_540 = tpu.iota {dimensions = array<i32: 0>} : vector<16xi32>
      %add3A_541 = arith.constant 928 : i32
      %add3A_542 = vector.broadcast %add3A_541 : i32 to vector<16xi32>
      %add3A_543 = arith.addi %iota3A_540, %add3A_542 : vector<16xi32>
      %gather3A_544 = tpu.vector_load_idx %arg6[%get3A_539, %add3A_543] : memref<80x1024xf32, #tpu.memory_space<vmem>>[vector<16xi32>, vector<16xi32>], vector<16xf32>,
      %swap3A_545 = arith.constant 928 : index
      %swap3A_546 = tpu.vector_load %arg9[%swap3A_545] {strides = array<i32>} : memref<1024xf32, #tpu.memory_space<vmem>>, vector<16xf32>,
      tpu.vector_store %arg9[%swap3A_545], %gather3A_544 {strides = array<i32>} : memref<1024xf32, #tpu.memory_space<vmem>>, vector<16xf32>,
      %get3A_547 = arith.constant 944 : index
      %get3A_548 = tpu.vector_load %arg8[%get3A_547] {strides = array<i32>} : memref<1024xi32, #tpu.memory_space<vmem>>, vector<16xi32>,
      %iota3A_549 = tpu.iota {dimensions = array<i32: 0>} : vector<16xi32>
      %add3A_550 = arith.constant 944 : i32
      %add3A_551 = vector.broadcast %add3A_550 : i32 to vector<16xi32>
      %add3A_552 = arith.addi %iota3A_549, %add3A_551 : vector<16xi32>
      %gather3A_553 = tpu.vector_load_idx %arg6[%get3A_548, %add3A_552] : memref<80x1024xf32, #tpu.memory_space<vmem>>[vector<16xi32>, vector<16xi32>], vector<16xf32>,
      %swap3A_554 = arith.constant 944 : index
      %swap3A_555 = tpu.vector_load %arg9[%swap3A_554] {strides = array<i32>} : memref<1024xf32, #tpu.memory_space<vmem>>, vector<16xf32>,
      tpu.vector_store %arg9[%swap3A_554], %gather3A_553 {strides = array<i32>} : memref<1024xf32, #tpu.memory_space<vmem>>, vector<16xf32>,
      %get3A_556 = arith.constant 960 : index
      %get3A_557 = tpu.vector_load %arg8[%get3A_556] {strides = array<i32>} : memref<1024xi32, #tpu.memory_space<vmem>>, vector<16xi32>,
      %iota3A_558 = tpu.iota {dimensions = array<i32: 0>} : vector<16xi32>
      %add3A_559 = arith.constant 960 : i32
      %add3A_560 = vector.broadcast %add3A_559 : i32 to vector<16xi32>
      %add3A_561 = arith.addi %iota3A_558, %add3A_560 : vector<16xi32>
      %gather3A_562 = tpu.vector_load_idx %arg6[%get3A_557, %add3A_561] : memref<80x1024xf32, #tpu.memory_space<vmem>>[vector<16xi32>, vector<16xi32>], vector<16xf32>,
      %swap3A_563 = arith.constant 960 : index
      %swap3A_564 = tpu.vector_load %arg9[%swap3A_563] {strides = array<i32>} : memref<1024xf32, #tpu.memory_space<vmem>>, vector<16xf32>,
      tpu.vector_store %arg9[%swap3A_563], %gather3A_562 {strides = array<i32>} : memref<1024xf32, #tpu.memory_space<vmem>>, vector<16xf32>,
      %get3A_565 = arith.constant 976 : index
      %get3A_566 = tpu.vector_load %arg8[%get3A_565] {strides = array<i32>} : memref<1024xi32, #tpu.memory_space<vmem>>, vector<16xi32>,
      %iota3A_567 = tpu.iota {dimensions = array<i32: 0>} : vector<16xi32>
      %add3A_568 = arith.constant 976 : i32
      %add3A_569 = vector.broadcast %add3A_568 : i32 to vector<16xi32>
      %add3A_570 = arith.addi %iota3A_567, %add3A_569 : vector<16xi32>
      %gather3A_571 = tpu.vector_load_idx %arg6[%get3A_566, %add3A_570] : memref<80x1024xf32, #tpu.memory_space<vmem>>[vector<16xi32>, vector<16xi32>], vector<16xf32>,
      %swap3A_572 = arith.constant 976 : index
      %swap3A_573 = tpu.vector_load %arg9[%swap3A_572] {strides = array<i32>} : memref<1024xf32, #tpu.memory_space<vmem>>, vector<16xf32>,
      tpu.vector_store %arg9[%swap3A_572], %gather3A_571 {strides = array<i32>} : memref<1024xf32, #tpu.memory_space<vmem>>, vector<16xf32>,
      %get3A_574 = arith.constant 992 : index
      %get3A_575 = tpu.vector_load %arg8[%get3A_574] {strides = array<i32>} : memref<1024xi32, #tpu.memory_space<vmem>>, vector<16xi32>,
      %iota3A_576 = tpu.iota {dimensions = array<i32: 0>} : vector<16xi32>
      %add3A_577 = arith.constant 992 : i32
      %add3A_578 = vector.broadcast %add3A_577 : i32 to vector<16xi32>
      %add3A_579 = arith.addi %iota3A_576, %add3A_578 : vector<16xi32>
      %gather3A_580 = tpu.vector_load_idx %arg6[%get3A_575, %add3A_579] : memref<80x1024xf32, #tpu.memory_space<vmem>>[vector<16xi32>, vector<16xi32>], vector<16xf32>,
      %swap3A_581 = arith.constant 992 : index
      %swap3A_582 = tpu.vector_load %arg9[%swap3A_581] {strides = array<i32>} : memref<1024xf32, #tpu.memory_space<vmem>>, vector<16xf32>,
      tpu.vector_store %arg9[%swap3A_581], %gather3A_580 {strides = array<i32>} : memref<1024xf32, #tpu.memory_space<vmem>>, vector<16xf32>,
      %get3A_583 = arith.constant 1008 : index
      %get3A_584 = tpu.vector_load %arg8[%get3A_583] {strides = array<i32>} : memref<1024xi32, #tpu.memory_space<vmem>>, vector<16xi32>,
      %iota3A_585 = tpu.iota {dimensions = array<i32: 0>} : vector<16xi32>
      %add3A_586 = arith.constant 1008 : i32
      %add3A_587 = vector.broadcast %add3A_586 : i32 to vector<16xi32>
      %add3A_588 = arith.addi %iota3A_585, %add3A_587 : vector<16xi32>
      %gather3A_589 = tpu.vector_load_idx %arg6[%get3A_584, %add3A_588] : memref<80x1024xf32, #tpu.memory_space<vmem>>[vector<16xi32>, vector<16xi32>], vector<16xf32>,
      %swap3A_590 = arith.constant 1008 : index
      %swap3A_591 = tpu.vector_load %arg9[%swap3A_590] {strides = array<i32>} : memref<1024xf32, #tpu.memory_space<vmem>>, vector<16xf32>,
      tpu.vector_store %arg9[%swap3A_590], %gather3A_589 {strides = array<i32>} : memref<1024xf32, #tpu.memory_space<vmem>>, vector<16xf32>,
      "tpu.region"() ({
        %run_scoped3A = tpu.sem_alloc : memref<!tpu.dma_semaphore, #tpu.memory_space<semaphore_mem>>
        %dma_start3A = tpu.memref_slice %arg5[%multiple_of3A] : memref<200704xf32, #tpu.memory_space<hbm>> -> memref<1024xf32, #tpu.memory_space<hbm>>
        %dma_start3A_592 = tpu.memref_slice %arg5[%multiple_of3A] : memref<200704xf32, #tpu.memory_space<hbm>> -> memref<1024xf32, #tpu.memory_space<hbm>>
        tpu.enqueue_dma source(%arg9 : memref<1024xf32, #tpu.memory_space<vmem>>) target(%dma_start3A_592 : memref<1024xf32, #tpu.memory_space<hbm>>) target_semaphore(%run_scoped3A : memref<!tpu.dma_semaphore, #tpu.memory_space<semaphore_mem>>)
        %dma_wait3A = tpu.memref_slice %arg5[%multiple_of3A] : memref<200704xf32, #tpu.memory_space<hbm>> -> memref<1024xf32, #tpu.memory_space<hbm>>
        %dma_wait3A_593 = tpu.memref_slice %arg5[%multiple_of3A] : memref<200704xf32, #tpu.memory_space<hbm>> -> memref<1024xf32, #tpu.memory_space<hbm>>
        tpu.wait_dma2 semaphore(%run_scoped3A : memref<!tpu.dma_semaphore, #tpu.memory_space<semaphore_mem>>) src(%arg9 : memref<1024xf32, #tpu.memory_space<vmem>>) dst(%dma_wait3A_593 : memref<1024xf32, #tpu.memory_space<hbm>>)
        tpu.yield
      }) : () -> ()
    }
    %while3A_11 = arith.constant 1 : i32
    scf.for %while3A_14 = %while3A_9 to %while3A_5 step %while3A_11  : i32 {
      %mul3A_15 = arith.constant 32 : i32
      %mul3A_16 = arith.muli %while3A_14, %mul3A_15 : i32
      %add3A_17 = arith.addi %add3A, %mul3A_16 : i32
      %mul3A_18 = arith.constant 1024 : i32
      %mul3A_19 = arith.muli %add3A_17, %mul3A_18 : i32
      %multiple_of3A = tpu.assume_multiple %mul3A_19, 1024 : i32
      "tpu.region"() ({
        %run_scoped3A = tpu.sem_alloc : memref<!tpu.dma_semaphore, #tpu.memory_space<semaphore_mem>>
        %dma_start3A = tpu.memref_slice %arg4[%multiple_of3A] : memref<200704xi32, #tpu.memory_space<hbm>> -> memref<1024xi32, #tpu.memory_space<hbm>>
        %dma_start3A_592 = tpu.memref_slice %arg4[%multiple_of3A] : memref<200704xi32, #tpu.memory_space<hbm>> -> memref<1024xi32, #tpu.memory_space<hbm>>
        tpu.enqueue_dma source(%dma_start3A_592 : memref<1024xi32, #tpu.memory_space<hbm>>) target(%arg8 : memref<1024xi32, #tpu.memory_space<vmem>>) target_semaphore(%run_scoped3A : memref<!tpu.dma_semaphore, #tpu.memory_space<semaphore_mem>>)
        %dma_wait3A = tpu.memref_slice %arg4[%multiple_of3A] : memref<200704xi32, #tpu.memory_space<hbm>> -> memref<1024xi32, #tpu.memory_space<hbm>>
        %dma_wait3A_593 = tpu.memref_slice %arg4[%multiple_of3A] : memref<200704xi32, #tpu.memory_space<hbm>> -> memref<1024xi32, #tpu.memory_space<hbm>>
        tpu.wait_dma2 semaphore(%run_scoped3A : memref<!tpu.dma_semaphore, #tpu.memory_space<semaphore_mem>>) src(%dma_wait3A_593 : memref<1024xi32, #tpu.memory_space<hbm>>) dst(%arg8 : memref<1024xi32, #tpu.memory_space<vmem>>)
        tpu.yield
      }) : () -> ()
      "tpu.region"() ({
        %run_scoped3A = tpu.sem_alloc : memref<!tpu.dma_semaphore, #tpu.memory_space<semaphore_mem>>
        %dma_start3A = arith.constant 0 : i32
        %dma_start3A_592 = tpu.memref_slice %arg2[%dma_start3A, %multiple_of3A] : memref<80x200000xf32, #tpu.memory_space<hbm>> -> memref<80x1024xf32, #tpu.memory_space<hbm>>
        %dma_start3A_593 = arith.constant 0 : i32
        %dma_start3A_594 = tpu.memref_slice %arg2[%dma_start3A_593, %multiple_of3A] : memref<80x200000xf32, #tpu.memory_space<hbm>> -> memref<80x1024xf32, #tpu.memory_space<hbm>>
        tpu.enqueue_dma source(%dma_start3A_594 : memref<80x1024xf32, #tpu.memory_space<hbm>>) target(%arg6 : memref<80x1024xf32, #tpu.memory_space<vmem>>) target_semaphore(%run_scoped3A : memref<!tpu.dma_semaphore, #tpu.memory_space<semaphore_mem>>)
        %dma_wait3A = arith.constant 0 : i32
        %dma_wait3A_595 = tpu.memref_slice %arg2[%dma_wait3A, %multiple_of3A] : memref<80x200000xf32, #tpu.memory_space<hbm>> -> memref<80x1024xf32, #tpu.memory_space<hbm>>
        %dma_wait3A_596 = arith.constant 0 : i32
        %dma_wait3A_597 = tpu.memref_slice %arg2[%dma_wait3A_596, %multiple_of3A] : memref<80x200000xf32, #tpu.memory_space<hbm>> -> memref<80x1024xf32, #tpu.memory_space<hbm>>
        tpu.wait_dma2 semaphore(%run_scoped3A : memref<!tpu.dma_semaphore, #tpu.memory_space<semaphore_mem>>) src(%dma_wait3A_597 : memref<80x1024xf32, #tpu.memory_space<hbm>>) dst(%arg6 : memref<80x1024xf32, #tpu.memory_space<vmem>>)
        tpu.yield
      }) : () -> ()
      %get3A = arith.constant 0 : index
      %get3A_20 = tpu.vector_load %arg8[%get3A] {strides = array<i32>} : memref<1024xi32, #tpu.memory_space<vmem>>, vector<16xi32>,
      %iota3A = tpu.iota {dimensions = array<i32: 0>} : vector<16xi32>
      %add3A_21 = arith.constant 0 : i32
      %add3A_22 = vector.broadcast %add3A_21 : i32 to vector<16xi32>
      %add3A_23 = arith.addi %iota3A, %add3A_22 : vector<16xi32>
      %gather3A = tpu.vector_load_idx %arg6[%get3A_20, %add3A_23] : memref<80x1024xf32, #tpu.memory_space<vmem>>[vector<16xi32>, vector<16xi32>], vector<16xf32>,
      %swap3A = arith.constant 0 : index
      %swap3A_24 = tpu.vector_load %arg9[%swap3A] {strides = array<i32>} : memref<1024xf32, #tpu.memory_space<vmem>>, vector<16xf32>,
      tpu.vector_store %arg9[%swap3A], %gather3A {strides = array<i32>} : memref<1024xf32, #tpu.memory_space<vmem>>, vector<16xf32>,
      %get3A_25 = arith.constant 16 : index
      %get3A_26 = tpu.vector_load %arg8[%get3A_25] {strides = array<i32>} : memref<1024xi32, #tpu.memory_space<vmem>>, vector<16xi32>,
      %iota3A_27 = tpu.iota {dimensions = array<i32: 0>} : vector<16xi32>
      %add3A_28 = arith.constant 16 : i32
      %add3A_29 = vector.broadcast %add3A_28 : i32 to vector<16xi32>
      %add3A_30 = arith.addi %iota3A_27, %add3A_29 : vector<16xi32>
      %gather3A_31 = tpu.vector_load_idx %arg6[%get3A_26, %add3A_30] : memref<80x1024xf32, #tpu.memory_space<vmem>>[vector<16xi32>, vector<16xi32>], vector<16xf32>,
      %swap3A_32 = arith.constant 16 : index
      %swap3A_33 = tpu.vector_load %arg9[%swap3A_32] {strides = array<i32>} : memref<1024xf32, #tpu.memory_space<vmem>>, vector<16xf32>,
      tpu.vector_store %arg9[%swap3A_32], %gather3A_31 {strides = array<i32>} : memref<1024xf32, #tpu.memory_space<vmem>>, vector<16xf32>,
      %get3A_34 = arith.constant 32 : index
      %get3A_35 = tpu.vector_load %arg8[%get3A_34] {strides = array<i32>} : memref<1024xi32, #tpu.memory_space<vmem>>, vector<16xi32>,
      %iota3A_36 = tpu.iota {dimensions = array<i32: 0>} : vector<16xi32>
      %add3A_37 = arith.constant 32 : i32
      %add3A_38 = vector.broadcast %add3A_37 : i32 to vector<16xi32>
      %add3A_39 = arith.addi %iota3A_36, %add3A_38 : vector<16xi32>
      %gather3A_40 = tpu.vector_load_idx %arg6[%get3A_35, %add3A_39] : memref<80x1024xf32, #tpu.memory_space<vmem>>[vector<16xi32>, vector<16xi32>], vector<16xf32>,
      %swap3A_41 = arith.constant 32 : index
      %swap3A_42 = tpu.vector_load %arg9[%swap3A_41] {strides = array<i32>} : memref<1024xf32, #tpu.memory_space<vmem>>, vector<16xf32>,
      tpu.vector_store %arg9[%swap3A_41], %gather3A_40 {strides = array<i32>} : memref<1024xf32, #tpu.memory_space<vmem>>, vector<16xf32>,
      %get3A_43 = arith.constant 48 : index
      %get3A_44 = tpu.vector_load %arg8[%get3A_43] {strides = array<i32>} : memref<1024xi32, #tpu.memory_space<vmem>>, vector<16xi32>,
      %iota3A_45 = tpu.iota {dimensions = array<i32: 0>} : vector<16xi32>
      %add3A_46 = arith.constant 48 : i32
      %add3A_47 = vector.broadcast %add3A_46 : i32 to vector<16xi32>
      %add3A_48 = arith.addi %iota3A_45, %add3A_47 : vector<16xi32>
      %gather3A_49 = tpu.vector_load_idx %arg6[%get3A_44, %add3A_48] : memref<80x1024xf32, #tpu.memory_space<vmem>>[vector<16xi32>, vector<16xi32>], vector<16xf32>,
      %swap3A_50 = arith.constant 48 : index
      %swap3A_51 = tpu.vector_load %arg9[%swap3A_50] {strides = array<i32>} : memref<1024xf32, #tpu.memory_space<vmem>>, vector<16xf32>,
      tpu.vector_store %arg9[%swap3A_50], %gather3A_49 {strides = array<i32>} : memref<1024xf32, #tpu.memory_space<vmem>>, vector<16xf32>,
      %get3A_52 = arith.constant 64 : index
      %get3A_53 = tpu.vector_load %arg8[%get3A_52] {strides = array<i32>} : memref<1024xi32, #tpu.memory_space<vmem>>, vector<16xi32>,
      %iota3A_54 = tpu.iota {dimensions = array<i32: 0>} : vector<16xi32>
      %add3A_55 = arith.constant 64 : i32
      %add3A_56 = vector.broadcast %add3A_55 : i32 to vector<16xi32>
      %add3A_57 = arith.addi %iota3A_54, %add3A_56 : vector<16xi32>
      %gather3A_58 = tpu.vector_load_idx %arg6[%get3A_53, %add3A_57] : memref<80x1024xf32, #tpu.memory_space<vmem>>[vector<16xi32>, vector<16xi32>], vector<16xf32>,
      %swap3A_59 = arith.constant 64 : index
      %swap3A_60 = tpu.vector_load %arg9[%swap3A_59] {strides = array<i32>} : memref<1024xf32, #tpu.memory_space<vmem>>, vector<16xf32>,
      tpu.vector_store %arg9[%swap3A_59], %gather3A_58 {strides = array<i32>} : memref<1024xf32, #tpu.memory_space<vmem>>, vector<16xf32>,
      %get3A_61 = arith.constant 80 : index
      %get3A_62 = tpu.vector_load %arg8[%get3A_61] {strides = array<i32>} : memref<1024xi32, #tpu.memory_space<vmem>>, vector<16xi32>,
      %iota3A_63 = tpu.iota {dimensions = array<i32: 0>} : vector<16xi32>
      %add3A_64 = arith.constant 80 : i32
      %add3A_65 = vector.broadcast %add3A_64 : i32 to vector<16xi32>
      %add3A_66 = arith.addi %iota3A_63, %add3A_65 : vector<16xi32>
      %gather3A_67 = tpu.vector_load_idx %arg6[%get3A_62, %add3A_66] : memref<80x1024xf32, #tpu.memory_space<vmem>>[vector<16xi32>, vector<16xi32>], vector<16xf32>,
      %swap3A_68 = arith.constant 80 : index
      %swap3A_69 = tpu.vector_load %arg9[%swap3A_68] {strides = array<i32>} : memref<1024xf32, #tpu.memory_space<vmem>>, vector<16xf32>,
      tpu.vector_store %arg9[%swap3A_68], %gather3A_67 {strides = array<i32>} : memref<1024xf32, #tpu.memory_space<vmem>>, vector<16xf32>,
      %get3A_70 = arith.constant 96 : index
      %get3A_71 = tpu.vector_load %arg8[%get3A_70] {strides = array<i32>} : memref<1024xi32, #tpu.memory_space<vmem>>, vector<16xi32>,
      %iota3A_72 = tpu.iota {dimensions = array<i32: 0>} : vector<16xi32>
      %add3A_73 = arith.constant 96 : i32
      %add3A_74 = vector.broadcast %add3A_73 : i32 to vector<16xi32>
      %add3A_75 = arith.addi %iota3A_72, %add3A_74 : vector<16xi32>
      %gather3A_76 = tpu.vector_load_idx %arg6[%get3A_71, %add3A_75] : memref<80x1024xf32, #tpu.memory_space<vmem>>[vector<16xi32>, vector<16xi32>], vector<16xf32>,
      %swap3A_77 = arith.constant 96 : index
      %swap3A_78 = tpu.vector_load %arg9[%swap3A_77] {strides = array<i32>} : memref<1024xf32, #tpu.memory_space<vmem>>, vector<16xf32>,
      tpu.vector_store %arg9[%swap3A_77], %gather3A_76 {strides = array<i32>} : memref<1024xf32, #tpu.memory_space<vmem>>, vector<16xf32>,
      %get3A_79 = arith.constant 112 : index
      %get3A_80 = tpu.vector_load %arg8[%get3A_79] {strides = array<i32>} : memref<1024xi32, #tpu.memory_space<vmem>>, vector<16xi32>,
      %iota3A_81 = tpu.iota {dimensions = array<i32: 0>} : vector<16xi32>
      %add3A_82 = arith.constant 112 : i32
      %add3A_83 = vector.broadcast %add3A_82 : i32 to vector<16xi32>
      %add3A_84 = arith.addi %iota3A_81, %add3A_83 : vector<16xi32>
      %gather3A_85 = tpu.vector_load_idx %arg6[%get3A_80, %add3A_84] : memref<80x1024xf32, #tpu.memory_space<vmem>>[vector<16xi32>, vector<16xi32>], vector<16xf32>,
      %swap3A_86 = arith.constant 112 : index
      %swap3A_87 = tpu.vector_load %arg9[%swap3A_86] {strides = array<i32>} : memref<1024xf32, #tpu.memory_space<vmem>>, vector<16xf32>,
      tpu.vector_store %arg9[%swap3A_86], %gather3A_85 {strides = array<i32>} : memref<1024xf32, #tpu.memory_space<vmem>>, vector<16xf32>,
      %get3A_88 = arith.constant 128 : index
      %get3A_89 = tpu.vector_load %arg8[%get3A_88] {strides = array<i32>} : memref<1024xi32, #tpu.memory_space<vmem>>, vector<16xi32>,
      %iota3A_90 = tpu.iota {dimensions = array<i32: 0>} : vector<16xi32>
      %add3A_91 = arith.constant 128 : i32
      %add3A_92 = vector.broadcast %add3A_91 : i32 to vector<16xi32>
      %add3A_93 = arith.addi %iota3A_90, %add3A_92 : vector<16xi32>
      %gather3A_94 = tpu.vector_load_idx %arg6[%get3A_89, %add3A_93] : memref<80x1024xf32, #tpu.memory_space<vmem>>[vector<16xi32>, vector<16xi32>], vector<16xf32>,
      %swap3A_95 = arith.constant 128 : index
      %swap3A_96 = tpu.vector_load %arg9[%swap3A_95] {strides = array<i32>} : memref<1024xf32, #tpu.memory_space<vmem>>, vector<16xf32>,
      tpu.vector_store %arg9[%swap3A_95], %gather3A_94 {strides = array<i32>} : memref<1024xf32, #tpu.memory_space<vmem>>, vector<16xf32>,
      %get3A_97 = arith.constant 144 : index
      %get3A_98 = tpu.vector_load %arg8[%get3A_97] {strides = array<i32>} : memref<1024xi32, #tpu.memory_space<vmem>>, vector<16xi32>,
      %iota3A_99 = tpu.iota {dimensions = array<i32: 0>} : vector<16xi32>
      %add3A_100 = arith.constant 144 : i32
      %add3A_101 = vector.broadcast %add3A_100 : i32 to vector<16xi32>
      %add3A_102 = arith.addi %iota3A_99, %add3A_101 : vector<16xi32>
      %gather3A_103 = tpu.vector_load_idx %arg6[%get3A_98, %add3A_102] : memref<80x1024xf32, #tpu.memory_space<vmem>>[vector<16xi32>, vector<16xi32>], vector<16xf32>,
      %swap3A_104 = arith.constant 144 : index
      %swap3A_105 = tpu.vector_load %arg9[%swap3A_104] {strides = array<i32>} : memref<1024xf32, #tpu.memory_space<vmem>>, vector<16xf32>,
      tpu.vector_store %arg9[%swap3A_104], %gather3A_103 {strides = array<i32>} : memref<1024xf32, #tpu.memory_space<vmem>>, vector<16xf32>,
      %get3A_106 = arith.constant 160 : index
      %get3A_107 = tpu.vector_load %arg8[%get3A_106] {strides = array<i32>} : memref<1024xi32, #tpu.memory_space<vmem>>, vector<16xi32>,
      %iota3A_108 = tpu.iota {dimensions = array<i32: 0>} : vector<16xi32>
      %add3A_109 = arith.constant 160 : i32
      %add3A_110 = vector.broadcast %add3A_109 : i32 to vector<16xi32>
      %add3A_111 = arith.addi %iota3A_108, %add3A_110 : vector<16xi32>
      %gather3A_112 = tpu.vector_load_idx %arg6[%get3A_107, %add3A_111] : memref<80x1024xf32, #tpu.memory_space<vmem>>[vector<16xi32>, vector<16xi32>], vector<16xf32>,
      %swap3A_113 = arith.constant 160 : index
      %swap3A_114 = tpu.vector_load %arg9[%swap3A_113] {strides = array<i32>} : memref<1024xf32, #tpu.memory_space<vmem>>, vector<16xf32>,
      tpu.vector_store %arg9[%swap3A_113], %gather3A_112 {strides = array<i32>} : memref<1024xf32, #tpu.memory_space<vmem>>, vector<16xf32>,
      %get3A_115 = arith.constant 176 : index
      %get3A_116 = tpu.vector_load %arg8[%get3A_115] {strides = array<i32>} : memref<1024xi32, #tpu.memory_space<vmem>>, vector<16xi32>,
      %iota3A_117 = tpu.iota {dimensions = array<i32: 0>} : vector<16xi32>
      %add3A_118 = arith.constant 176 : i32
      %add3A_119 = vector.broadcast %add3A_118 : i32 to vector<16xi32>
      %add3A_120 = arith.addi %iota3A_117, %add3A_119 : vector<16xi32>
      %gather3A_121 = tpu.vector_load_idx %arg6[%get3A_116, %add3A_120] : memref<80x1024xf32, #tpu.memory_space<vmem>>[vector<16xi32>, vector<16xi32>], vector<16xf32>,
      %swap3A_122 = arith.constant 176 : index
      %swap3A_123 = tpu.vector_load %arg9[%swap3A_122] {strides = array<i32>} : memref<1024xf32, #tpu.memory_space<vmem>>, vector<16xf32>,
      tpu.vector_store %arg9[%swap3A_122], %gather3A_121 {strides = array<i32>} : memref<1024xf32, #tpu.memory_space<vmem>>, vector<16xf32>,
      %get3A_124 = arith.constant 192 : index
      %get3A_125 = tpu.vector_load %arg8[%get3A_124] {strides = array<i32>} : memref<1024xi32, #tpu.memory_space<vmem>>, vector<16xi32>,
      %iota3A_126 = tpu.iota {dimensions = array<i32: 0>} : vector<16xi32>
      %add3A_127 = arith.constant 192 : i32
      %add3A_128 = vector.broadcast %add3A_127 : i32 to vector<16xi32>
      %add3A_129 = arith.addi %iota3A_126, %add3A_128 : vector<16xi32>
      %gather3A_130 = tpu.vector_load_idx %arg6[%get3A_125, %add3A_129] : memref<80x1024xf32, #tpu.memory_space<vmem>>[vector<16xi32>, vector<16xi32>], vector<16xf32>,
      %swap3A_131 = arith.constant 192 : index
      %swap3A_132 = tpu.vector_load %arg9[%swap3A_131] {strides = array<i32>} : memref<1024xf32, #tpu.memory_space<vmem>>, vector<16xf32>,
      tpu.vector_store %arg9[%swap3A_131], %gather3A_130 {strides = array<i32>} : memref<1024xf32, #tpu.memory_space<vmem>>, vector<16xf32>,
      %get3A_133 = arith.constant 208 : index
      %get3A_134 = tpu.vector_load %arg8[%get3A_133] {strides = array<i32>} : memref<1024xi32, #tpu.memory_space<vmem>>, vector<16xi32>,
      %iota3A_135 = tpu.iota {dimensions = array<i32: 0>} : vector<16xi32>
      %add3A_136 = arith.constant 208 : i32
      %add3A_137 = vector.broadcast %add3A_136 : i32 to vector<16xi32>
      %add3A_138 = arith.addi %iota3A_135, %add3A_137 : vector<16xi32>
      %gather3A_139 = tpu.vector_load_idx %arg6[%get3A_134, %add3A_138] : memref<80x1024xf32, #tpu.memory_space<vmem>>[vector<16xi32>, vector<16xi32>], vector<16xf32>,
      %swap3A_140 = arith.constant 208 : index
      %swap3A_141 = tpu.vector_load %arg9[%swap3A_140] {strides = array<i32>} : memref<1024xf32, #tpu.memory_space<vmem>>, vector<16xf32>,
      tpu.vector_store %arg9[%swap3A_140], %gather3A_139 {strides = array<i32>} : memref<1024xf32, #tpu.memory_space<vmem>>, vector<16xf32>,
      %get3A_142 = arith.constant 224 : index
      %get3A_143 = tpu.vector_load %arg8[%get3A_142] {strides = array<i32>} : memref<1024xi32, #tpu.memory_space<vmem>>, vector<16xi32>,
      %iota3A_144 = tpu.iota {dimensions = array<i32: 0>} : vector<16xi32>
      %add3A_145 = arith.constant 224 : i32
      %add3A_146 = vector.broadcast %add3A_145 : i32 to vector<16xi32>
      %add3A_147 = arith.addi %iota3A_144, %add3A_146 : vector<16xi32>
      %gather3A_148 = tpu.vector_load_idx %arg6[%get3A_143, %add3A_147] : memref<80x1024xf32, #tpu.memory_space<vmem>>[vector<16xi32>, vector<16xi32>], vector<16xf32>,
      %swap3A_149 = arith.constant 224 : index
      %swap3A_150 = tpu.vector_load %arg9[%swap3A_149] {strides = array<i32>} : memref<1024xf32, #tpu.memory_space<vmem>>, vector<16xf32>,
      tpu.vector_store %arg9[%swap3A_149], %gather3A_148 {strides = array<i32>} : memref<1024xf32, #tpu.memory_space<vmem>>, vector<16xf32>,
      %get3A_151 = arith.constant 240 : index
      %get3A_152 = tpu.vector_load %arg8[%get3A_151] {strides = array<i32>} : memref<1024xi32, #tpu.memory_space<vmem>>, vector<16xi32>,
      %iota3A_153 = tpu.iota {dimensions = array<i32: 0>} : vector<16xi32>
      %add3A_154 = arith.constant 240 : i32
      %add3A_155 = vector.broadcast %add3A_154 : i32 to vector<16xi32>
      %add3A_156 = arith.addi %iota3A_153, %add3A_155 : vector<16xi32>
      %gather3A_157 = tpu.vector_load_idx %arg6[%get3A_152, %add3A_156] : memref<80x1024xf32, #tpu.memory_space<vmem>>[vector<16xi32>, vector<16xi32>], vector<16xf32>,
      %swap3A_158 = arith.constant 240 : index
      %swap3A_159 = tpu.vector_load %arg9[%swap3A_158] {strides = array<i32>} : memref<1024xf32, #tpu.memory_space<vmem>>, vector<16xf32>,
      tpu.vector_store %arg9[%swap3A_158], %gather3A_157 {strides = array<i32>} : memref<1024xf32, #tpu.memory_space<vmem>>, vector<16xf32>,
      %get3A_160 = arith.constant 256 : index
      %get3A_161 = tpu.vector_load %arg8[%get3A_160] {strides = array<i32>} : memref<1024xi32, #tpu.memory_space<vmem>>, vector<16xi32>,
      %iota3A_162 = tpu.iota {dimensions = array<i32: 0>} : vector<16xi32>
      %add3A_163 = arith.constant 256 : i32
      %add3A_164 = vector.broadcast %add3A_163 : i32 to vector<16xi32>
      %add3A_165 = arith.addi %iota3A_162, %add3A_164 : vector<16xi32>
      %gather3A_166 = tpu.vector_load_idx %arg6[%get3A_161, %add3A_165] : memref<80x1024xf32, #tpu.memory_space<vmem>>[vector<16xi32>, vector<16xi32>], vector<16xf32>,
      %swap3A_167 = arith.constant 256 : index
      %swap3A_168 = tpu.vector_load %arg9[%swap3A_167] {strides = array<i32>} : memref<1024xf32, #tpu.memory_space<vmem>>, vector<16xf32>,
      tpu.vector_store %arg9[%swap3A_167], %gather3A_166 {strides = array<i32>} : memref<1024xf32, #tpu.memory_space<vmem>>, vector<16xf32>,
      %get3A_169 = arith.constant 272 : index
      %get3A_170 = tpu.vector_load %arg8[%get3A_169] {strides = array<i32>} : memref<1024xi32, #tpu.memory_space<vmem>>, vector<16xi32>,
      %iota3A_171 = tpu.iota {dimensions = array<i32: 0>} : vector<16xi32>
      %add3A_172 = arith.constant 272 : i32
      %add3A_173 = vector.broadcast %add3A_172 : i32 to vector<16xi32>
      %add3A_174 = arith.addi %iota3A_171, %add3A_173 : vector<16xi32>
      %gather3A_175 = tpu.vector_load_idx %arg6[%get3A_170, %add3A_174] : memref<80x1024xf32, #tpu.memory_space<vmem>>[vector<16xi32>, vector<16xi32>], vector<16xf32>,
      %swap3A_176 = arith.constant 272 : index
      %swap3A_177 = tpu.vector_load %arg9[%swap3A_176] {strides = array<i32>} : memref<1024xf32, #tpu.memory_space<vmem>>, vector<16xf32>,
      tpu.vector_store %arg9[%swap3A_176], %gather3A_175 {strides = array<i32>} : memref<1024xf32, #tpu.memory_space<vmem>>, vector<16xf32>,
      %get3A_178 = arith.constant 288 : index
      %get3A_179 = tpu.vector_load %arg8[%get3A_178] {strides = array<i32>} : memref<1024xi32, #tpu.memory_space<vmem>>, vector<16xi32>,
      %iota3A_180 = tpu.iota {dimensions = array<i32: 0>} : vector<16xi32>
      %add3A_181 = arith.constant 288 : i32
      %add3A_182 = vector.broadcast %add3A_181 : i32 to vector<16xi32>
      %add3A_183 = arith.addi %iota3A_180, %add3A_182 : vector<16xi32>
      %gather3A_184 = tpu.vector_load_idx %arg6[%get3A_179, %add3A_183] : memref<80x1024xf32, #tpu.memory_space<vmem>>[vector<16xi32>, vector<16xi32>], vector<16xf32>,
      %swap3A_185 = arith.constant 288 : index
      %swap3A_186 = tpu.vector_load %arg9[%swap3A_185] {strides = array<i32>} : memref<1024xf32, #tpu.memory_space<vmem>>, vector<16xf32>,
      tpu.vector_store %arg9[%swap3A_185], %gather3A_184 {strides = array<i32>} : memref<1024xf32, #tpu.memory_space<vmem>>, vector<16xf32>,
      %get3A_187 = arith.constant 304 : index
      %get3A_188 = tpu.vector_load %arg8[%get3A_187] {strides = array<i32>} : memref<1024xi32, #tpu.memory_space<vmem>>, vector<16xi32>,
      %iota3A_189 = tpu.iota {dimensions = array<i32: 0>} : vector<16xi32>
      %add3A_190 = arith.constant 304 : i32
      %add3A_191 = vector.broadcast %add3A_190 : i32 to vector<16xi32>
      %add3A_192 = arith.addi %iota3A_189, %add3A_191 : vector<16xi32>
      %gather3A_193 = tpu.vector_load_idx %arg6[%get3A_188, %add3A_192] : memref<80x1024xf32, #tpu.memory_space<vmem>>[vector<16xi32>, vector<16xi32>], vector<16xf32>,
      %swap3A_194 = arith.constant 304 : index
      %swap3A_195 = tpu.vector_load %arg9[%swap3A_194] {strides = array<i32>} : memref<1024xf32, #tpu.memory_space<vmem>>, vector<16xf32>,
      tpu.vector_store %arg9[%swap3A_194], %gather3A_193 {strides = array<i32>} : memref<1024xf32, #tpu.memory_space<vmem>>, vector<16xf32>,
      %get3A_196 = arith.constant 320 : index
      %get3A_197 = tpu.vector_load %arg8[%get3A_196] {strides = array<i32>} : memref<1024xi32, #tpu.memory_space<vmem>>, vector<16xi32>,
      %iota3A_198 = tpu.iota {dimensions = array<i32: 0>} : vector<16xi32>
      %add3A_199 = arith.constant 320 : i32
      %add3A_200 = vector.broadcast %add3A_199 : i32 to vector<16xi32>
      %add3A_201 = arith.addi %iota3A_198, %add3A_200 : vector<16xi32>
      %gather3A_202 = tpu.vector_load_idx %arg6[%get3A_197, %add3A_201] : memref<80x1024xf32, #tpu.memory_space<vmem>>[vector<16xi32>, vector<16xi32>], vector<16xf32>,
      %swap3A_203 = arith.constant 320 : index
      %swap3A_204 = tpu.vector_load %arg9[%swap3A_203] {strides = array<i32>} : memref<1024xf32, #tpu.memory_space<vmem>>, vector<16xf32>,
      tpu.vector_store %arg9[%swap3A_203], %gather3A_202 {strides = array<i32>} : memref<1024xf32, #tpu.memory_space<vmem>>, vector<16xf32>,
      %get3A_205 = arith.constant 336 : index
      %get3A_206 = tpu.vector_load %arg8[%get3A_205] {strides = array<i32>} : memref<1024xi32, #tpu.memory_space<vmem>>, vector<16xi32>,
      %iota3A_207 = tpu.iota {dimensions = array<i32: 0>} : vector<16xi32>
      %add3A_208 = arith.constant 336 : i32
      %add3A_209 = vector.broadcast %add3A_208 : i32 to vector<16xi32>
      %add3A_210 = arith.addi %iota3A_207, %add3A_209 : vector<16xi32>
      %gather3A_211 = tpu.vector_load_idx %arg6[%get3A_206, %add3A_210] : memref<80x1024xf32, #tpu.memory_space<vmem>>[vector<16xi32>, vector<16xi32>], vector<16xf32>,
      %swap3A_212 = arith.constant 336 : index
      %swap3A_213 = tpu.vector_load %arg9[%swap3A_212] {strides = array<i32>} : memref<1024xf32, #tpu.memory_space<vmem>>, vector<16xf32>,
      tpu.vector_store %arg9[%swap3A_212], %gather3A_211 {strides = array<i32>} : memref<1024xf32, #tpu.memory_space<vmem>>, vector<16xf32>,
      %get3A_214 = arith.constant 352 : index
      %get3A_215 = tpu.vector_load %arg8[%get3A_214] {strides = array<i32>} : memref<1024xi32, #tpu.memory_space<vmem>>, vector<16xi32>,
      %iota3A_216 = tpu.iota {dimensions = array<i32: 0>} : vector<16xi32>
      %add3A_217 = arith.constant 352 : i32
      %add3A_218 = vector.broadcast %add3A_217 : i32 to vector<16xi32>
      %add3A_219 = arith.addi %iota3A_216, %add3A_218 : vector<16xi32>
      %gather3A_220 = tpu.vector_load_idx %arg6[%get3A_215, %add3A_219] : memref<80x1024xf32, #tpu.memory_space<vmem>>[vector<16xi32>, vector<16xi32>], vector<16xf32>,
      %swap3A_221 = arith.constant 352 : index
      %swap3A_222 = tpu.vector_load %arg9[%swap3A_221] {strides = array<i32>} : memref<1024xf32, #tpu.memory_space<vmem>>, vector<16xf32>,
      tpu.vector_store %arg9[%swap3A_221], %gather3A_220 {strides = array<i32>} : memref<1024xf32, #tpu.memory_space<vmem>>, vector<16xf32>,
      %get3A_223 = arith.constant 368 : index
      %get3A_224 = tpu.vector_load %arg8[%get3A_223] {strides = array<i32>} : memref<1024xi32, #tpu.memory_space<vmem>>, vector<16xi32>,
      %iota3A_225 = tpu.iota {dimensions = array<i32: 0>} : vector<16xi32>
      %add3A_226 = arith.constant 368 : i32
      %add3A_227 = vector.broadcast %add3A_226 : i32 to vector<16xi32>
      %add3A_228 = arith.addi %iota3A_225, %add3A_227 : vector<16xi32>
      %gather3A_229 = tpu.vector_load_idx %arg6[%get3A_224, %add3A_228] : memref<80x1024xf32, #tpu.memory_space<vmem>>[vector<16xi32>, vector<16xi32>], vector<16xf32>,
      %swap3A_230 = arith.constant 368 : index
      %swap3A_231 = tpu.vector_load %arg9[%swap3A_230] {strides = array<i32>} : memref<1024xf32, #tpu.memory_space<vmem>>, vector<16xf32>,
      tpu.vector_store %arg9[%swap3A_230], %gather3A_229 {strides = array<i32>} : memref<1024xf32, #tpu.memory_space<vmem>>, vector<16xf32>,
      %get3A_232 = arith.constant 384 : index
      %get3A_233 = tpu.vector_load %arg8[%get3A_232] {strides = array<i32>} : memref<1024xi32, #tpu.memory_space<vmem>>, vector<16xi32>,
      %iota3A_234 = tpu.iota {dimensions = array<i32: 0>} : vector<16xi32>
      %add3A_235 = arith.constant 384 : i32
      %add3A_236 = vector.broadcast %add3A_235 : i32 to vector<16xi32>
      %add3A_237 = arith.addi %iota3A_234, %add3A_236 : vector<16xi32>
      %gather3A_238 = tpu.vector_load_idx %arg6[%get3A_233, %add3A_237] : memref<80x1024xf32, #tpu.memory_space<vmem>>[vector<16xi32>, vector<16xi32>], vector<16xf32>,
      %swap3A_239 = arith.constant 384 : index
      %swap3A_240 = tpu.vector_load %arg9[%swap3A_239] {strides = array<i32>} : memref<1024xf32, #tpu.memory_space<vmem>>, vector<16xf32>,
      tpu.vector_store %arg9[%swap3A_239], %gather3A_238 {strides = array<i32>} : memref<1024xf32, #tpu.memory_space<vmem>>, vector<16xf32>,
      %get3A_241 = arith.constant 400 : index
      %get3A_242 = tpu.vector_load %arg8[%get3A_241] {strides = array<i32>} : memref<1024xi32, #tpu.memory_space<vmem>>, vector<16xi32>,
      %iota3A_243 = tpu.iota {dimensions = array<i32: 0>} : vector<16xi32>
      %add3A_244 = arith.constant 400 : i32
      %add3A_245 = vector.broadcast %add3A_244 : i32 to vector<16xi32>
      %add3A_246 = arith.addi %iota3A_243, %add3A_245 : vector<16xi32>
      %gather3A_247 = tpu.vector_load_idx %arg6[%get3A_242, %add3A_246] : memref<80x1024xf32, #tpu.memory_space<vmem>>[vector<16xi32>, vector<16xi32>], vector<16xf32>,
      %swap3A_248 = arith.constant 400 : index
      %swap3A_249 = tpu.vector_load %arg9[%swap3A_248] {strides = array<i32>} : memref<1024xf32, #tpu.memory_space<vmem>>, vector<16xf32>,
      tpu.vector_store %arg9[%swap3A_248], %gather3A_247 {strides = array<i32>} : memref<1024xf32, #tpu.memory_space<vmem>>, vector<16xf32>,
      %get3A_250 = arith.constant 416 : index
      %get3A_251 = tpu.vector_load %arg8[%get3A_250] {strides = array<i32>} : memref<1024xi32, #tpu.memory_space<vmem>>, vector<16xi32>,
      %iota3A_252 = tpu.iota {dimensions = array<i32: 0>} : vector<16xi32>
      %add3A_253 = arith.constant 416 : i32
      %add3A_254 = vector.broadcast %add3A_253 : i32 to vector<16xi32>
      %add3A_255 = arith.addi %iota3A_252, %add3A_254 : vector<16xi32>
      %gather3A_256 = tpu.vector_load_idx %arg6[%get3A_251, %add3A_255] : memref<80x1024xf32, #tpu.memory_space<vmem>>[vector<16xi32>, vector<16xi32>], vector<16xf32>,
      %swap3A_257 = arith.constant 416 : index
      %swap3A_258 = tpu.vector_load %arg9[%swap3A_257] {strides = array<i32>} : memref<1024xf32, #tpu.memory_space<vmem>>, vector<16xf32>,
      tpu.vector_store %arg9[%swap3A_257], %gather3A_256 {strides = array<i32>} : memref<1024xf32, #tpu.memory_space<vmem>>, vector<16xf32>,
      %get3A_259 = arith.constant 432 : index
      %get3A_260 = tpu.vector_load %arg8[%get3A_259] {strides = array<i32>} : memref<1024xi32, #tpu.memory_space<vmem>>, vector<16xi32>,
      %iota3A_261 = tpu.iota {dimensions = array<i32: 0>} : vector<16xi32>
      %add3A_262 = arith.constant 432 : i32
      %add3A_263 = vector.broadcast %add3A_262 : i32 to vector<16xi32>
      %add3A_264 = arith.addi %iota3A_261, %add3A_263 : vector<16xi32>
      %gather3A_265 = tpu.vector_load_idx %arg6[%get3A_260, %add3A_264] : memref<80x1024xf32, #tpu.memory_space<vmem>>[vector<16xi32>, vector<16xi32>], vector<16xf32>,
      %swap3A_266 = arith.constant 432 : index
      %swap3A_267 = tpu.vector_load %arg9[%swap3A_266] {strides = array<i32>} : memref<1024xf32, #tpu.memory_space<vmem>>, vector<16xf32>,
      tpu.vector_store %arg9[%swap3A_266], %gather3A_265 {strides = array<i32>} : memref<1024xf32, #tpu.memory_space<vmem>>, vector<16xf32>,
      %get3A_268 = arith.constant 448 : index
      %get3A_269 = tpu.vector_load %arg8[%get3A_268] {strides = array<i32>} : memref<1024xi32, #tpu.memory_space<vmem>>, vector<16xi32>,
      %iota3A_270 = tpu.iota {dimensions = array<i32: 0>} : vector<16xi32>
      %add3A_271 = arith.constant 448 : i32
      %add3A_272 = vector.broadcast %add3A_271 : i32 to vector<16xi32>
      %add3A_273 = arith.addi %iota3A_270, %add3A_272 : vector<16xi32>
      %gather3A_274 = tpu.vector_load_idx %arg6[%get3A_269, %add3A_273] : memref<80x1024xf32, #tpu.memory_space<vmem>>[vector<16xi32>, vector<16xi32>], vector<16xf32>,
      %swap3A_275 = arith.constant 448 : index
      %swap3A_276 = tpu.vector_load %arg9[%swap3A_275] {strides = array<i32>} : memref<1024xf32, #tpu.memory_space<vmem>>, vector<16xf32>,
      tpu.vector_store %arg9[%swap3A_275], %gather3A_274 {strides = array<i32>} : memref<1024xf32, #tpu.memory_space<vmem>>, vector<16xf32>,
      %get3A_277 = arith.constant 464 : index
      %get3A_278 = tpu.vector_load %arg8[%get3A_277] {strides = array<i32>} : memref<1024xi32, #tpu.memory_space<vmem>>, vector<16xi32>,
      %iota3A_279 = tpu.iota {dimensions = array<i32: 0>} : vector<16xi32>
      %add3A_280 = arith.constant 464 : i32
      %add3A_281 = vector.broadcast %add3A_280 : i32 to vector<16xi32>
      %add3A_282 = arith.addi %iota3A_279, %add3A_281 : vector<16xi32>
      %gather3A_283 = tpu.vector_load_idx %arg6[%get3A_278, %add3A_282] : memref<80x1024xf32, #tpu.memory_space<vmem>>[vector<16xi32>, vector<16xi32>], vector<16xf32>,
      %swap3A_284 = arith.constant 464 : index
      %swap3A_285 = tpu.vector_load %arg9[%swap3A_284] {strides = array<i32>} : memref<1024xf32, #tpu.memory_space<vmem>>, vector<16xf32>,
      tpu.vector_store %arg9[%swap3A_284], %gather3A_283 {strides = array<i32>} : memref<1024xf32, #tpu.memory_space<vmem>>, vector<16xf32>,
      %get3A_286 = arith.constant 480 : index
      %get3A_287 = tpu.vector_load %arg8[%get3A_286] {strides = array<i32>} : memref<1024xi32, #tpu.memory_space<vmem>>, vector<16xi32>,
      %iota3A_288 = tpu.iota {dimensions = array<i32: 0>} : vector<16xi32>
      %add3A_289 = arith.constant 480 : i32
      %add3A_290 = vector.broadcast %add3A_289 : i32 to vector<16xi32>
      %add3A_291 = arith.addi %iota3A_288, %add3A_290 : vector<16xi32>
      %gather3A_292 = tpu.vector_load_idx %arg6[%get3A_287, %add3A_291] : memref<80x1024xf32, #tpu.memory_space<vmem>>[vector<16xi32>, vector<16xi32>], vector<16xf32>,
      %swap3A_293 = arith.constant 480 : index
      %swap3A_294 = tpu.vector_load %arg9[%swap3A_293] {strides = array<i32>} : memref<1024xf32, #tpu.memory_space<vmem>>, vector<16xf32>,
      tpu.vector_store %arg9[%swap3A_293], %gather3A_292 {strides = array<i32>} : memref<1024xf32, #tpu.memory_space<vmem>>, vector<16xf32>,
      %get3A_295 = arith.constant 496 : index
      %get3A_296 = tpu.vector_load %arg8[%get3A_295] {strides = array<i32>} : memref<1024xi32, #tpu.memory_space<vmem>>, vector<16xi32>,
      %iota3A_297 = tpu.iota {dimensions = array<i32: 0>} : vector<16xi32>
      %add3A_298 = arith.constant 496 : i32
      %add3A_299 = vector.broadcast %add3A_298 : i32 to vector<16xi32>
      %add3A_300 = arith.addi %iota3A_297, %add3A_299 : vector<16xi32>
      %gather3A_301 = tpu.vector_load_idx %arg6[%get3A_296, %add3A_300] : memref<80x1024xf32, #tpu.memory_space<vmem>>[vector<16xi32>, vector<16xi32>], vector<16xf32>,
      %swap3A_302 = arith.constant 496 : index
      %swap3A_303 = tpu.vector_load %arg9[%swap3A_302] {strides = array<i32>} : memref<1024xf32, #tpu.memory_space<vmem>>, vector<16xf32>,
      tpu.vector_store %arg9[%swap3A_302], %gather3A_301 {strides = array<i32>} : memref<1024xf32, #tpu.memory_space<vmem>>, vector<16xf32>,
      %get3A_304 = arith.constant 512 : index
      %get3A_305 = tpu.vector_load %arg8[%get3A_304] {strides = array<i32>} : memref<1024xi32, #tpu.memory_space<vmem>>, vector<16xi32>,
      %iota3A_306 = tpu.iota {dimensions = array<i32: 0>} : vector<16xi32>
      %add3A_307 = arith.constant 512 : i32
      %add3A_308 = vector.broadcast %add3A_307 : i32 to vector<16xi32>
      %add3A_309 = arith.addi %iota3A_306, %add3A_308 : vector<16xi32>
      %gather3A_310 = tpu.vector_load_idx %arg6[%get3A_305, %add3A_309] : memref<80x1024xf32, #tpu.memory_space<vmem>>[vector<16xi32>, vector<16xi32>], vector<16xf32>,
      %swap3A_311 = arith.constant 512 : index
      %swap3A_312 = tpu.vector_load %arg9[%swap3A_311] {strides = array<i32>} : memref<1024xf32, #tpu.memory_space<vmem>>, vector<16xf32>,
      tpu.vector_store %arg9[%swap3A_311], %gather3A_310 {strides = array<i32>} : memref<1024xf32, #tpu.memory_space<vmem>>, vector<16xf32>,
      %get3A_313 = arith.constant 528 : index
      %get3A_314 = tpu.vector_load %arg8[%get3A_313] {strides = array<i32>} : memref<1024xi32, #tpu.memory_space<vmem>>, vector<16xi32>,
      %iota3A_315 = tpu.iota {dimensions = array<i32: 0>} : vector<16xi32>
      %add3A_316 = arith.constant 528 : i32
      %add3A_317 = vector.broadcast %add3A_316 : i32 to vector<16xi32>
      %add3A_318 = arith.addi %iota3A_315, %add3A_317 : vector<16xi32>
      %gather3A_319 = tpu.vector_load_idx %arg6[%get3A_314, %add3A_318] : memref<80x1024xf32, #tpu.memory_space<vmem>>[vector<16xi32>, vector<16xi32>], vector<16xf32>,
      %swap3A_320 = arith.constant 528 : index
      %swap3A_321 = tpu.vector_load %arg9[%swap3A_320] {strides = array<i32>} : memref<1024xf32, #tpu.memory_space<vmem>>, vector<16xf32>,
      tpu.vector_store %arg9[%swap3A_320], %gather3A_319 {strides = array<i32>} : memref<1024xf32, #tpu.memory_space<vmem>>, vector<16xf32>,
      %get3A_322 = arith.constant 544 : index
      %get3A_323 = tpu.vector_load %arg8[%get3A_322] {strides = array<i32>} : memref<1024xi32, #tpu.memory_space<vmem>>, vector<16xi32>,
      %iota3A_324 = tpu.iota {dimensions = array<i32: 0>} : vector<16xi32>
      %add3A_325 = arith.constant 544 : i32
      %add3A_326 = vector.broadcast %add3A_325 : i32 to vector<16xi32>
      %add3A_327 = arith.addi %iota3A_324, %add3A_326 : vector<16xi32>
      %gather3A_328 = tpu.vector_load_idx %arg6[%get3A_323, %add3A_327] : memref<80x1024xf32, #tpu.memory_space<vmem>>[vector<16xi32>, vector<16xi32>], vector<16xf32>,
      %swap3A_329 = arith.constant 544 : index
      %swap3A_330 = tpu.vector_load %arg9[%swap3A_329] {strides = array<i32>} : memref<1024xf32, #tpu.memory_space<vmem>>, vector<16xf32>,
      tpu.vector_store %arg9[%swap3A_329], %gather3A_328 {strides = array<i32>} : memref<1024xf32, #tpu.memory_space<vmem>>, vector<16xf32>,
      %get3A_331 = arith.constant 560 : index
      %get3A_332 = tpu.vector_load %arg8[%get3A_331] {strides = array<i32>} : memref<1024xi32, #tpu.memory_space<vmem>>, vector<16xi32>,
      %iota3A_333 = tpu.iota {dimensions = array<i32: 0>} : vector<16xi32>
      %add3A_334 = arith.constant 560 : i32
      %add3A_335 = vector.broadcast %add3A_334 : i32 to vector<16xi32>
      %add3A_336 = arith.addi %iota3A_333, %add3A_335 : vector<16xi32>
      %gather3A_337 = tpu.vector_load_idx %arg6[%get3A_332, %add3A_336] : memref<80x1024xf32, #tpu.memory_space<vmem>>[vector<16xi32>, vector<16xi32>], vector<16xf32>,
      %swap3A_338 = arith.constant 560 : index
      %swap3A_339 = tpu.vector_load %arg9[%swap3A_338] {strides = array<i32>} : memref<1024xf32, #tpu.memory_space<vmem>>, vector<16xf32>,
      tpu.vector_store %arg9[%swap3A_338], %gather3A_337 {strides = array<i32>} : memref<1024xf32, #tpu.memory_space<vmem>>, vector<16xf32>,
      %get3A_340 = arith.constant 576 : index
      %get3A_341 = tpu.vector_load %arg8[%get3A_340] {strides = array<i32>} : memref<1024xi32, #tpu.memory_space<vmem>>, vector<16xi32>,
      %iota3A_342 = tpu.iota {dimensions = array<i32: 0>} : vector<16xi32>
      %add3A_343 = arith.constant 576 : i32
      %add3A_344 = vector.broadcast %add3A_343 : i32 to vector<16xi32>
      %add3A_345 = arith.addi %iota3A_342, %add3A_344 : vector<16xi32>
      %gather3A_346 = tpu.vector_load_idx %arg6[%get3A_341, %add3A_345] : memref<80x1024xf32, #tpu.memory_space<vmem>>[vector<16xi32>, vector<16xi32>], vector<16xf32>,
      %swap3A_347 = arith.constant 576 : index
      %swap3A_348 = tpu.vector_load %arg9[%swap3A_347] {strides = array<i32>} : memref<1024xf32, #tpu.memory_space<vmem>>, vector<16xf32>,
      tpu.vector_store %arg9[%swap3A_347], %gather3A_346 {strides = array<i32>} : memref<1024xf32, #tpu.memory_space<vmem>>, vector<16xf32>,
      %get3A_349 = arith.constant 592 : index
      %get3A_350 = tpu.vector_load %arg8[%get3A_349] {strides = array<i32>} : memref<1024xi32, #tpu.memory_space<vmem>>, vector<16xi32>,
      %iota3A_351 = tpu.iota {dimensions = array<i32: 0>} : vector<16xi32>
      %add3A_352 = arith.constant 592 : i32
      %add3A_353 = vector.broadcast %add3A_352 : i32 to vector<16xi32>
      %add3A_354 = arith.addi %iota3A_351, %add3A_353 : vector<16xi32>
      %gather3A_355 = tpu.vector_load_idx %arg6[%get3A_350, %add3A_354] : memref<80x1024xf32, #tpu.memory_space<vmem>>[vector<16xi32>, vector<16xi32>], vector<16xf32>,
      %swap3A_356 = arith.constant 592 : index
      %swap3A_357 = tpu.vector_load %arg9[%swap3A_356] {strides = array<i32>} : memref<1024xf32, #tpu.memory_space<vmem>>, vector<16xf32>,
      tpu.vector_store %arg9[%swap3A_356], %gather3A_355 {strides = array<i32>} : memref<1024xf32, #tpu.memory_space<vmem>>, vector<16xf32>,
      %get3A_358 = arith.constant 608 : index
      %get3A_359 = tpu.vector_load %arg8[%get3A_358] {strides = array<i32>} : memref<1024xi32, #tpu.memory_space<vmem>>, vector<16xi32>,
      %iota3A_360 = tpu.iota {dimensions = array<i32: 0>} : vector<16xi32>
      %add3A_361 = arith.constant 608 : i32
      %add3A_362 = vector.broadcast %add3A_361 : i32 to vector<16xi32>
      %add3A_363 = arith.addi %iota3A_360, %add3A_362 : vector<16xi32>
      %gather3A_364 = tpu.vector_load_idx %arg6[%get3A_359, %add3A_363] : memref<80x1024xf32, #tpu.memory_space<vmem>>[vector<16xi32>, vector<16xi32>], vector<16xf32>,
      %swap3A_365 = arith.constant 608 : index
      %swap3A_366 = tpu.vector_load %arg9[%swap3A_365] {strides = array<i32>} : memref<1024xf32, #tpu.memory_space<vmem>>, vector<16xf32>,
      tpu.vector_store %arg9[%swap3A_365], %gather3A_364 {strides = array<i32>} : memref<1024xf32, #tpu.memory_space<vmem>>, vector<16xf32>,
      %get3A_367 = arith.constant 624 : index
      %get3A_368 = tpu.vector_load %arg8[%get3A_367] {strides = array<i32>} : memref<1024xi32, #tpu.memory_space<vmem>>, vector<16xi32>,
      %iota3A_369 = tpu.iota {dimensions = array<i32: 0>} : vector<16xi32>
      %add3A_370 = arith.constant 624 : i32
      %add3A_371 = vector.broadcast %add3A_370 : i32 to vector<16xi32>
      %add3A_372 = arith.addi %iota3A_369, %add3A_371 : vector<16xi32>
      %gather3A_373 = tpu.vector_load_idx %arg6[%get3A_368, %add3A_372] : memref<80x1024xf32, #tpu.memory_space<vmem>>[vector<16xi32>, vector<16xi32>], vector<16xf32>,
      %swap3A_374 = arith.constant 624 : index
      %swap3A_375 = tpu.vector_load %arg9[%swap3A_374] {strides = array<i32>} : memref<1024xf32, #tpu.memory_space<vmem>>, vector<16xf32>,
      tpu.vector_store %arg9[%swap3A_374], %gather3A_373 {strides = array<i32>} : memref<1024xf32, #tpu.memory_space<vmem>>, vector<16xf32>,
      %get3A_376 = arith.constant 640 : index
      %get3A_377 = tpu.vector_load %arg8[%get3A_376] {strides = array<i32>} : memref<1024xi32, #tpu.memory_space<vmem>>, vector<16xi32>,
      %iota3A_378 = tpu.iota {dimensions = array<i32: 0>} : vector<16xi32>
      %add3A_379 = arith.constant 640 : i32
      %add3A_380 = vector.broadcast %add3A_379 : i32 to vector<16xi32>
      %add3A_381 = arith.addi %iota3A_378, %add3A_380 : vector<16xi32>
      %gather3A_382 = tpu.vector_load_idx %arg6[%get3A_377, %add3A_381] : memref<80x1024xf32, #tpu.memory_space<vmem>>[vector<16xi32>, vector<16xi32>], vector<16xf32>,
      %swap3A_383 = arith.constant 640 : index
      %swap3A_384 = tpu.vector_load %arg9[%swap3A_383] {strides = array<i32>} : memref<1024xf32, #tpu.memory_space<vmem>>, vector<16xf32>,
      tpu.vector_store %arg9[%swap3A_383], %gather3A_382 {strides = array<i32>} : memref<1024xf32, #tpu.memory_space<vmem>>, vector<16xf32>,
      %get3A_385 = arith.constant 656 : index
      %get3A_386 = tpu.vector_load %arg8[%get3A_385] {strides = array<i32>} : memref<1024xi32, #tpu.memory_space<vmem>>, vector<16xi32>,
      %iota3A_387 = tpu.iota {dimensions = array<i32: 0>} : vector<16xi32>
      %add3A_388 = arith.constant 656 : i32
      %add3A_389 = vector.broadcast %add3A_388 : i32 to vector<16xi32>
      %add3A_390 = arith.addi %iota3A_387, %add3A_389 : vector<16xi32>
      %gather3A_391 = tpu.vector_load_idx %arg6[%get3A_386, %add3A_390] : memref<80x1024xf32, #tpu.memory_space<vmem>>[vector<16xi32>, vector<16xi32>], vector<16xf32>,
      %swap3A_392 = arith.constant 656 : index
      %swap3A_393 = tpu.vector_load %arg9[%swap3A_392] {strides = array<i32>} : memref<1024xf32, #tpu.memory_space<vmem>>, vector<16xf32>,
      tpu.vector_store %arg9[%swap3A_392], %gather3A_391 {strides = array<i32>} : memref<1024xf32, #tpu.memory_space<vmem>>, vector<16xf32>,
      %get3A_394 = arith.constant 672 : index
      %get3A_395 = tpu.vector_load %arg8[%get3A_394] {strides = array<i32>} : memref<1024xi32, #tpu.memory_space<vmem>>, vector<16xi32>,
      %iota3A_396 = tpu.iota {dimensions = array<i32: 0>} : vector<16xi32>
      %add3A_397 = arith.constant 672 : i32
      %add3A_398 = vector.broadcast %add3A_397 : i32 to vector<16xi32>
      %add3A_399 = arith.addi %iota3A_396, %add3A_398 : vector<16xi32>
      %gather3A_400 = tpu.vector_load_idx %arg6[%get3A_395, %add3A_399] : memref<80x1024xf32, #tpu.memory_space<vmem>>[vector<16xi32>, vector<16xi32>], vector<16xf32>,
      %swap3A_401 = arith.constant 672 : index
      %swap3A_402 = tpu.vector_load %arg9[%swap3A_401] {strides = array<i32>} : memref<1024xf32, #tpu.memory_space<vmem>>, vector<16xf32>,
      tpu.vector_store %arg9[%swap3A_401], %gather3A_400 {strides = array<i32>} : memref<1024xf32, #tpu.memory_space<vmem>>, vector<16xf32>,
      %get3A_403 = arith.constant 688 : index
      %get3A_404 = tpu.vector_load %arg8[%get3A_403] {strides = array<i32>} : memref<1024xi32, #tpu.memory_space<vmem>>, vector<16xi32>,
      %iota3A_405 = tpu.iota {dimensions = array<i32: 0>} : vector<16xi32>
      %add3A_406 = arith.constant 688 : i32
      %add3A_407 = vector.broadcast %add3A_406 : i32 to vector<16xi32>
      %add3A_408 = arith.addi %iota3A_405, %add3A_407 : vector<16xi32>
      %gather3A_409 = tpu.vector_load_idx %arg6[%get3A_404, %add3A_408] : memref<80x1024xf32, #tpu.memory_space<vmem>>[vector<16xi32>, vector<16xi32>], vector<16xf32>,
      %swap3A_410 = arith.constant 688 : index
      %swap3A_411 = tpu.vector_load %arg9[%swap3A_410] {strides = array<i32>} : memref<1024xf32, #tpu.memory_space<vmem>>, vector<16xf32>,
      tpu.vector_store %arg9[%swap3A_410], %gather3A_409 {strides = array<i32>} : memref<1024xf32, #tpu.memory_space<vmem>>, vector<16xf32>,
      %get3A_412 = arith.constant 704 : index
      %get3A_413 = tpu.vector_load %arg8[%get3A_412] {strides = array<i32>} : memref<1024xi32, #tpu.memory_space<vmem>>, vector<16xi32>,
      %iota3A_414 = tpu.iota {dimensions = array<i32: 0>} : vector<16xi32>
      %add3A_415 = arith.constant 704 : i32
      %add3A_416 = vector.broadcast %add3A_415 : i32 to vector<16xi32>
      %add3A_417 = arith.addi %iota3A_414, %add3A_416 : vector<16xi32>
      %gather3A_418 = tpu.vector_load_idx %arg6[%get3A_413, %add3A_417] : memref<80x1024xf32, #tpu.memory_space<vmem>>[vector<16xi32>, vector<16xi32>], vector<16xf32>,
      %swap3A_419 = arith.constant 704 : index
      %swap3A_420 = tpu.vector_load %arg9[%swap3A_419] {strides = array<i32>} : memref<1024xf32, #tpu.memory_space<vmem>>, vector<16xf32>,
      tpu.vector_store %arg9[%swap3A_419], %gather3A_418 {strides = array<i32>} : memref<1024xf32, #tpu.memory_space<vmem>>, vector<16xf32>,
      %get3A_421 = arith.constant 720 : index
      %get3A_422 = tpu.vector_load %arg8[%get3A_421] {strides = array<i32>} : memref<1024xi32, #tpu.memory_space<vmem>>, vector<16xi32>,
      %iota3A_423 = tpu.iota {dimensions = array<i32: 0>} : vector<16xi32>
      %add3A_424 = arith.constant 720 : i32
      %add3A_425 = vector.broadcast %add3A_424 : i32 to vector<16xi32>
      %add3A_426 = arith.addi %iota3A_423, %add3A_425 : vector<16xi32>
      %gather3A_427 = tpu.vector_load_idx %arg6[%get3A_422, %add3A_426] : memref<80x1024xf32, #tpu.memory_space<vmem>>[vector<16xi32>, vector<16xi32>], vector<16xf32>,
      %swap3A_428 = arith.constant 720 : index
      %swap3A_429 = tpu.vector_load %arg9[%swap3A_428] {strides = array<i32>} : memref<1024xf32, #tpu.memory_space<vmem>>, vector<16xf32>,
      tpu.vector_store %arg9[%swap3A_428], %gather3A_427 {strides = array<i32>} : memref<1024xf32, #tpu.memory_space<vmem>>, vector<16xf32>,
      %get3A_430 = arith.constant 736 : index
      %get3A_431 = tpu.vector_load %arg8[%get3A_430] {strides = array<i32>} : memref<1024xi32, #tpu.memory_space<vmem>>, vector<16xi32>,
      %iota3A_432 = tpu.iota {dimensions = array<i32: 0>} : vector<16xi32>
      %add3A_433 = arith.constant 736 : i32
      %add3A_434 = vector.broadcast %add3A_433 : i32 to vector<16xi32>
      %add3A_435 = arith.addi %iota3A_432, %add3A_434 : vector<16xi32>
      %gather3A_436 = tpu.vector_load_idx %arg6[%get3A_431, %add3A_435] : memref<80x1024xf32, #tpu.memory_space<vmem>>[vector<16xi32>, vector<16xi32>], vector<16xf32>,
      %swap3A_437 = arith.constant 736 : index
      %swap3A_438 = tpu.vector_load %arg9[%swap3A_437] {strides = array<i32>} : memref<1024xf32, #tpu.memory_space<vmem>>, vector<16xf32>,
      tpu.vector_store %arg9[%swap3A_437], %gather3A_436 {strides = array<i32>} : memref<1024xf32, #tpu.memory_space<vmem>>, vector<16xf32>,
      %get3A_439 = arith.constant 752 : index
      %get3A_440 = tpu.vector_load %arg8[%get3A_439] {strides = array<i32>} : memref<1024xi32, #tpu.memory_space<vmem>>, vector<16xi32>,
      %iota3A_441 = tpu.iota {dimensions = array<i32: 0>} : vector<16xi32>
      %add3A_442 = arith.constant 752 : i32
      %add3A_443 = vector.broadcast %add3A_442 : i32 to vector<16xi32>
      %add3A_444 = arith.addi %iota3A_441, %add3A_443 : vector<16xi32>
      %gather3A_445 = tpu.vector_load_idx %arg6[%get3A_440, %add3A_444] : memref<80x1024xf32, #tpu.memory_space<vmem>>[vector<16xi32>, vector<16xi32>], vector<16xf32>,
      %swap3A_446 = arith.constant 752 : index
      %swap3A_447 = tpu.vector_load %arg9[%swap3A_446] {strides = array<i32>} : memref<1024xf32, #tpu.memory_space<vmem>>, vector<16xf32>,
      tpu.vector_store %arg9[%swap3A_446], %gather3A_445 {strides = array<i32>} : memref<1024xf32, #tpu.memory_space<vmem>>, vector<16xf32>,
      %get3A_448 = arith.constant 768 : index
      %get3A_449 = tpu.vector_load %arg8[%get3A_448] {strides = array<i32>} : memref<1024xi32, #tpu.memory_space<vmem>>, vector<16xi32>,
      %iota3A_450 = tpu.iota {dimensions = array<i32: 0>} : vector<16xi32>
      %add3A_451 = arith.constant 768 : i32
      %add3A_452 = vector.broadcast %add3A_451 : i32 to vector<16xi32>
      %add3A_453 = arith.addi %iota3A_450, %add3A_452 : vector<16xi32>
      %gather3A_454 = tpu.vector_load_idx %arg6[%get3A_449, %add3A_453] : memref<80x1024xf32, #tpu.memory_space<vmem>>[vector<16xi32>, vector<16xi32>], vector<16xf32>,
      %swap3A_455 = arith.constant 768 : index
      %swap3A_456 = tpu.vector_load %arg9[%swap3A_455] {strides = array<i32>} : memref<1024xf32, #tpu.memory_space<vmem>>, vector<16xf32>,
      tpu.vector_store %arg9[%swap3A_455], %gather3A_454 {strides = array<i32>} : memref<1024xf32, #tpu.memory_space<vmem>>, vector<16xf32>,
      %get3A_457 = arith.constant 784 : index
      %get3A_458 = tpu.vector_load %arg8[%get3A_457] {strides = array<i32>} : memref<1024xi32, #tpu.memory_space<vmem>>, vector<16xi32>,
      %iota3A_459 = tpu.iota {dimensions = array<i32: 0>} : vector<16xi32>
      %add3A_460 = arith.constant 784 : i32
      %add3A_461 = vector.broadcast %add3A_460 : i32 to vector<16xi32>
      %add3A_462 = arith.addi %iota3A_459, %add3A_461 : vector<16xi32>
      %gather3A_463 = tpu.vector_load_idx %arg6[%get3A_458, %add3A_462] : memref<80x1024xf32, #tpu.memory_space<vmem>>[vector<16xi32>, vector<16xi32>], vector<16xf32>,
      %swap3A_464 = arith.constant 784 : index
      %swap3A_465 = tpu.vector_load %arg9[%swap3A_464] {strides = array<i32>} : memref<1024xf32, #tpu.memory_space<vmem>>, vector<16xf32>,
      tpu.vector_store %arg9[%swap3A_464], %gather3A_463 {strides = array<i32>} : memref<1024xf32, #tpu.memory_space<vmem>>, vector<16xf32>,
      %get3A_466 = arith.constant 800 : index
      %get3A_467 = tpu.vector_load %arg8[%get3A_466] {strides = array<i32>} : memref<1024xi32, #tpu.memory_space<vmem>>, vector<16xi32>,
      %iota3A_468 = tpu.iota {dimensions = array<i32: 0>} : vector<16xi32>
      %add3A_469 = arith.constant 800 : i32
      %add3A_470 = vector.broadcast %add3A_469 : i32 to vector<16xi32>
      %add3A_471 = arith.addi %iota3A_468, %add3A_470 : vector<16xi32>
      %gather3A_472 = tpu.vector_load_idx %arg6[%get3A_467, %add3A_471] : memref<80x1024xf32, #tpu.memory_space<vmem>>[vector<16xi32>, vector<16xi32>], vector<16xf32>,
      %swap3A_473 = arith.constant 800 : index
      %swap3A_474 = tpu.vector_load %arg9[%swap3A_473] {strides = array<i32>} : memref<1024xf32, #tpu.memory_space<vmem>>, vector<16xf32>,
      tpu.vector_store %arg9[%swap3A_473], %gather3A_472 {strides = array<i32>} : memref<1024xf32, #tpu.memory_space<vmem>>, vector<16xf32>,
      %get3A_475 = arith.constant 816 : index
      %get3A_476 = tpu.vector_load %arg8[%get3A_475] {strides = array<i32>} : memref<1024xi32, #tpu.memory_space<vmem>>, vector<16xi32>,
      %iota3A_477 = tpu.iota {dimensions = array<i32: 0>} : vector<16xi32>
      %add3A_478 = arith.constant 816 : i32
      %add3A_479 = vector.broadcast %add3A_478 : i32 to vector<16xi32>
      %add3A_480 = arith.addi %iota3A_477, %add3A_479 : vector<16xi32>
      %gather3A_481 = tpu.vector_load_idx %arg6[%get3A_476, %add3A_480] : memref<80x1024xf32, #tpu.memory_space<vmem>>[vector<16xi32>, vector<16xi32>], vector<16xf32>,
      %swap3A_482 = arith.constant 816 : index
      %swap3A_483 = tpu.vector_load %arg9[%swap3A_482] {strides = array<i32>} : memref<1024xf32, #tpu.memory_space<vmem>>, vector<16xf32>,
      tpu.vector_store %arg9[%swap3A_482], %gather3A_481 {strides = array<i32>} : memref<1024xf32, #tpu.memory_space<vmem>>, vector<16xf32>,
      %get3A_484 = arith.constant 832 : index
      %get3A_485 = tpu.vector_load %arg8[%get3A_484] {strides = array<i32>} : memref<1024xi32, #tpu.memory_space<vmem>>, vector<16xi32>,
      %iota3A_486 = tpu.iota {dimensions = array<i32: 0>} : vector<16xi32>
      %add3A_487 = arith.constant 832 : i32
      %add3A_488 = vector.broadcast %add3A_487 : i32 to vector<16xi32>
      %add3A_489 = arith.addi %iota3A_486, %add3A_488 : vector<16xi32>
      %gather3A_490 = tpu.vector_load_idx %arg6[%get3A_485, %add3A_489] : memref<80x1024xf32, #tpu.memory_space<vmem>>[vector<16xi32>, vector<16xi32>], vector<16xf32>,
      %swap3A_491 = arith.constant 832 : index
      %swap3A_492 = tpu.vector_load %arg9[%swap3A_491] {strides = array<i32>} : memref<1024xf32, #tpu.memory_space<vmem>>, vector<16xf32>,
      tpu.vector_store %arg9[%swap3A_491], %gather3A_490 {strides = array<i32>} : memref<1024xf32, #tpu.memory_space<vmem>>, vector<16xf32>,
      %get3A_493 = arith.constant 848 : index
      %get3A_494 = tpu.vector_load %arg8[%get3A_493] {strides = array<i32>} : memref<1024xi32, #tpu.memory_space<vmem>>, vector<16xi32>,
      %iota3A_495 = tpu.iota {dimensions = array<i32: 0>} : vector<16xi32>
      %add3A_496 = arith.constant 848 : i32
      %add3A_497 = vector.broadcast %add3A_496 : i32 to vector<16xi32>
      %add3A_498 = arith.addi %iota3A_495, %add3A_497 : vector<16xi32>
      %gather3A_499 = tpu.vector_load_idx %arg6[%get3A_494, %add3A_498] : memref<80x1024xf32, #tpu.memory_space<vmem>>[vector<16xi32>, vector<16xi32>], vector<16xf32>,
      %swap3A_500 = arith.constant 848 : index
      %swap3A_501 = tpu.vector_load %arg9[%swap3A_500] {strides = array<i32>} : memref<1024xf32, #tpu.memory_space<vmem>>, vector<16xf32>,
      tpu.vector_store %arg9[%swap3A_500], %gather3A_499 {strides = array<i32>} : memref<1024xf32, #tpu.memory_space<vmem>>, vector<16xf32>,
      %get3A_502 = arith.constant 864 : index
      %get3A_503 = tpu.vector_load %arg8[%get3A_502] {strides = array<i32>} : memref<1024xi32, #tpu.memory_space<vmem>>, vector<16xi32>,
      %iota3A_504 = tpu.iota {dimensions = array<i32: 0>} : vector<16xi32>
      %add3A_505 = arith.constant 864 : i32
      %add3A_506 = vector.broadcast %add3A_505 : i32 to vector<16xi32>
      %add3A_507 = arith.addi %iota3A_504, %add3A_506 : vector<16xi32>
      %gather3A_508 = tpu.vector_load_idx %arg6[%get3A_503, %add3A_507] : memref<80x1024xf32, #tpu.memory_space<vmem>>[vector<16xi32>, vector<16xi32>], vector<16xf32>,
      %swap3A_509 = arith.constant 864 : index
      %swap3A_510 = tpu.vector_load %arg9[%swap3A_509] {strides = array<i32>} : memref<1024xf32, #tpu.memory_space<vmem>>, vector<16xf32>,
      tpu.vector_store %arg9[%swap3A_509], %gather3A_508 {strides = array<i32>} : memref<1024xf32, #tpu.memory_space<vmem>>, vector<16xf32>,
      %get3A_511 = arith.constant 880 : index
      %get3A_512 = tpu.vector_load %arg8[%get3A_511] {strides = array<i32>} : memref<1024xi32, #tpu.memory_space<vmem>>, vector<16xi32>,
      %iota3A_513 = tpu.iota {dimensions = array<i32: 0>} : vector<16xi32>
      %add3A_514 = arith.constant 880 : i32
      %add3A_515 = vector.broadcast %add3A_514 : i32 to vector<16xi32>
      %add3A_516 = arith.addi %iota3A_513, %add3A_515 : vector<16xi32>
      %gather3A_517 = tpu.vector_load_idx %arg6[%get3A_512, %add3A_516] : memref<80x1024xf32, #tpu.memory_space<vmem>>[vector<16xi32>, vector<16xi32>], vector<16xf32>,
      %swap3A_518 = arith.constant 880 : index
      %swap3A_519 = tpu.vector_load %arg9[%swap3A_518] {strides = array<i32>} : memref<1024xf32, #tpu.memory_space<vmem>>, vector<16xf32>,
      tpu.vector_store %arg9[%swap3A_518], %gather3A_517 {strides = array<i32>} : memref<1024xf32, #tpu.memory_space<vmem>>, vector<16xf32>,
      %get3A_520 = arith.constant 896 : index
      %get3A_521 = tpu.vector_load %arg8[%get3A_520] {strides = array<i32>} : memref<1024xi32, #tpu.memory_space<vmem>>, vector<16xi32>,
      %iota3A_522 = tpu.iota {dimensions = array<i32: 0>} : vector<16xi32>
      %add3A_523 = arith.constant 896 : i32
      %add3A_524 = vector.broadcast %add3A_523 : i32 to vector<16xi32>
      %add3A_525 = arith.addi %iota3A_522, %add3A_524 : vector<16xi32>
      %gather3A_526 = tpu.vector_load_idx %arg6[%get3A_521, %add3A_525] : memref<80x1024xf32, #tpu.memory_space<vmem>>[vector<16xi32>, vector<16xi32>], vector<16xf32>,
      %swap3A_527 = arith.constant 896 : index
      %swap3A_528 = tpu.vector_load %arg9[%swap3A_527] {strides = array<i32>} : memref<1024xf32, #tpu.memory_space<vmem>>, vector<16xf32>,
      tpu.vector_store %arg9[%swap3A_527], %gather3A_526 {strides = array<i32>} : memref<1024xf32, #tpu.memory_space<vmem>>, vector<16xf32>,
      %get3A_529 = arith.constant 912 : index
      %get3A_530 = tpu.vector_load %arg8[%get3A_529] {strides = array<i32>} : memref<1024xi32, #tpu.memory_space<vmem>>, vector<16xi32>,
      %iota3A_531 = tpu.iota {dimensions = array<i32: 0>} : vector<16xi32>
      %add3A_532 = arith.constant 912 : i32
      %add3A_533 = vector.broadcast %add3A_532 : i32 to vector<16xi32>
      %add3A_534 = arith.addi %iota3A_531, %add3A_533 : vector<16xi32>
      %gather3A_535 = tpu.vector_load_idx %arg6[%get3A_530, %add3A_534] : memref<80x1024xf32, #tpu.memory_space<vmem>>[vector<16xi32>, vector<16xi32>], vector<16xf32>,
      %swap3A_536 = arith.constant 912 : index
      %swap3A_537 = tpu.vector_load %arg9[%swap3A_536] {strides = array<i32>} : memref<1024xf32, #tpu.memory_space<vmem>>, vector<16xf32>,
      tpu.vector_store %arg9[%swap3A_536], %gather3A_535 {strides = array<i32>} : memref<1024xf32, #tpu.memory_space<vmem>>, vector<16xf32>,
      %get3A_538 = arith.constant 928 : index
      %get3A_539 = tpu.vector_load %arg8[%get3A_538] {strides = array<i32>} : memref<1024xi32, #tpu.memory_space<vmem>>, vector<16xi32>,
      %iota3A_540 = tpu.iota {dimensions = array<i32: 0>} : vector<16xi32>
      %add3A_541 = arith.constant 928 : i32
      %add3A_542 = vector.broadcast %add3A_541 : i32 to vector<16xi32>
      %add3A_543 = arith.addi %iota3A_540, %add3A_542 : vector<16xi32>
      %gather3A_544 = tpu.vector_load_idx %arg6[%get3A_539, %add3A_543] : memref<80x1024xf32, #tpu.memory_space<vmem>>[vector<16xi32>, vector<16xi32>], vector<16xf32>,
      %swap3A_545 = arith.constant 928 : index
      %swap3A_546 = tpu.vector_load %arg9[%swap3A_545] {strides = array<i32>} : memref<1024xf32, #tpu.memory_space<vmem>>, vector<16xf32>,
      tpu.vector_store %arg9[%swap3A_545], %gather3A_544 {strides = array<i32>} : memref<1024xf32, #tpu.memory_space<vmem>>, vector<16xf32>,
      %get3A_547 = arith.constant 944 : index
      %get3A_548 = tpu.vector_load %arg8[%get3A_547] {strides = array<i32>} : memref<1024xi32, #tpu.memory_space<vmem>>, vector<16xi32>,
      %iota3A_549 = tpu.iota {dimensions = array<i32: 0>} : vector<16xi32>
      %add3A_550 = arith.constant 944 : i32
      %add3A_551 = vector.broadcast %add3A_550 : i32 to vector<16xi32>
      %add3A_552 = arith.addi %iota3A_549, %add3A_551 : vector<16xi32>
      %gather3A_553 = tpu.vector_load_idx %arg6[%get3A_548, %add3A_552] : memref<80x1024xf32, #tpu.memory_space<vmem>>[vector<16xi32>, vector<16xi32>], vector<16xf32>,
      %swap3A_554 = arith.constant 944 : index
      %swap3A_555 = tpu.vector_load %arg9[%swap3A_554] {strides = array<i32>} : memref<1024xf32, #tpu.memory_space<vmem>>, vector<16xf32>,
      tpu.vector_store %arg9[%swap3A_554], %gather3A_553 {strides = array<i32>} : memref<1024xf32, #tpu.memory_space<vmem>>, vector<16xf32>,
      %get3A_556 = arith.constant 960 : index
      %get3A_557 = tpu.vector_load %arg8[%get3A_556] {strides = array<i32>} : memref<1024xi32, #tpu.memory_space<vmem>>, vector<16xi32>,
      %iota3A_558 = tpu.iota {dimensions = array<i32: 0>} : vector<16xi32>
      %add3A_559 = arith.constant 960 : i32
      %add3A_560 = vector.broadcast %add3A_559 : i32 to vector<16xi32>
      %add3A_561 = arith.addi %iota3A_558, %add3A_560 : vector<16xi32>
      %gather3A_562 = tpu.vector_load_idx %arg6[%get3A_557, %add3A_561] : memref<80x1024xf32, #tpu.memory_space<vmem>>[vector<16xi32>, vector<16xi32>], vector<16xf32>,
      %swap3A_563 = arith.constant 960 : index
      %swap3A_564 = tpu.vector_load %arg9[%swap3A_563] {strides = array<i32>} : memref<1024xf32, #tpu.memory_space<vmem>>, vector<16xf32>,
      tpu.vector_store %arg9[%swap3A_563], %gather3A_562 {strides = array<i32>} : memref<1024xf32, #tpu.memory_space<vmem>>, vector<16xf32>,
      %get3A_565 = arith.constant 976 : index
      %get3A_566 = tpu.vector_load %arg8[%get3A_565] {strides = array<i32>} : memref<1024xi32, #tpu.memory_space<vmem>>, vector<16xi32>,
      %iota3A_567 = tpu.iota {dimensions = array<i32: 0>} : vector<16xi32>
      %add3A_568 = arith.constant 976 : i32
      %add3A_569 = vector.broadcast %add3A_568 : i32 to vector<16xi32>
      %add3A_570 = arith.addi %iota3A_567, %add3A_569 : vector<16xi32>
      %gather3A_571 = tpu.vector_load_idx %arg6[%get3A_566, %add3A_570] : memref<80x1024xf32, #tpu.memory_space<vmem>>[vector<16xi32>, vector<16xi32>], vector<16xf32>,
      %swap3A_572 = arith.constant 976 : index
      %swap3A_573 = tpu.vector_load %arg9[%swap3A_572] {strides = array<i32>} : memref<1024xf32, #tpu.memory_space<vmem>>, vector<16xf32>,
      tpu.vector_store %arg9[%swap3A_572], %gather3A_571 {strides = array<i32>} : memref<1024xf32, #tpu.memory_space<vmem>>, vector<16xf32>,
      %get3A_574 = arith.constant 992 : index
      %get3A_575 = tpu.vector_load %arg8[%get3A_574] {strides = array<i32>} : memref<1024xi32, #tpu.memory_space<vmem>>, vector<16xi32>,
      %iota3A_576 = tpu.iota {dimensions = array<i32: 0>} : vector<16xi32>
      %add3A_577 = arith.constant 992 : i32
      %add3A_578 = vector.broadcast %add3A_577 : i32 to vector<16xi32>
      %add3A_579 = arith.addi %iota3A_576, %add3A_578 : vector<16xi32>
      %gather3A_580 = tpu.vector_load_idx %arg6[%get3A_575, %add3A_579] : memref<80x1024xf32, #tpu.memory_space<vmem>>[vector<16xi32>, vector<16xi32>], vector<16xf32>,
      %swap3A_581 = arith.constant 992 : index
      %swap3A_582 = tpu.vector_load %arg9[%swap3A_581] {strides = array<i32>} : memref<1024xf32, #tpu.memory_space<vmem>>, vector<16xf32>,
      tpu.vector_store %arg9[%swap3A_581], %gather3A_580 {strides = array<i32>} : memref<1024xf32, #tpu.memory_space<vmem>>, vector<16xf32>,
      %get3A_583 = arith.constant 1008 : index
      %get3A_584 = tpu.vector_load %arg8[%get3A_583] {strides = array<i32>} : memref<1024xi32, #tpu.memory_space<vmem>>, vector<16xi32>,
      %iota3A_585 = tpu.iota {dimensions = array<i32: 0>} : vector<16xi32>
      %add3A_586 = arith.constant 1008 : i32
      %add3A_587 = vector.broadcast %add3A_586 : i32 to vector<16xi32>
      %add3A_588 = arith.addi %iota3A_585, %add3A_587 : vector<16xi32>
      %gather3A_589 = tpu.vector_load_idx %arg6[%get3A_584, %add3A_588] : memref<80x1024xf32, #tpu.memory_space<vmem>>[vector<16xi32>, vector<16xi32>], vector<16xf32>,
      %swap3A_590 = arith.constant 1008 : index
      %swap3A_591 = tpu.vector_load %arg9[%swap3A_590] {strides = array<i32>} : memref<1024xf32, #tpu.memory_space<vmem>>, vector<16xf32>,
      tpu.vector_store %arg9[%swap3A_590], %gather3A_589 {strides = array<i32>} : memref<1024xf32, #tpu.memory_space<vmem>>, vector<16xf32>,
      "tpu.region"() ({
        %run_scoped3A = tpu.sem_alloc : memref<!tpu.dma_semaphore, #tpu.memory_space<semaphore_mem>>
        %dma_start3A = tpu.memref_slice %arg5[%multiple_of3A] : memref<200704xf32, #tpu.memory_space<hbm>> -> memref<1024xf32, #tpu.memory_space<hbm>>
        %dma_start3A_592 = tpu.memref_slice %arg5[%multiple_of3A] : memref<200704xf32, #tpu.memory_space<hbm>> -> memref<1024xf32, #tpu.memory_space<hbm>>
        tpu.enqueue_dma source(%arg9 : memref<1024xf32, #tpu.memory_space<vmem>>) target(%dma_start3A_592 : memref<1024xf32, #tpu.memory_space<hbm>>) target_semaphore(%run_scoped3A : memref<!tpu.dma_semaphore, #tpu.memory_space<semaphore_mem>>)
        %dma_wait3A = tpu.memref_slice %arg5[%multiple_of3A] : memref<200704xf32, #tpu.memory_space<hbm>> -> memref<1024xf32, #tpu.memory_space<hbm>>
        %dma_wait3A_593 = tpu.memref_slice %arg5[%multiple_of3A] : memref<200704xf32, #tpu.memory_space<hbm>> -> memref<1024xf32, #tpu.memory_space<hbm>>
        tpu.wait_dma2 semaphore(%run_scoped3A : memref<!tpu.dma_semaphore, #tpu.memory_space<semaphore_mem>>) src(%arg9 : memref<1024xf32, #tpu.memory_space<vmem>>) dst(%dma_wait3A_593 : memref<1024xf32, #tpu.memory_space<hbm>>)
        tpu.yield
      }) : () -> ()
    }
    %eq3A = arith.constant 3 : i32
    %eq3A_12 = arith.cmpi eq, %add3A, %eq3A : i32
    %convert_element_type3A = arith.extui %eq3A_12 : i1 to i32
    %cond3A = arith.constant 0 : i32
    %cond3A_13 = arith.cmpi ne, %convert_element_type3A, %cond3A : i32
    scf.if %cond3A_13 {
      "tpu.region"() ({
        %run_scoped3A = tpu.sem_alloc : memref<!tpu.dma_semaphore, #tpu.memory_space<semaphore_mem>>
        %dma_start3A = arith.constant 199680 : i32
        %dma_start3A_190 = tpu.memref_slice %arg4[%dma_start3A] : memref<200704xi32, #tpu.memory_space<hbm>> -> memref<1024xi32, #tpu.memory_space<hbm>>
        %dma_start3A_191 = arith.constant 199680 : i32
        %dma_start3A_192 = tpu.memref_slice %arg4[%dma_start3A_191] : memref<200704xi32, #tpu.memory_space<hbm>> -> memref<1024xi32, #tpu.memory_space<hbm>>
        tpu.enqueue_dma source(%dma_start3A_192 : memref<1024xi32, #tpu.memory_space<hbm>>) target(%arg8 : memref<1024xi32, #tpu.memory_space<vmem>>) target_semaphore(%run_scoped3A : memref<!tpu.dma_semaphore, #tpu.memory_space<semaphore_mem>>)
        %dma_wait3A = arith.constant 199680 : i32
        %dma_wait3A_193 = tpu.memref_slice %arg4[%dma_wait3A] : memref<200704xi32, #tpu.memory_space<hbm>> -> memref<1024xi32, #tpu.memory_space<hbm>>
        %dma_wait3A_194 = arith.constant 199680 : i32
        %dma_wait3A_195 = tpu.memref_slice %arg4[%dma_wait3A_194] : memref<200704xi32, #tpu.memory_space<hbm>> -> memref<1024xi32, #tpu.memory_space<hbm>>
        tpu.wait_dma2 semaphore(%run_scoped3A : memref<!tpu.dma_semaphore, #tpu.memory_space<semaphore_mem>>) src(%dma_wait3A_195 : memref<1024xi32, #tpu.memory_space<hbm>>) dst(%arg8 : memref<1024xi32, #tpu.memory_space<vmem>>)
        tpu.yield
      }) : () -> ()
      "tpu.region"() ({
        %run_scoped3A = tpu.sem_alloc : memref<!tpu.dma_semaphore, #tpu.memory_space<semaphore_mem>>
        tpu.enqueue_dma source(%arg3 : memref<80x320xf32, #tpu.memory_space<hbm>>) target(%arg7 : memref<80x320xf32, #tpu.memory_space<vmem>>) target_semaphore(%run_scoped3A : memref<!tpu.dma_semaphore, #tpu.memory_space<semaphore_mem>>)
        tpu.wait_dma2 semaphore(%run_scoped3A : memref<!tpu.dma_semaphore, #tpu.memory_space<semaphore_mem>>) src(%arg3 : memref<80x320xf32, #tpu.memory_space<hbm>>) dst(%arg7 : memref<80x320xf32, #tpu.memory_space<vmem>>)
        tpu.yield
      }) : () -> ()
      %get3A = arith.constant 0 : index
      %get3A_14 = tpu.vector_load %arg8[%get3A] {strides = array<i32>} : memref<1024xi32, #tpu.memory_space<vmem>>, vector<16xi32>,
      %iota3A = tpu.iota {dimensions = array<i32: 0>} : vector<16xi32>
      %add3A_15 = arith.constant 0 : i32
      %add3A_16 = vector.broadcast %add3A_15 : i32 to vector<16xi32>
      %add3A_17 = arith.addi %iota3A, %add3A_16 : vector<16xi32>
      %gather3A = tpu.vector_load_idx %arg7[%get3A_14, %add3A_17] : memref<80x320xf32, #tpu.memory_space<vmem>>[vector<16xi32>, vector<16xi32>], vector<16xf32>,
      %swap3A = arith.constant 0 : index
      %swap3A_18 = tpu.vector_load %arg9[%swap3A] {strides = array<i32>} : memref<1024xf32, #tpu.memory_space<vmem>>, vector<16xf32>,
      tpu.vector_store %arg9[%swap3A], %gather3A {strides = array<i32>} : memref<1024xf32, #tpu.memory_space<vmem>>, vector<16xf32>,
      %get3A_19 = arith.constant 16 : index
      %get3A_20 = tpu.vector_load %arg8[%get3A_19] {strides = array<i32>} : memref<1024xi32, #tpu.memory_space<vmem>>, vector<16xi32>,
      %iota3A_21 = tpu.iota {dimensions = array<i32: 0>} : vector<16xi32>
      %add3A_22 = arith.constant 16 : i32
      %add3A_23 = vector.broadcast %add3A_22 : i32 to vector<16xi32>
      %add3A_24 = arith.addi %iota3A_21, %add3A_23 : vector<16xi32>
      %gather3A_25 = tpu.vector_load_idx %arg7[%get3A_20, %add3A_24] : memref<80x320xf32, #tpu.memory_space<vmem>>[vector<16xi32>, vector<16xi32>], vector<16xf32>,
      %swap3A_26 = arith.constant 16 : index
      %swap3A_27 = tpu.vector_load %arg9[%swap3A_26] {strides = array<i32>} : memref<1024xf32, #tpu.memory_space<vmem>>, vector<16xf32>,
      tpu.vector_store %arg9[%swap3A_26], %gather3A_25 {strides = array<i32>} : memref<1024xf32, #tpu.memory_space<vmem>>, vector<16xf32>,
      %get3A_28 = arith.constant 32 : index
      %get3A_29 = tpu.vector_load %arg8[%get3A_28] {strides = array<i32>} : memref<1024xi32, #tpu.memory_space<vmem>>, vector<16xi32>,
      %iota3A_30 = tpu.iota {dimensions = array<i32: 0>} : vector<16xi32>
      %add3A_31 = arith.constant 32 : i32
      %add3A_32 = vector.broadcast %add3A_31 : i32 to vector<16xi32>
      %add3A_33 = arith.addi %iota3A_30, %add3A_32 : vector<16xi32>
      %gather3A_34 = tpu.vector_load_idx %arg7[%get3A_29, %add3A_33] : memref<80x320xf32, #tpu.memory_space<vmem>>[vector<16xi32>, vector<16xi32>], vector<16xf32>,
      %swap3A_35 = arith.constant 32 : index
      %swap3A_36 = tpu.vector_load %arg9[%swap3A_35] {strides = array<i32>} : memref<1024xf32, #tpu.memory_space<vmem>>, vector<16xf32>,
      tpu.vector_store %arg9[%swap3A_35], %gather3A_34 {strides = array<i32>} : memref<1024xf32, #tpu.memory_space<vmem>>, vector<16xf32>,
      %get3A_37 = arith.constant 48 : index
      %get3A_38 = tpu.vector_load %arg8[%get3A_37] {strides = array<i32>} : memref<1024xi32, #tpu.memory_space<vmem>>, vector<16xi32>,
      %iota3A_39 = tpu.iota {dimensions = array<i32: 0>} : vector<16xi32>
      %add3A_40 = arith.constant 48 : i32
      %add3A_41 = vector.broadcast %add3A_40 : i32 to vector<16xi32>
      %add3A_42 = arith.addi %iota3A_39, %add3A_41 : vector<16xi32>
      %gather3A_43 = tpu.vector_load_idx %arg7[%get3A_38, %add3A_42] : memref<80x320xf32, #tpu.memory_space<vmem>>[vector<16xi32>, vector<16xi32>], vector<16xf32>,
      %swap3A_44 = arith.constant 48 : index
      %swap3A_45 = tpu.vector_load %arg9[%swap3A_44] {strides = array<i32>} : memref<1024xf32, #tpu.memory_space<vmem>>, vector<16xf32>,
      tpu.vector_store %arg9[%swap3A_44], %gather3A_43 {strides = array<i32>} : memref<1024xf32, #tpu.memory_space<vmem>>, vector<16xf32>,
      %get3A_46 = arith.constant 64 : index
      %get3A_47 = tpu.vector_load %arg8[%get3A_46] {strides = array<i32>} : memref<1024xi32, #tpu.memory_space<vmem>>, vector<16xi32>,
      %iota3A_48 = tpu.iota {dimensions = array<i32: 0>} : vector<16xi32>
      %add3A_49 = arith.constant 64 : i32
      %add3A_50 = vector.broadcast %add3A_49 : i32 to vector<16xi32>
      %add3A_51 = arith.addi %iota3A_48, %add3A_50 : vector<16xi32>
      %gather3A_52 = tpu.vector_load_idx %arg7[%get3A_47, %add3A_51] : memref<80x320xf32, #tpu.memory_space<vmem>>[vector<16xi32>, vector<16xi32>], vector<16xf32>,
      %swap3A_53 = arith.constant 64 : index
      %swap3A_54 = tpu.vector_load %arg9[%swap3A_53] {strides = array<i32>} : memref<1024xf32, #tpu.memory_space<vmem>>, vector<16xf32>,
      tpu.vector_store %arg9[%swap3A_53], %gather3A_52 {strides = array<i32>} : memref<1024xf32, #tpu.memory_space<vmem>>, vector<16xf32>,
      %get3A_55 = arith.constant 80 : index
      %get3A_56 = tpu.vector_load %arg8[%get3A_55] {strides = array<i32>} : memref<1024xi32, #tpu.memory_space<vmem>>, vector<16xi32>,
      %iota3A_57 = tpu.iota {dimensions = array<i32: 0>} : vector<16xi32>
      %add3A_58 = arith.constant 80 : i32
      %add3A_59 = vector.broadcast %add3A_58 : i32 to vector<16xi32>
      %add3A_60 = arith.addi %iota3A_57, %add3A_59 : vector<16xi32>
      %gather3A_61 = tpu.vector_load_idx %arg7[%get3A_56, %add3A_60] : memref<80x320xf32, #tpu.memory_space<vmem>>[vector<16xi32>, vector<16xi32>], vector<16xf32>,
      %swap3A_62 = arith.constant 80 : index
      %swap3A_63 = tpu.vector_load %arg9[%swap3A_62] {strides = array<i32>} : memref<1024xf32, #tpu.memory_space<vmem>>, vector<16xf32>,
      tpu.vector_store %arg9[%swap3A_62], %gather3A_61 {strides = array<i32>} : memref<1024xf32, #tpu.memory_space<vmem>>, vector<16xf32>,
      %get3A_64 = arith.constant 96 : index
      %get3A_65 = tpu.vector_load %arg8[%get3A_64] {strides = array<i32>} : memref<1024xi32, #tpu.memory_space<vmem>>, vector<16xi32>,
      %iota3A_66 = tpu.iota {dimensions = array<i32: 0>} : vector<16xi32>
      %add3A_67 = arith.constant 96 : i32
      %add3A_68 = vector.broadcast %add3A_67 : i32 to vector<16xi32>
      %add3A_69 = arith.addi %iota3A_66, %add3A_68 : vector<16xi32>
      %gather3A_70 = tpu.vector_load_idx %arg7[%get3A_65, %add3A_69] : memref<80x320xf32, #tpu.memory_space<vmem>>[vector<16xi32>, vector<16xi32>], vector<16xf32>,
      %swap3A_71 = arith.constant 96 : index
      %swap3A_72 = tpu.vector_load %arg9[%swap3A_71] {strides = array<i32>} : memref<1024xf32, #tpu.memory_space<vmem>>, vector<16xf32>,
      tpu.vector_store %arg9[%swap3A_71], %gather3A_70 {strides = array<i32>} : memref<1024xf32, #tpu.memory_space<vmem>>, vector<16xf32>,
      %get3A_73 = arith.constant 112 : index
      %get3A_74 = tpu.vector_load %arg8[%get3A_73] {strides = array<i32>} : memref<1024xi32, #tpu.memory_space<vmem>>, vector<16xi32>,
      %iota3A_75 = tpu.iota {dimensions = array<i32: 0>} : vector<16xi32>
      %add3A_76 = arith.constant 112 : i32
      %add3A_77 = vector.broadcast %add3A_76 : i32 to vector<16xi32>
      %add3A_78 = arith.addi %iota3A_75, %add3A_77 : vector<16xi32>
      %gather3A_79 = tpu.vector_load_idx %arg7[%get3A_74, %add3A_78] : memref<80x320xf32, #tpu.memory_space<vmem>>[vector<16xi32>, vector<16xi32>], vector<16xf32>,
      %swap3A_80 = arith.constant 112 : index
      %swap3A_81 = tpu.vector_load %arg9[%swap3A_80] {strides = array<i32>} : memref<1024xf32, #tpu.memory_space<vmem>>, vector<16xf32>,
      tpu.vector_store %arg9[%swap3A_80], %gather3A_79 {strides = array<i32>} : memref<1024xf32, #tpu.memory_space<vmem>>, vector<16xf32>,
      %get3A_82 = arith.constant 128 : index
      %get3A_83 = tpu.vector_load %arg8[%get3A_82] {strides = array<i32>} : memref<1024xi32, #tpu.memory_space<vmem>>, vector<16xi32>,
      %iota3A_84 = tpu.iota {dimensions = array<i32: 0>} : vector<16xi32>
      %add3A_85 = arith.constant 128 : i32
      %add3A_86 = vector.broadcast %add3A_85 : i32 to vector<16xi32>
      %add3A_87 = arith.addi %iota3A_84, %add3A_86 : vector<16xi32>
      %gather3A_88 = tpu.vector_load_idx %arg7[%get3A_83, %add3A_87] : memref<80x320xf32, #tpu.memory_space<vmem>>[vector<16xi32>, vector<16xi32>], vector<16xf32>,
      %swap3A_89 = arith.constant 128 : index
      %swap3A_90 = tpu.vector_load %arg9[%swap3A_89] {strides = array<i32>} : memref<1024xf32, #tpu.memory_space<vmem>>, vector<16xf32>,
      tpu.vector_store %arg9[%swap3A_89], %gather3A_88 {strides = array<i32>} : memref<1024xf32, #tpu.memory_space<vmem>>, vector<16xf32>,
      %get3A_91 = arith.constant 144 : index
      %get3A_92 = tpu.vector_load %arg8[%get3A_91] {strides = array<i32>} : memref<1024xi32, #tpu.memory_space<vmem>>, vector<16xi32>,
      %iota3A_93 = tpu.iota {dimensions = array<i32: 0>} : vector<16xi32>
      %add3A_94 = arith.constant 144 : i32
      %add3A_95 = vector.broadcast %add3A_94 : i32 to vector<16xi32>
      %add3A_96 = arith.addi %iota3A_93, %add3A_95 : vector<16xi32>
      %gather3A_97 = tpu.vector_load_idx %arg7[%get3A_92, %add3A_96] : memref<80x320xf32, #tpu.memory_space<vmem>>[vector<16xi32>, vector<16xi32>], vector<16xf32>,
      %swap3A_98 = arith.constant 144 : index
      %swap3A_99 = tpu.vector_load %arg9[%swap3A_98] {strides = array<i32>} : memref<1024xf32, #tpu.memory_space<vmem>>, vector<16xf32>,
      tpu.vector_store %arg9[%swap3A_98], %gather3A_97 {strides = array<i32>} : memref<1024xf32, #tpu.memory_space<vmem>>, vector<16xf32>,
      %get3A_100 = arith.constant 160 : index
      %get3A_101 = tpu.vector_load %arg8[%get3A_100] {strides = array<i32>} : memref<1024xi32, #tpu.memory_space<vmem>>, vector<16xi32>,
      %iota3A_102 = tpu.iota {dimensions = array<i32: 0>} : vector<16xi32>
      %add3A_103 = arith.constant 160 : i32
      %add3A_104 = vector.broadcast %add3A_103 : i32 to vector<16xi32>
      %add3A_105 = arith.addi %iota3A_102, %add3A_104 : vector<16xi32>
      %gather3A_106 = tpu.vector_load_idx %arg7[%get3A_101, %add3A_105] : memref<80x320xf32, #tpu.memory_space<vmem>>[vector<16xi32>, vector<16xi32>], vector<16xf32>,
      %swap3A_107 = arith.constant 160 : index
      %swap3A_108 = tpu.vector_load %arg9[%swap3A_107] {strides = array<i32>} : memref<1024xf32, #tpu.memory_space<vmem>>, vector<16xf32>,
      tpu.vector_store %arg9[%swap3A_107], %gather3A_106 {strides = array<i32>} : memref<1024xf32, #tpu.memory_space<vmem>>, vector<16xf32>,
      %get3A_109 = arith.constant 176 : index
      %get3A_110 = tpu.vector_load %arg8[%get3A_109] {strides = array<i32>} : memref<1024xi32, #tpu.memory_space<vmem>>, vector<16xi32>,
      %iota3A_111 = tpu.iota {dimensions = array<i32: 0>} : vector<16xi32>
      %add3A_112 = arith.constant 176 : i32
      %add3A_113 = vector.broadcast %add3A_112 : i32 to vector<16xi32>
      %add3A_114 = arith.addi %iota3A_111, %add3A_113 : vector<16xi32>
      %gather3A_115 = tpu.vector_load_idx %arg7[%get3A_110, %add3A_114] : memref<80x320xf32, #tpu.memory_space<vmem>>[vector<16xi32>, vector<16xi32>], vector<16xf32>,
      %swap3A_116 = arith.constant 176 : index
      %swap3A_117 = tpu.vector_load %arg9[%swap3A_116] {strides = array<i32>} : memref<1024xf32, #tpu.memory_space<vmem>>, vector<16xf32>,
      tpu.vector_store %arg9[%swap3A_116], %gather3A_115 {strides = array<i32>} : memref<1024xf32, #tpu.memory_space<vmem>>, vector<16xf32>,
      %get3A_118 = arith.constant 192 : index
      %get3A_119 = tpu.vector_load %arg8[%get3A_118] {strides = array<i32>} : memref<1024xi32, #tpu.memory_space<vmem>>, vector<16xi32>,
      %iota3A_120 = tpu.iota {dimensions = array<i32: 0>} : vector<16xi32>
      %add3A_121 = arith.constant 192 : i32
      %add3A_122 = vector.broadcast %add3A_121 : i32 to vector<16xi32>
      %add3A_123 = arith.addi %iota3A_120, %add3A_122 : vector<16xi32>
      %gather3A_124 = tpu.vector_load_idx %arg7[%get3A_119, %add3A_123] : memref<80x320xf32, #tpu.memory_space<vmem>>[vector<16xi32>, vector<16xi32>], vector<16xf32>,
      %swap3A_125 = arith.constant 192 : index
      %swap3A_126 = tpu.vector_load %arg9[%swap3A_125] {strides = array<i32>} : memref<1024xf32, #tpu.memory_space<vmem>>, vector<16xf32>,
      tpu.vector_store %arg9[%swap3A_125], %gather3A_124 {strides = array<i32>} : memref<1024xf32, #tpu.memory_space<vmem>>, vector<16xf32>,
      %get3A_127 = arith.constant 208 : index
      %get3A_128 = tpu.vector_load %arg8[%get3A_127] {strides = array<i32>} : memref<1024xi32, #tpu.memory_space<vmem>>, vector<16xi32>,
      %iota3A_129 = tpu.iota {dimensions = array<i32: 0>} : vector<16xi32>
      %add3A_130 = arith.constant 208 : i32
      %add3A_131 = vector.broadcast %add3A_130 : i32 to vector<16xi32>
      %add3A_132 = arith.addi %iota3A_129, %add3A_131 : vector<16xi32>
      %gather3A_133 = tpu.vector_load_idx %arg7[%get3A_128, %add3A_132] : memref<80x320xf32, #tpu.memory_space<vmem>>[vector<16xi32>, vector<16xi32>], vector<16xf32>,
      %swap3A_134 = arith.constant 208 : index
      %swap3A_135 = tpu.vector_load %arg9[%swap3A_134] {strides = array<i32>} : memref<1024xf32, #tpu.memory_space<vmem>>, vector<16xf32>,
      tpu.vector_store %arg9[%swap3A_134], %gather3A_133 {strides = array<i32>} : memref<1024xf32, #tpu.memory_space<vmem>>, vector<16xf32>,
      %get3A_136 = arith.constant 224 : index
      %get3A_137 = tpu.vector_load %arg8[%get3A_136] {strides = array<i32>} : memref<1024xi32, #tpu.memory_space<vmem>>, vector<16xi32>,
      %iota3A_138 = tpu.iota {dimensions = array<i32: 0>} : vector<16xi32>
      %add3A_139 = arith.constant 224 : i32
      %add3A_140 = vector.broadcast %add3A_139 : i32 to vector<16xi32>
      %add3A_141 = arith.addi %iota3A_138, %add3A_140 : vector<16xi32>
      %gather3A_142 = tpu.vector_load_idx %arg7[%get3A_137, %add3A_141] : memref<80x320xf32, #tpu.memory_space<vmem>>[vector<16xi32>, vector<16xi32>], vector<16xf32>,
      %swap3A_143 = arith.constant 224 : index
      %swap3A_144 = tpu.vector_load %arg9[%swap3A_143] {strides = array<i32>} : memref<1024xf32, #tpu.memory_space<vmem>>, vector<16xf32>,
      tpu.vector_store %arg9[%swap3A_143], %gather3A_142 {strides = array<i32>} : memref<1024xf32, #tpu.memory_space<vmem>>, vector<16xf32>,
      %get3A_145 = arith.constant 240 : index
      %get3A_146 = tpu.vector_load %arg8[%get3A_145] {strides = array<i32>} : memref<1024xi32, #tpu.memory_space<vmem>>, vector<16xi32>,
      %iota3A_147 = tpu.iota {dimensions = array<i32: 0>} : vector<16xi32>
      %add3A_148 = arith.constant 240 : i32
      %add3A_149 = vector.broadcast %add3A_148 : i32 to vector<16xi32>
      %add3A_150 = arith.addi %iota3A_147, %add3A_149 : vector<16xi32>
      %gather3A_151 = tpu.vector_load_idx %arg7[%get3A_146, %add3A_150] : memref<80x320xf32, #tpu.memory_space<vmem>>[vector<16xi32>, vector<16xi32>], vector<16xf32>,
      %swap3A_152 = arith.constant 240 : index
      %swap3A_153 = tpu.vector_load %arg9[%swap3A_152] {strides = array<i32>} : memref<1024xf32, #tpu.memory_space<vmem>>, vector<16xf32>,
      tpu.vector_store %arg9[%swap3A_152], %gather3A_151 {strides = array<i32>} : memref<1024xf32, #tpu.memory_space<vmem>>, vector<16xf32>,
      %get3A_154 = arith.constant 256 : index
      %get3A_155 = tpu.vector_load %arg8[%get3A_154] {strides = array<i32>} : memref<1024xi32, #tpu.memory_space<vmem>>, vector<16xi32>,
      %iota3A_156 = tpu.iota {dimensions = array<i32: 0>} : vector<16xi32>
      %add3A_157 = arith.constant 256 : i32
      %add3A_158 = vector.broadcast %add3A_157 : i32 to vector<16xi32>
      %add3A_159 = arith.addi %iota3A_156, %add3A_158 : vector<16xi32>
      %gather3A_160 = tpu.vector_load_idx %arg7[%get3A_155, %add3A_159] : memref<80x320xf32, #tpu.memory_space<vmem>>[vector<16xi32>, vector<16xi32>], vector<16xf32>,
      %swap3A_161 = arith.constant 256 : index
      %swap3A_162 = tpu.vector_load %arg9[%swap3A_161] {strides = array<i32>} : memref<1024xf32, #tpu.memory_space<vmem>>, vector<16xf32>,
      tpu.vector_store %arg9[%swap3A_161], %gather3A_160 {strides = array<i32>} : memref<1024xf32, #tpu.memory_space<vmem>>, vector<16xf32>,
      %get3A_163 = arith.constant 272 : index
      %get3A_164 = tpu.vector_load %arg8[%get3A_163] {strides = array<i32>} : memref<1024xi32, #tpu.memory_space<vmem>>, vector<16xi32>,
      %iota3A_165 = tpu.iota {dimensions = array<i32: 0>} : vector<16xi32>
      %add3A_166 = arith.constant 272 : i32
      %add3A_167 = vector.broadcast %add3A_166 : i32 to vector<16xi32>
      %add3A_168 = arith.addi %iota3A_165, %add3A_167 : vector<16xi32>
      %gather3A_169 = tpu.vector_load_idx %arg7[%get3A_164, %add3A_168] : memref<80x320xf32, #tpu.memory_space<vmem>>[vector<16xi32>, vector<16xi32>], vector<16xf32>,
      %swap3A_170 = arith.constant 272 : index
      %swap3A_171 = tpu.vector_load %arg9[%swap3A_170] {strides = array<i32>} : memref<1024xf32, #tpu.memory_space<vmem>>, vector<16xf32>,
      tpu.vector_store %arg9[%swap3A_170], %gather3A_169 {strides = array<i32>} : memref<1024xf32, #tpu.memory_space<vmem>>, vector<16xf32>,
      %get3A_172 = arith.constant 288 : index
      %get3A_173 = tpu.vector_load %arg8[%get3A_172] {strides = array<i32>} : memref<1024xi32, #tpu.memory_space<vmem>>, vector<16xi32>,
      %iota3A_174 = tpu.iota {dimensions = array<i32: 0>} : vector<16xi32>
      %add3A_175 = arith.constant 288 : i32
      %add3A_176 = vector.broadcast %add3A_175 : i32 to vector<16xi32>
      %add3A_177 = arith.addi %iota3A_174, %add3A_176 : vector<16xi32>
      %gather3A_178 = tpu.vector_load_idx %arg7[%get3A_173, %add3A_177] : memref<80x320xf32, #tpu.memory_space<vmem>>[vector<16xi32>, vector<16xi32>], vector<16xf32>,
      %swap3A_179 = arith.constant 288 : index
      %swap3A_180 = tpu.vector_load %arg9[%swap3A_179] {strides = array<i32>} : memref<1024xf32, #tpu.memory_space<vmem>>, vector<16xf32>,
      tpu.vector_store %arg9[%swap3A_179], %gather3A_178 {strides = array<i32>} : memref<1024xf32, #tpu.memory_space<vmem>>, vector<16xf32>,
      %get3A_181 = arith.constant 304 : index
      %get3A_182 = tpu.vector_load %arg8[%get3A_181] {strides = array<i32>} : memref<1024xi32, #tpu.memory_space<vmem>>, vector<16xi32>,
      %iota3A_183 = tpu.iota {dimensions = array<i32: 0>} : vector<16xi32>
      %add3A_184 = arith.constant 304 : i32
      %add3A_185 = vector.broadcast %add3A_184 : i32 to vector<16xi32>
      %add3A_186 = arith.addi %iota3A_183, %add3A_185 : vector<16xi32>
      %gather3A_187 = tpu.vector_load_idx %arg7[%get3A_182, %add3A_186] : memref<80x320xf32, #tpu.memory_space<vmem>>[vector<16xi32>, vector<16xi32>], vector<16xf32>,
      %swap3A_188 = arith.constant 304 : index
      %swap3A_189 = tpu.vector_load %arg9[%swap3A_188] {strides = array<i32>} : memref<1024xf32, #tpu.memory_space<vmem>>, vector<16xf32>,
      tpu.vector_store %arg9[%swap3A_188], %gather3A_187 {strides = array<i32>} : memref<1024xf32, #tpu.memory_space<vmem>>, vector<16xf32>,
      "tpu.region"() ({
        %run_scoped3A = tpu.sem_alloc : memref<!tpu.dma_semaphore, #tpu.memory_space<semaphore_mem>>
        %dma_start3A = arith.constant 0 : i32
        %dma_start3A_190 = tpu.memref_slice %arg9[%dma_start3A] : memref<1024xf32, #tpu.memory_space<vmem>> -> memref<320xf32, #tpu.memory_space<vmem>>
        %dma_start3A_191 = arith.constant 199680 : i32
        %dma_start3A_192 = tpu.memref_slice %arg5[%dma_start3A_191] : memref<200704xf32, #tpu.memory_space<hbm>> -> memref<320xf32, #tpu.memory_space<hbm>>
        %dma_start3A_193 = arith.constant 199680 : i32
        %dma_start3A_194 = tpu.memref_slice %arg5[%dma_start3A_193] : memref<200704xf32, #tpu.memory_space<hbm>> -> memref<320xf32, #tpu.memory_space<hbm>>
        %dma_start3A_195 = arith.constant 0 : i32
        %dma_start3A_196 = tpu.memref_slice %arg9[%dma_start3A_195] : memref<1024xf32, #tpu.memory_space<vmem>> -> memref<320xf32, #tpu.memory_space<vmem>>
        tpu.enqueue_dma source(%dma_start3A_196 : memref<320xf32, #tpu.memory_space<vmem>>) target(%dma_start3A_194 : memref<320xf32, #tpu.memory_space<hbm>>) target_semaphore(%run_scoped3A : memref<!tpu.dma_semaphore, #tpu.memory_space<semaphore_mem>>)
        %dma_wait3A = arith.constant 0 : i32
        %dma_wait3A_197 = tpu.memref_slice %arg9[%dma_wait3A] : memref<1024xf32, #tpu.memory_space<vmem>> -> memref<320xf32, #tpu.memory_space<vmem>>
        %dma_wait3A_198 = arith.constant 199680 : i32
        %dma_wait3A_199 = tpu.memref_slice %arg5[%dma_wait3A_198] : memref<200704xf32, #tpu.memory_space<hbm>> -> memref<320xf32, #tpu.memory_space<hbm>>
        %dma_wait3A_200 = arith.constant 199680 : i32
        %dma_wait3A_201 = tpu.memref_slice %arg5[%dma_wait3A_200] : memref<200704xf32, #tpu.memory_space<hbm>> -> memref<320xf32, #tpu.memory_space<hbm>>
        %dma_wait3A_202 = arith.constant 0 : i32
        %dma_wait3A_203 = tpu.memref_slice %arg9[%dma_wait3A_202] : memref<1024xf32, #tpu.memory_space<vmem>> -> memref<320xf32, #tpu.memory_space<vmem>>
        tpu.wait_dma2 semaphore(%run_scoped3A : memref<!tpu.dma_semaphore, #tpu.memory_space<semaphore_mem>>) src(%dma_wait3A_203 : memref<320xf32, #tpu.memory_space<vmem>>) dst(%dma_wait3A_201 : memref<320xf32, #tpu.memory_space<hbm>>)
        tpu.yield
      }) : () -> ()
    } else {
    }
    return
  }
}

module attributes {stable_mosaic.version = 14 : i64} {
  func.func @_qfl_block_t(%arg0: i32, %arg1: memref<80x20480xf32, #tpu.memory_space<vmem>>, %arg2: memref<20480xf32, #tpu.memory_space<vmem>>, %arg3: memref<20480xi32, #tpu.memory_space<vmem>>, %arg4: memref<80x20480xf32, #tpu.memory_space<vmem>>) attributes {dimension_semantics = [#tpu.dimension_semantics<arbitrary>], iteration_bounds = array<i64: 10>, scalar_prefetch = 0 : i64, scratch_operands = 0 : i64, tpu.core_type = #tpu.core_type<tc>, window_params = [{transform_indices = @transform_0, window_bounds = array<i64: 80, 20480>}, {transform_indices = @transform_1, window_bounds = array<i64: 20480>}, {transform_indices = @transform_2, window_bounds = array<i64: 20480>}, {transform_indices = @transform_3, window_bounds = array<i64: 80, 20480>}]} {
    %get3A = arith.constant 0 : index
    %get3A_0 = arith.constant 0 : index
    %get3A_1 = vector.load %arg1[%get3A, %get3A_0] : memref<80x20480xf32, #tpu.memory_space<vmem>>, vector<80x20480xf32>
    %get3A_2 = arith.constant 0 : index
    %get3A_3 = vector.load %arg2[%get3A_2] : memref<20480xf32, #tpu.memory_space<vmem>>, vector<20480xf32>
    %get3A_4 = arith.constant 0 : index
    %get3A_5 = vector.load %arg3[%get3A_4] : memref<20480xi32, #tpu.memory_space<vmem>>, vector<20480xi32>
    %iota3A = tpu.iota {dimensions = array<i32: 0>} : vector<80x20480xi32>
    %broadcast_in_dim3A = vector.shape_cast %get3A_5 : vector<20480xi32> to vector<1x20480xi32>
    %eq3A = vector.broadcast %broadcast_in_dim3A : vector<1x20480xi32> to vector<80x20480xi32>
    %eq3A_6 = arith.cmpi eq, %iota3A, %eq3A : vector<80x20480xi32>
    %mul3A = arith.constant 5.000000e-01 : f32
    %mul3A_7 = vector.broadcast %mul3A : f32 to vector<80x20480xf32>
    %mul3A_8 = arith.mulf %mul3A_7, %get3A_1 : vector<80x20480xf32>
    %tanh3A = math.tanh %mul3A_8 : vector<80x20480xf32>
    %mul3A_9 = arith.constant 5.000000e-01 : f32
    %mul3A_10 = vector.broadcast %mul3A_9 : f32 to vector<80x20480xf32>
    %mul3A_11 = arith.mulf %mul3A_10, %tanh3A : vector<80x20480xf32>
    %add3A = arith.constant 5.000000e-01 : f32
    %add3A_12 = vector.broadcast %add3A : f32 to vector<80x20480xf32>
    %add3A_13 = arith.addf %mul3A_11, %add3A_12 : vector<80x20480xf32>
    %abs3A = math.absf %tanh3A : vector<80x20480xf32>
    %mul3A_14 = arith.constant 5.000000e-01 : f32
    %mul3A_15 = vector.broadcast %mul3A_14 : f32 to vector<80x20480xf32>
    %mul3A_16 = arith.mulf %mul3A_15, %abs3A : vector<80x20480xf32>
    %add3A_17 = arith.constant 5.000000e-01 : f32
    %add3A_18 = vector.broadcast %add3A_17 : f32 to vector<80x20480xf32>
    %add3A_19 = arith.addf %mul3A_16, %add3A_18 : vector<80x20480xf32>
    %log3A = math.log %add3A_19 : vector<80x20480xf32>
    %neg3A = arith.constant 0.000000e+00 : f32
    %neg3A_20 = vector.broadcast %neg3A : f32 to vector<80x20480xf32>
    %neg3A_21 = arith.subf %neg3A_20, %log3A : vector<80x20480xf32>
    %max3A = arith.constant 0.000000e+00 : f32
    %max3A_22 = vector.broadcast %max3A : f32 to vector<80x20480xf32>
    %max3A_23 = arith.maximumf %get3A_1, %max3A_22 : vector<80x20480xf32>
    %add3A_24 = arith.addf %max3A_23, %neg3A_21 : vector<80x20480xf32>
    %jit3A = arith.constant 0.000000e+00 : f32
    %broadcast_in_dim3A_25 = vector.shape_cast %get3A_3 : vector<20480xf32> to vector<1x20480xf32>
    %broadcast_in_dim3A_26 = vector.broadcast %broadcast_in_dim3A_25 : vector<1x20480xf32> to vector<80x20480xf32>
    %broadcast_in_dim3A_27 = vector.broadcast %jit3A : f32 to vector<80x20480xf32>
    %select_n3A = arith.select %eq3A_6, %broadcast_in_dim3A_26, %broadcast_in_dim3A_27 : vector<80x20480xi1>, vector<80x20480xf32>
    %broadcast_in_dim3A_28 = vector.shape_cast %get3A_3 : vector<20480xf32> to vector<1x20480xf32>
    %sub3A = vector.broadcast %broadcast_in_dim3A_28 : vector<1x20480xf32> to vector<80x20480xf32>
    %sub3A_29 = arith.subf %sub3A, %add3A_13 : vector<80x20480xf32>
    %select_n3A_30 = arith.select %eq3A_6, %sub3A_29, %add3A_13 : vector<80x20480xi1>, vector<80x20480xf32>
    %mul3A_31 = arith.mulf %get3A_1, %select_n3A : vector<80x20480xf32>
    %sub3A_32 = arith.subf %add3A_24, %mul3A_31 : vector<80x20480xf32>
    %mul3A_33 = arith.mulf %select_n3A_30, %select_n3A_30 : vector<80x20480xf32>
    %mul3A_34 = arith.mulf %sub3A_32, %mul3A_33 : vector<80x20480xf32>
    %swap3A = arith.constant 0 : index
    %swap3A_35 = arith.constant 0 : index
    %swap3A_36 = vector.load %arg4[%swap3A, %swap3A_35] : memref<80x20480xf32, #tpu.memory_space<vmem>>, vector<80x20480xf32>
    tpu.vector_store %arg4[%swap3A, %swap3A_35], %mul3A_34 {strides = array<i32>} : memref<80x20480xf32, #tpu.memory_space<vmem>>, vector<80x20480xf32>,
    return
  }
  func.func @transform_0(%arg0: i32) -> (i32, i32) {
    %c0_i32 = arith.constant 0 : i32
    %c0_i32_0 = arith.constant 0 : i32
    return %c0_i32, %arg0 : i32, i32
  }
  func.func @transform_1(%arg0: i32) -> i32 {
    %c0_i32 = arith.constant 0 : i32
    return %arg0 : i32
  }
  func.func @transform_2(%arg0: i32) -> i32 {
    %c0_i32 = arith.constant 0 : i32
    return %arg0 : i32
  }
  func.func @transform_3(%arg0: i32) -> (i32, i32) {
    %c0_i32 = arith.constant 0 : i32
    %c0_i32_0 = arith.constant 0 : i32
    return %c0_i32, %arg0 : i32, i32
  }
}

</mosaic_0001>

<sc_bundles>
// kernel: kernel.4.cloned.1.call-start
scs
__scs_entry_jumppad:
0x0: {  	(pc) =	sbr.rel $0x88, $3  }
0x1: {  	(tag) =	ssettag $0x0;
	lr =	simm.s32 $0x1  }
0x2: {  	[smem:$0x3F9E] =	sst lr;
	_ =	strace $0xD0000000  }
0x3: {  	_ = 	snop  }
0x4: {  	_ = 	snop  }
0x5: {  	_ = 	snop  }
0x6: {  	_ = 	snop  }
0x7: {  	_ = 	snop  }
__scs_overlays_trampoline_lowered:
0x8: {  	[smem:$0x3FAD] =	sst s0  }
0x9: {  	[smem:$0x3FAE] =	sst s1  }
0xa: {  	[smem:$0x3FAF] =	sst s2  }
0xb: {  	[smem:$0x3FB0] =	sst s3  }
0xc: {  	[smem:$0x3FB1] =	sst s4  }
0xd: {  	[smem:$0x3FB2] =	sst s5  }
0xe: {  	[smem:$0x3FB3] =	sst s6  }
0xf: {  	[smem:$0x3FB4] =	sst s7  }
0x10: {  	[smem:$0x3FB5] =	sst s8  }
0x11: {  	[smem:$0x3FB6] =	sst s9;
	s0 =	simm.s32 @!p0 $0x0  }
0x12: {  	s1 =	sld [smem:$0x3F9C];
	s0 =	simm.s32 @p0 $0x1  }
0x13: {  	[smem:$0x3FB7] =	sst s0;
	s0 =	simm.s32 @!p1 $0x0  }
0x14: {  	s2 =	sld [smem:$0x3F9B];
	s0 =	simm.s32 @p1 $0x1  }
0x15: {  	[smem:$0x3FB8] =	sst s0;
	s0 =	simm.s32 @!p2 $0x0  }
0x16: {  	s3 =	sld [smem:$0x3FDB];
	s0 =	simm.s32 @p2 $0x1  }
0x17: {  	s4 =	simm.s32 $0x1BF5;
	[smem:$0x3FBA] =	sst s0  }
0x18: {  	s0 =	sld [smem:$0x3F9D];
	_ =	swait.ge [sflag:s4], $0x0  }
0x19: {  	s7 =	sld [smem:$0x3F9E]  }
0x1a: {  	s8 =	sadd.s32 $0xFFFFE003, lr  }
0x1b: {  	s9 =	sadd.s32 $0xFFFFFEF7, lr;
	s5 =	simm.s32 $0xFFFFFFFF;
	p2 =	slt.u32 s8, $0xFFFFF086  }
0x1c: {  	p1 =	slt.u32 s9, $0xF7A;
	s5 =	simm.s32 @!p2 $0x0  }
0x1d: {  	s5 =	simm.s32 @p1 $0x1;
	p0 =	seq.s32 s7, s2  }
0x1e: {  	s7 =	smul.u32 @!p0 $0xF7A, s2;
	p2 =	seq.s32 @!p0 s5, $0x0  }
0x1f: {  	s9 =	smul.u32 $0xF7A, s1;
	s8 =	simm.s32 @!p0 $0x1BF5;
	p2 =	por !p2, p0  }
0x20: {  	[sflag:s8] =	ssyncset.s32 @!p0 $0xFFFFF086;
	s6 =	sadd.s32 @!p0 s3, s7;
	s7 =	simm.s32 @!p0 $0x108  }
0x21: {  	s3 =	sadd.s32 s3, s9;
	s6 =	sadd.s32 @!p0 $0x88, s6;
	s7 =	simm.s32 @p2 $0x1082  }
0x22: {  	[simem:s7], [sflag:s8] =	dma.local @!p0 [hbm:s6], $0xF7A  }
0x23: {  	s9 =	sor.u32 $0xD0000000, s2;
	s6 =	simm.s32 $0x108;
	_ =	swait.ge @!p0 [sflag:s8], $0x0  }
0x24: {  	s3 =	sadd.s32 $0x88, s3;
	s6 =	simm.s32 @!p1 $0x1082;
	[sflag:s4] =	ssyncset.s32 $0xFFFFF086  }
0x25: {  	[simem:s6], [sflag:s4] =	dma.local [hbm:s3], $0xF7A  }
0x26: {  	[smem:$0x3F9E] =	sst s1;
	(tag) =	ssettag s2;
	_ =	strace s9  }
0x27: {  	s1 =	sld [smem:$0x3FAE]  }
0x28: {  	s2 =	sld [smem:$0x3FAF]  }
0x29: {  	s4 =	sld [smem:$0x3FB1]  }
0x2a: {  	p0 =	seq.s32 s5, $0x0;
	s5 =	sld [smem:$0x3FB2]  }
0x2b: {  	s6 =	sld [smem:$0x3FB3]  }
0x2c: {  	s7 =	sld [smem:$0x3FB4]  }
0x2d: {  	s3 =	simm.s32 $0x108;
	s8 =	sld [smem:$0x3FB5]  }
0x2e: {  	s3 =	simm.s32 @!p0 $0x1082;
	s9 =	sld [smem:$0x3FB6]  }
0x2f: {  	lr =	sadd.s32 s0, s3;
	s0 =	sld [smem:$0x3FAD]  }
0x30: {  	s3 =	sld [smem:$0x3FB0]  }
0x31: {  	[smem:$0x3FB9] =	sst s10  }
0x32: {  	s10 =	sld [smem:$0x3FB7];
	_ =	sdelay $0x3  }
0x33: {  	p0 =	seq.s32 s10, $0x1;
	s10 =	sld [smem:$0x3FB9];
	_ =	sdelay $0x3  }
0x34: {  	[smem:$0x3FB9] =	sst s10  }
0x35: {  	s10 =	sld [smem:$0x3FB8];
	_ =	sdelay $0x3  }
0x36: {  	p1 =	seq.s32 s10, $0x1;
	s10 =	sld [smem:$0x3FB9];
	_ =	sdelay $0x3  }
0x37: {  	[smem:$0x3FB9] =	sst s10  }
0x38: {  	s10 =	sld [smem:$0x3FBA]  }
0x39: {  	_ = 	snop;
	(pc) =	sbr.ind lr, $3  }
0x3a: {  	_ = 	snop  }
0x3b: {  	_ = 	snop  }
0x3c: {  	p2 =	seq.s32 s10, $0x1;
	s10 =	sld [smem:$0x3FB9]  }
0x3d: {  	_ =	shalt  }
0x3e: {  	_ =	shalt  }
0x3f: {  	_ =	shalt  }
0x40: {  	_ =	shalt  }
0x41: {  	_ =	shalt  }
0x42: {  	_ =	shalt  }
0x43: {  	_ =	shalt  }
0x44: {  	_ =	shalt  }
0x45: {  	_ =	shalt  }
0x46: {  	_ =	shalt  }
0x47: {  	_ =	shalt  }
0x48: {  	_ =	shalt  }
0x49: {  	_ =	shalt  }
0x4a: {  	_ =	shalt  }
0x4b: {  	_ =	shalt  }
0x4c: {  	_ =	shalt  }
0x4d: {  	_ =	shalt  }
0x4e: {  	_ =	shalt  }
0x4f: {  	_ =	shalt  }
0x50: {  	_ =	shalt  }
0x51: {  	_ =	shalt  }
0x52: {  	_ =	shalt  }
0x53: {  	_ =	shalt  }
0x54: {  	_ =	shalt  }
0x55: {  	_ =	shalt  }
0x56: {  	_ =	shalt  }
0x57: {  	_ =	shalt  }
0x58: {  	_ =	shalt  }
0x59: {  	_ =	shalt  }
0x5a: {  	_ =	shalt  }
0x5b: {  	_ =	shalt  }
0x5c: {  	_ =	shalt  }
0x5d: {  	_ =	shalt  }
0x5e: {  	_ =	shalt  }
0x5f: {  	_ =	shalt  }
0x60: {  	_ =	shalt  }
0x61: {  	_ =	shalt  }
0x62: {  	_ =	shalt  }
0x63: {  	_ =	shalt  }
0x64: {  	_ =	shalt  }
0x65: {  	_ =	shalt  }
0x66: {  	_ =	shalt  }
0x67: {  	_ =	shalt  }
0x68: {  	_ =	shalt  }
0x69: {  	_ =	shalt  }
0x6a: {  	_ =	shalt  }
0x6b: {  	_ =	shalt  }
0x6c: {  	_ =	shalt  }
0x6d: {  	_ =	shalt  }
0x6e: {  	_ =	shalt  }
0x6f: {  	_ =	shalt  }
0x70: {  	_ =	shalt  }
0x71: {  	_ =	shalt  }
0x72: {  	_ =	shalt  }
0x73: {  	_ =	shalt  }
0x74: {  	_ =	shalt  }
0x75: {  	_ =	shalt  }
0x76: {  	_ =	shalt  }
0x77: {  	_ =	shalt  }
0x78: {  	_ =	shalt  }
0x79: {  	_ =	shalt  }
0x7a: {  	_ =	shalt  }
0x7b: {  	_ =	shalt  }
0x7c: {  	_ =	shalt  }
0x7d: {  	_ =	shalt  }
0x7e: {  	_ =	shalt  }
0x7f: {  	_ =	shalt  }
0x80: {  	_ =	shalt  }
0x81: {  	_ =	shalt  }
0x82: {  	_ =	shalt  }
0x83: {  	_ =	shalt  }
0x84: {  	_ =	shalt  }
0x85: {  	_ =	shalt  }
0x86: {  	_ =	shalt  }
0x87: {  	_ =	shalt  }
.Lfunc_end0:
.L_simem_size_0:
called_computation_lowered:
.L_overlay_start_0:
0x88: {  	s2 =	sld [smem:$0x3FD9]  }
0x89: {  	s3 =	sld [smem:$0x3FFE];
	_ =	sdelay $0x1  }
0x8a: {  	s1 =	srdreg.scid  }
0x8b: {  	s0 =	sand.u32 $0x1, s1  }
0x8c: {  	s17 =	sshll.u32 s0, $0xA;
	s2 =	sadd.s32 s3, s2  }
0x8d: {  	s2 =	sadd.s32 s2, s17  }
0x8e: {  	[smem:$0x3FC5] =	sst s2  }
0x8f: {  	_ = 	snop  }
0x90: {  	s2 =	sld [smem:$0x3FC7]  }
0x91: {  	s18 =	sld [smem:$0x3FD0];
	(tm) =	ssettm $0x1  }
0x92: {  	s4 =	sld [smem:$0x3FFB];
	_ =	sdelay $0x3  }
0x93: {  	_ =	strace s4  }
0x94: {  	s4 =	sld [smem:$0x3FFC];
	_ =	sdelay $0x3  }
0x95: {  	_ =	strace s4  }
0x96: {  	s4 =	sld [smem:$0x3FFD];
	_ =	sdelay $0x3  }
0x97: {  	_ =	strace s4  }
0x98: {  	_ =	strace $0x8FFFFFFF  }
0x99: {  	s19 =	sld [smem:$0x3FDB];
	_ =	sdelay $0x1  }
0x9a: {  	s5 =	simm.s32 $_scs_section_size  }
0x9b: {  	s6 =	simm.s32 $_size__tile_overlayer_lowered;
	s7 =	simm.s32 $_tile_overlayer_lowered  }
0x9c: {  	s22 =	simm.s32 $0x1BFF;
	s21 =	sshll.u32 s7, $0x1;
	s4 =	sadd.s32 s5, s19  }
0x9d: {  	s8 =	simm.s32 $0x0;
	s20 =	sshll.u32 s6, $0x1;
	s6 =	sadd.s32 s21, s4  }
0x9e: {  	[timem:s8], [sflag:s22] =	dma.local [hbm:s6], s20  }
0x9f: {  	_ =	swait.ge [sflag:s22], s20  }
0xa0: {  	s5 =	ssub.s32 $0x0, s20;
	[sflag:s22] =	ssyncset.done $0x0  }
0xa1: {  	[sflag:s22] =	ssyncadd.s32 s5;
	_ =	sdelay $0x1  }
0xa2: {  	s23 =	simm.s32 $0x1B8B  }
0xa3: {  	_ =	swait.ge [sflag:s23], $0x1  }
0xa4: {  	[sflag:s23] =	ssyncset.done $0x0  }
0xa5: {  	s25 =	simm.s32 $0x1B8E;
	s24 =	sld [smem:$0x3FFE];
	[sflag:s23] =	ssyncadd.s32 $0xFFFFFFFF  }
0xa6: {  	s26 =	simm.s32 $execute0_lowered;
	[smem:$0x3FD2] =	sst s25  }
0xa7: {  	s6 =	sshll.u32 s26, $0x1;
	_ =	strace $0x80000046;
	[dreg:$0x1] =	wrdreg $0xFFFFFFFF  }
0xa8: {  	s28 =	simm.s32 $_size_execute0_lowered;
	s4 =	sadd.s32 s4, s6;
	[dreg:$0x0] =	wrdreg $0x0  }
0xa9: {  	s6 =	sshll.u32 s28, $0x1;
	[dreg:$0x2] =	wrdreg s4  }
0xaa: {  	[dreg:$0x3] =	wrdreg s6  }
0xab: {  	[dreg:$0x4] =	wrdreg $0xC0  }
0xac: {  	_ =	task [dreg:s8], $0x5FFFF  }
0xad: {  	[dreg:$0x1] =	wrdreg $0xFFFFFFFF  }
0xae: {  	[dreg:$0x0] =	wrdreg $0x60  }
0xaf: {  	[dreg:$0x2] =	wrdreg s2  }
0xb0: {  	[dreg:$0x3] =	wrdreg s24  }
0xb1: {  	[dreg:$0x4] =	wrdreg s18  }
0xb2: {  	[dreg:$0x5] =	wrdreg $0x9  }
0xb3: {  	_ =	task.clear_ibuf [dreg:s8], $0x6FFFF;
	_ =	strace $0x90000046  }
0xb4: {  	s29 =	simm.s32 $0x9;
	_ =	strace $0x80000048  }
0xb5: {  	_ =	swait.ge [sflag:s29], $0x1  }
0xb6: {  	[sflag:s29] =	ssyncadd.s32 $0xFFFFFFFF  }
0xb7: {  	_ =	strace $0x90000048  }
0xb8: {  	_ =	sfence  }
0xb9: {  	s30 =	sld [smem:$0x0];
	_ =	sdelay $0x2  }
0xba: {  	s31 =	sshll.u32 s1, $0xD;
	s1 =	sshrl.u32 s1, $0x2  }
0xbb: {  	s3 =	sand.u32 $0x4000, s31;
	s1 =	sadd.s32 s1, s30  }
0xbc: {  	s0 =	sor.u32 s3, s0;
	s1 =	sshll.u32 s1, $0x11  }
0xbd: {  	s0 =	sor.u32 s1, s0  }
0xbe: {  	s0 =	sadd.s32 $0x8F2B, s0  }
0xbf: {  	[sflag:s0] =	ssyncadd.remote.s32 $0x1  }
0xc0: {  	_ =	sfence.sel $0xFFFF  }
0xc1: {  	[dreg:$0x0] =	wrdreg $0xFFFFFFFF;
	(pc) =	sbr.abs _section_cstart, $3  }
0xc2: {  	[dreg:$0x1] =	wrdreg $0xFFFFFFFF  }
0xc3: {  	_ =	task.clear_ibuf [dreg:s8], $0x2FFFF;
	_ =	strace $0x9FFFFFFF  }
0xc4: {  	(tm) =	ssettm $0x7FFFFFFF  }
0xc5: {  	_ =	shalt  }
tec
execute0_lowered:
.L_overlay_start_1:
0x0: {  	(tag) =	ssettag $0x1  }
0x1: {  	v1 =	vlaneseq.u32  }
0x2: {  	v0 =	vor.u32 $0x10, v1  }
0x3: {  	[tilespmem:$0x1FD40] =	vst v0;
	v0 =	vor.u32 $0x840, v1  }
0x4: {  	[tilespmem:$0x1FD50] =	vst v0;
	v0 =	vor.u32 $0x850, v1  }
0x5: {  	[tilespmem:$0x1FD60] =	vst v0;
	v0 =	vor.u32 $0x860, v1  }
0x6: {  	[tilespmem:$0x1FD70] =	vst v0;
	v0 =	vor.u32 $0x870, v1  }
0x7: {  	[tilespmem:$0x1FD80] =	vst v0;
	v0 =	vor.u32 $0xC00, v1  }
0x8: {  	[tilespmem:$0x1FD90] =	vst v0;
	v0 =	vor.u32 $0xC10, v1  }
0x9: {  	[tilespmem:$0x1FDA0] =	vst v0;
	v0 =	vor.u32 $0xC20, v1  }
0xa: {  	[tilespmem:$0x1FDB0] =	vst v0;
	v0 =	vor.u32 $0xC30, v1  }
0xb: {  	[tilespmem:$0x1FDC0] =	vst v0;
	v0 =	vor.u32 $0xC40, v1  }
0xc: {  	[tilespmem:$0x1FDD0] =	vst v0;
	v0 =	vor.u32 $0xC50, v1  }
0xd: {  	[tilespmem:$0x1FDE0] =	vst v0;
	v0 =	vor.u32 $0xC60, v1  }
0xe: {  	[tilespmem:$0x1FDF0] =	vst v0;
	v0 =	vor.u32 $0xC70, v1  }
0xf: {  	[tilespmem:$0x1FE00] =	vst v0;
	v0 =	vor.u32 $0x1000, v1  }
0x10: {  	[tilespmem:$0x1FE10] =	vst v0;
	v0 =	vor.u32 $0x1010, v1  }
0x11: {  	s10 =	rddreg [dreg:$0x0];
	[tilespmem:$0x1FE20] =	vst v0;
	v0 =	vor.u32 $0x1020, v1  }
0x12: {  	s6 =	rddreg [dreg:$0x1];
	[tilespmem:$0x1FE30] =	vst v0;
	v0 =	vor.u32 $0x1030, v1  }
0x13: {  	s9 =	rddreg [dreg:$0x2];
	s2 =	simm.s32 $0x0;
	[tilespmem:$0x1FE40] =	vst v0;
	v0 =	vor.u32 $0x1040, v1  }
0x14: {  	[smem:$0x7FF] =	sst s2;
	[tilespmem:$0x1FE50] =	vst v0;
	v0 =	vor.u32 $0x1050, v1  }
0x15: {  	s0 =	rddreg [dreg:$0x3];
	_ =	strace $0x80000047;
	[tilespmem:$0x1FE60] =	vst v0;
	v0 =	vor.u32 $0x1060, v1  }
0x16: {  	[tilespmem:$0x1FE70] =	vst v0;
	v0 =	vor.u32 $0x1070, v1  }
0x17: {  	[tilespmem:$0x1FE80] =	vst v0;
	v0 =	vor.u32 $0x1400, v1  }
0x18: {  	[tilespmem:$0x1FE90] =	vst v0;
	v0 =	vor.u32 $0x1410, v1  }
0x19: {  	[tilespmem:$0x1FEA0] =	vst v0;
	v0 =	vor.u32 $0x1420, v1  }
0x1a: {  	[tilespmem:$0x1FEB0] =	vst v0;
	v0 =	vor.u32 $0x1430, v1  }
0x1b: {  	[tilespmem:$0x1FEC0] =	vst v0;
	v0 =	vor.u32 $0x1440, v1  }
0x1c: {  	[tilespmem:$0x1FED0] =	vst v0;
	v0 =	vor.u32 $0x1450, v1  }
0x1d: {  	[tilespmem:$0x1FEE0] =	vst v0;
	v0 =	vor.u32 $0x1460, v1  }
0x1e: {  	[tilespmem:$0x1FEF0] =	vst v0;
	v0 =	vor.u32 $0x1470, v1  }
0x1f: {  	[tilespmem:$0x1FF00] =	vst v0;
	v0 =	vor.u32 $0x1800, v1  }
0x20: {  	[tilespmem:$0x1FF10] =	vst v0;
	v0 =	vor.u32 $0x1810, v1  }
0x21: {  	[tilespmem:$0x1FF20] =	vst v0;
	v0 =	vor.u32 $0x1820, v1  }
0x22: {  	[tilespmem:$0x1FF30] =	vst v0;
	v0 =	vor.u32 $0x1830, v1  }
0x23: {  	[tilespmem:$0x1FF40] =	vst v0;
	v0 =	vor.u32 $0x1840, v1  }
0x24: {  	s3 =	srdreg.scid;
	s1 =	stileid.u32;
	[tilespmem:$0x1FF50] =	vst v0;
	v0 =	vor.u32 $0x1850, v1  }
0x25: {  	s14 =	simm.s32 $0x186C00;
	s15 =	simm.s32 $0x1BC00;
	s17 =	simm.s32 $0x0;
	[tilespmem:$0x1FF60] =	vst v0;
	v0 =	vor.u32 $0x1860, v1  }
0x26: {  	v6 =	vor.u32 $0x20, v1;
	v20 =	vor.u32 $0x30, v1;
	s4 =	sand.u32 $0x1, s3;
	s5 =	sshll.u32 s1, $0xB;
	s3 =	sadd.s32 $0x800, s6;
	[tilespmem:$0x1FF70] =	vst v0;
	v0 =	vor.u32 $0x1870, v1  }
0x27: {  	v7 =	vor.u32 $0x40, v1;
	v21 =	vor.u32 $0x50, v1;
	s30 =	sshll.u32 s1, $0x1;
	s7 =	sshll.u32 s4, $0xA;
	s29 =	ssub.s32 $0x2, s4;
	[tilespmem:$0x1FF80] =	vst v0;
	v0 =	vor.u32 $0x1C00, v1  }
0x28: {  	v8 =	vor.u32 $0x60, v1;
	v9 =	vor.u32 $0x70, v1;
	s16 =	sor.u32 s4, s30;
	s4 =	simm.s32 $0x7;
	s11 =	sor.u32 s7, s5;
	[tilespmem:$0x1FF90] =	vst v0;
	v0 =	vor.u32 $0x1C10, v1  }
0x29: {  	v10 =	vor.u32 $0x400, v1;
	v22 =	vor.u32 $0x410, v1;
	s13 =	sshrl.u32 s29, $0x1;
	p0 =	slt.u32 s16, $0x3;
	s5 =	sadd.s32 $0x6180, s9;
	[tilespmem:$0x1FFA0] =	vst v0;
	v0 =	vor.u32 $0x1C20, v1  }
.Ltmp0:
0x2a: {  	v11 =	vor.u32 $0x420, v1;
	v23 =	vor.u32 $0x430, v1;
	s12 =	sshrl.u32 s11, $0x3;
	s31 =	ssub.s32 s29, s13;
	[tilespmem:$0x1FFB0] =	vst v0;
	v0 =	vor.u32 $0x1C30, v1;
	(pc) =	sbr.rel .LBB2_1-.Ltmp0, $4  }
0x2b: {  	v24 =	vor.u32 $0x440, v1;
	v14 =	vor.u32 $0x450, v1;
	s4 =	simm.s32 @!p0 $0x6;
	s10 =	sadd.s32 s10, s11;
	s11 =	simm.s32 $0x1B800;
	[tilespmem:$0x1FFC0] =	vst v0;
	v0 =	vor.u32 $0x1C40, v1  }
0x2c: {  	v25 =	vor.u32 $0x460, v1;
	v26 =	vor.u32 $0x470, v1;
	s13 =	simm.s32 $0x1;
	p0 =	sne.s32 s16, $0x3;
	s16 =	simm.s32 $0x14000;
	[tilespmem:$0x1FFD0] =	vst v0;
	v0 =	vor.u32 $0x1C50, v1  }
0x2d: {  	v27 =	vor.u32 $0x800, v1;
	v18 =	vor.u32 $0x810, v1;
	s8 =	sadd.s32 s12, s6;
	s6 =	sadd.s32 $0x7980, s6;
	s7 =	smax.u32 s31, $0x1;
	[tilespmem:$0x1FFE0] =	vst v0;
	v0 =	vor.u32 $0x1C60, v1  }
0x2e: {  	v28 =	vor.u32 $0x820, v1;
	v29 =	vor.u32 $0x830, v1;
	v2 =	vor.u32 $0x1C70, v1;
	s9 =	sadd.s32 s12, s9;
	s12 =	simm.s32 $0x2000;
	s8 =	sadd.s32 $0x1800, s8;
	[tilespmem:$0x1FFF0] =	vst v0  }
.LBB2_5:
0x2f: {  	s17 =	sadd.s32 $0x1, s17  }
0x30: {  	p1 =	sne.s32 s17, s7  }
.Ltmp1:
0x31: {  	_ = 	snop;
	(pc) =	sbr.rel @!p1 .LBB2_6-.Ltmp1, $1  }
0x32: {  	_ =	sdelay $0x3  }
.LBB2_1:
0x33: {  	v15 =	vld [tilespmem:$0x1FD70]  }
0x34: {  	v16 =	vld [tilespmem:$0x1FD80]  }
0x35: {  	v17 =	vld [tilespmem:$0x1FD90]  }
0x36: {  	v19 =	vld [tilespmem:$0x1FDA0]  }
0x37: {  	v30 =	vld [tilespmem:$0x1FDB0]  }
0x38: {  	v31 =	vld [tilespmem:$0x1FDC0]  }
0x39: {  	v32 =	vld [tilespmem:$0x1FDD0]  }
0x3a: {  	v33 =	vld [tilespmem:$0x1FDE0]  }
0x3b: {  	v34 =	vld [tilespmem:$0x1FDF0]  }
0x3c: {  	v35 =	vld [tilespmem:$0x1FE00]  }
0x3d: {  	v36 =	vld [tilespmem:$0x1FE10]  }
0x3e: {  	v37 =	vld [tilespmem:$0x1FE20]  }
0x3f: {  	v38 =	vld [tilespmem:$0x1FE30]  }
0x40: {  	v39 =	vld [tilespmem:$0x1FE40]  }
0x41: {  	v40 =	vld [tilespmem:$0x1FE50]  }
0x42: {  	v41 =	vld [tilespmem:$0x1FE60]  }
0x43: {  	v42 =	vld [tilespmem:$0x1FE70]  }
0x44: {  	v43 =	vld [tilespmem:$0x1FE80]  }
0x45: {  	v44 =	vld [tilespmem:$0x1FE90]  }
0x46: {  	v45 =	vld [tilespmem:$0x1FEA0]  }
0x47: {  	v46 =	vld [tilespmem:$0x1FEB0]  }
0x48: {  	v47 =	vld [tilespmem:$0x1FEC0]  }
0x49: {  	v48 =	vld [tilespmem:$0x1FED0]  }
0x4a: {  	v49 =	vld [tilespmem:$0x1FEE0]  }
0x4b: {  	v50 =	vld [tilespmem:$0x1FEF0]  }
0x4c: {  	v51 =	vld [tilespmem:$0x1FF00]  }
0x4d: {  	v52 =	vld [tilespmem:$0x1FF10]  }
0x4e: {  	v53 =	vld [tilespmem:$0x1FF20]  }
0x4f: {  	v54 =	vld [tilespmem:$0x1FF30]  }
0x50: {  	v55 =	vld [tilespmem:$0x1FF40]  }
0x51: {  	v56 =	vld [tilespmem:$0x1FF50]  }
0x52: {  	v57 =	vld [tilespmem:$0x1FF60]  }
0x53: {  	v58 =	vld [tilespmem:$0x1FF70]  }
0x54: {  	v59 =	vld [tilespmem:$0x1FF80]  }
0x55: {  	v60 =	vld [tilespmem:$0x1FF90]  }
0x56: {  	v61 =	vld [tilespmem:$0x1FFA0]  }
0x57: {  	v62 =	vld [tilespmem:$0x1FFB0]  }
0x58: {  	v63 =	vld [tilespmem:$0x1FFC0]  }
0x59: {  	v4 =	vld [tilespmem:$0x1FFD0]  }
0x5a: {  	s18 =	smov.u32 s10;
	v5 =	vld [tilespmem:$0x1FFE0]  }
0x5b: {  	s19 =	smov.u32 s9;
	s20 =	smov.u32 s8;
	s21 =	smov.u32 s4;
	v12 =	vld [tilespmem:$0x1FFF0]  }
.LBB2_2:
0x5c: {  	[tilespmem:s11], [sflag:$0x1] =	stream.linear.gather [hbm4b:s19+s2], $0x400, $0x38;
	[tilespmem:$0x1C000] =	vst v63  }
0x5d: {  	_ =	swait.ge [sflag:s13], $0x400  }
0x5e: {  	[sflag:s13] =	ssyncset.done $0x0  }
0x5f: {  	[sflag:s13] =	ssyncadd.s32 $0xFFFFFC00  }
0x60: {  	[tilespmem:s2], [sflag:$0x1] =	stream.strided.gather [hbm4b:s18+s12], $0x14000, s14, s12, $0x38;
	[tilespmem:$0x1C000] =	vst v63  }
0x61: {  	_ =	swait.ge [sflag:s13], $0x14000  }
0x62: {  	[sflag:s13] =	ssyncset.done $0x0  }
0x63: {  	[sflag:s13] =	ssyncadd.s32 $0xFFFEC000  }
0x64: {  	v0 =	vld [tilespmem:$0x1B800];
	_ =	sdelay $0x2  }
0x65: {  	v13 =	vmov v2;
	v2 =	vld [tilespmem:$0x1B810];
	_ =	sdelay $0x1  }
0x66: {  	v1 =	vshll.u32 v0, $0xA;
	v0 =	vshll.u32 v0, $0x7  }
0x67: {  	v1 =	vand.u32 $0xFFFFE000, v1;
	v0 =	vand.u32 $0x380, v0  }
0x68: {  	v0 =	vor.u32 v1, v0;
	v1 =	vlaneseq.u32  }
0x69: {  	v0 =	vor.u32 v1, v0;
	v1 =	vshll.u32 v2, $0xA;
	v2 =	vshll.u32 v2, $0x7  }
0x6a: {  	v1 =	vand.u32 $0xFFFFE000, v1;
	v2 =	vand.u32 $0x380, v2  }
0x6b: {  	v1 =	vor.u32 v1, v2;
	v2 =	vld [tilespmem:$0x1FD40];
	_ =	sdelay $0x2  }
0x6c: {  	v3 =	vld [tilespmem:$0x1B820]  }
0x6d: {  	v0 =	vld.idx.msk [tilespmem:v0+s2+$0x0], $0xffff  }
0x6e: {  	v1 =	vor.u32 v2, v1;
	_ =	sdelay $0x2  }
0x6f: {  	v2 =	vshll.u32 v3, $0xA;
	v3 =	vshll.u32 v3, $0x7  }
0x70: {  	[tilespmem:$0x1BC00] =	vst v0;
	v0 =	vand.u32 $0xFFFFE000, v2;
	v2 =	vand.u32 $0x380, v3;
	v3 =	vld [tilespmem:$0x1B830]  }
0x71: {  	v0 =	vor.u32 v0, v2;
	v1 =	vld.idx.msk [tilespmem:v1+s2+$0x0], $0xffff  }
0x72: {  	v0 =	vor.u32 v6, v0;
	_ =	sdelay $0x2  }
0x73: {  	v2 =	vshll.u32 v3, $0xA;
	v3 =	vshll.u32 v3, $0x7  }
0x74: {  	[tilespmem:$0x1BC10] =	vst v1;
	v1 =	vand.u32 $0xFFFFE000, v2;
	v2 =	vand.u32 $0x380, v3;
	v3 =	vld [tilespmem:$0x1B840]  }
0x75: {  	v0 =	vld.idx.msk [tilespmem:v0+s2+$0x0], $0xffff;
	v1 =	vor.u32 v1, v2  }
0x76: {  	v1 =	vor.u32 v20, v1;
	_ =	sdelay $0x2  }
0x77: {  	v2 =	vshll.u32 v3, $0xA;
	v3 =	vshll.u32 v3, $0x7  }
0x78: {  	[tilespmem:$0x1BC20] =	vst v0;
	v0 =	vand.u32 $0xFFFFE000, v2;
	v2 =	vand.u32 $0x380, v3;
	v3 =	vld [tilespmem:$0x1B850]  }
0x79: {  	v1 =	vld.idx.msk [tilespmem:v1+s2+$0x0], $0xffff;
	v0 =	vor.u32 v0, v2  }
0x7a: {  	v0 =	vor.u32 v7, v0;
	_ =	sdelay $0x2  }
0x7b: {  	v2 =	vshll.u32 v3, $0xA;
	v3 =	vshll.u32 v3, $0x7  }
0x7c: {  	[tilespmem:$0x1BC30] =	vst v1;
	v1 =	vand.u32 $0xFFFFE000, v2;
	v2 =	vand.u32 $0x380, v3;
	v3 =	vld [tilespmem:$0x1B860]  }
0x7d: {  	v0 =	vld.idx.msk [tilespmem:v0+s2+$0x0], $0xffff;
	v1 =	vor.u32 v1, v2  }
0x7e: {  	v1 =	vor.u32 v21, v1;
	_ =	sdelay $0x2  }
0x7f: {  	v2 =	vshll.u32 v3, $0xA;
	v3 =	vshll.u32 v3, $0x7  }
0x80: {  	[tilespmem:$0x1BC40] =	vst v0;
	v0 =	vand.u32 $0xFFFFE000, v2;
	v2 =	vand.u32 $0x380, v3;
	v3 =	vld [tilespmem:$0x1B870]  }
0x81: {  	v1 =	vld.idx.msk [tilespmem:v1+s2+$0x0], $0xffff;
	v0 =	vor.u32 v0, v2  }
0x82: {  	v0 =	vor.u32 v8, v0;
	_ =	sdelay $0x2  }
0x83: {  	v2 =	vshll.u32 v3, $0xA;
	v3 =	vshll.u32 v3, $0x7  }
0x84: {  	[tilespmem:$0x1BC50] =	vst v1;
	v1 =	vand.u32 $0xFFFFE000, v2;
	v2 =	vand.u32 $0x380, v3;
	v3 =	vld [tilespmem:$0x1B880]  }
0x85: {  	v0 =	vld.idx.msk [tilespmem:v0+s2+$0x0], $0xffff;
	v1 =	vor.u32 v1, v2  }
0x86: {  	v1 =	vor.u32 v9, v1;
	_ =	sdelay $0x2  }
0x87: {  	v2 =	vshll.u32 v3, $0xA;
	v3 =	vshll.u32 v3, $0x7  }
0x88: {  	[tilespmem:$0x1BC60] =	vst v0;
	v0 =	vand.u32 $0xFFFFE000, v2;
	v2 =	vand.u32 $0x380, v3;
	v3 =	vld [tilespmem:$0x1B890]  }
0x89: {  	v1 =	vld.idx.msk [tilespmem:v1+s2+$0x0], $0xffff;
	v0 =	vor.u32 v2, v0  }
0x8a: {  	v0 =	vor.u32 v10, v0;
	_ =	sdelay $0x2  }
0x8b: {  	v2 =	vshll.u32 v3, $0xA;
	v3 =	vshll.u32 v3, $0x7  }
0x8c: {  	[tilespmem:$0x1BC70] =	vst v1;
	v1 =	vand.u32 $0xFFFFE000, v2;
	v2 =	vand.u32 $0x380, v3;
	v3 =	vld [tilespmem:$0x1B8A0]  }
0x8d: {  	v0 =	vld.idx.msk [tilespmem:v0+s2+$0x0], $0xffff;
	v1 =	vor.u32 v2, v1  }
0x8e: {  	v1 =	vor.u32 v22, v1;
	_ =	sdelay $0x2  }
0x8f: {  	v2 =	vshll.u32 v3, $0xA;
	v3 =	vshll.u32 v3, $0x7  }
0x90: {  	[tilespmem:$0x1BC80] =	vst v0;
	v0 =	vand.u32 $0xFFFFE000, v2;
	v2 =	vand.u32 $0x380, v3;
	v3 =	vld [tilespmem:$0x1B8B0]  }
0x91: {  	v1 =	vld.idx.msk [tilespmem:v1+s2+$0x0], $0xffff;
	v0 =	vor.u32 v2, v0  }
0x92: {  	v0 =	vor.u32 v11, v0;
	_ =	sdelay $0x2  }
0x93: {  	v2 =	vshll.u32 v3, $0xA;
	v3 =	vshll.u32 v3, $0x7  }
0x94: {  	[tilespmem:$0x1BC90] =	vst v1;
	v1 =	vand.u32 $0xFFFFE000, v2;
	v2 =	vand.u32 $0x380, v3;
	v3 =	vld [tilespmem:$0x1B8C0]  }
0x95: {  	v0 =	vld.idx.msk [tilespmem:v0+s2+$0x0], $0xffff;
	v1 =	vor.u32 v2, v1  }
0x96: {  	v1 =	vor.u32 v23, v1;
	_ =	sdelay $0x2  }
0x97: {  	v2 =	vshll.u32 v3, $0xA;
	v3 =	vshll.u32 v3, $0x7  }
0x98: {  	[tilespmem:$0x1BCA0] =	vst v0;
	v0 =	vand.u32 $0xFFFFE000, v2;
	v2 =	vand.u32 $0x380, v3;
	v3 =	vld [tilespmem:$0x1B8D0]  }
0x99: {  	v1 =	vld.idx.msk [tilespmem:v1+s2+$0x0], $0xffff;
	v0 =	vor.u32 v2, v0  }
0x9a: {  	v0 =	vor.u32 v24, v0;
	_ =	sdelay $0x2  }
0x9b: {  	v2 =	vshll.u32 v3, $0xA;
	v3 =	vshll.u32 v3, $0x7  }
0x9c: {  	[tilespmem:$0x1BCB0] =	vst v1;
	v1 =	vand.u32 $0xFFFFE000, v2;
	v2 =	vand.u32 $0x380, v3;
	v3 =	vld [tilespmem:$0x1B8E0]  }
0x9d: {  	v0 =	vld.idx.msk [tilespmem:v0+s2+$0x0], $0xffff;
	v1 =	vor.u32 v2, v1  }
0x9e: {  	v1 =	vor.u32 v14, v1;
	_ =	sdelay $0x2  }
0x9f: {  	v2 =	vshll.u32 v3, $0xA;
	v3 =	vshll.u32 v3, $0x7  }
0xa0: {  	[tilespmem:$0x1BCC0] =	vst v0;
	v0 =	vand.u32 $0xFFFFE000, v2;
	v2 =	vand.u32 $0x380, v3;
	v3 =	vld [tilespmem:$0x1B8F0]  }
0xa1: {  	v1 =	vld.idx.msk [tilespmem:v1+s2+$0x0], $0xffff;
	v0 =	vor.u32 v2, v0  }
0xa2: {  	v0 =	vor.u32 v25, v0;
	_ =	sdelay $0x2  }
0xa3: {  	v2 =	vshll.u32 v3, $0xA;
	v3 =	vshll.u32 v3, $0x7  }
0xa4: {  	[tilespmem:$0x1BCD0] =	vst v1;
	v1 =	vand.u32 $0xFFFFE000, v2;
	v2 =	vand.u32 $0x380, v3;
	v3 =	vld [tilespmem:$0x1B900]  }
0xa5: {  	v0 =	vld.idx.msk [tilespmem:v0+s2+$0x0], $0xffff;
	v1 =	vor.u32 v2, v1  }
0xa6: {  	v1 =	vor.u32 v26, v1;
	_ =	sdelay $0x2  }
0xa7: {  	v2 =	vshll.u32 v3, $0xA;
	v3 =	vshll.u32 v3, $0x7  }
0xa8: {  	[tilespmem:$0x1BCE0] =	vst v0;
	v0 =	vand.u32 $0xFFFFE000, v2;
	v2 =	vand.u32 $0x380, v3;
	v3 =	vld [tilespmem:$0x1B910]  }
0xa9: {  	v1 =	vld.idx.msk [tilespmem:v1+s2+$0x0], $0xffff;
	v0 =	vor.u32 v2, v0  }
0xaa: {  	v0 =	vor.u32 v27, v0;
	_ =	sdelay $0x2  }
0xab: {  	v2 =	vshll.u32 v3, $0xA;
	v3 =	vshll.u32 v3, $0x7  }
0xac: {  	[tilespmem:$0x1BCF0] =	vst v1;
	v1 =	vand.u32 $0xFFFFE000, v2;
	v2 =	vand.u32 $0x380, v3;
	v3 =	vld [tilespmem:$0x1B920]  }
0xad: {  	v0 =	vld.idx.msk [tilespmem:v0+s2+$0x0], $0xffff;
	v1 =	vor.u32 v2, v1  }
0xae: {  	v1 =	vor.u32 v18, v1;
	_ =	sdelay $0x2  }
0xaf: {  	v2 =	vshll.u32 v3, $0xA;
	v3 =	vshll.u32 v3, $0x7  }
0xb0: {  	[tilespmem:$0x1BD00] =	vst v0;
	v0 =	vand.u32 $0xFFFFE000, v2;
	v2 =	vand.u32 $0x380, v3;
	v3 =	vld [tilespmem:$0x1B930]  }
0xb1: {  	v1 =	vld.idx.msk [tilespmem:v1+s2+$0x0], $0xffff;
	v0 =	vor.u32 v2, v0  }
0xb2: {  	v0 =	vor.u32 v28, v0;
	_ =	sdelay $0x2  }
0xb3: {  	v2 =	vshll.u32 v3, $0xA;
	v3 =	vshll.u32 v3, $0x7  }
0xb4: {  	[tilespmem:$0x1BD10] =	vst v1;
	v1 =	vand.u32 $0xFFFFE000, v2;
	v2 =	vand.u32 $0x380, v3;
	v3 =	vld [tilespmem:$0x1B940]  }
0xb5: {  	v0 =	vld.idx.msk [tilespmem:v0+s2+$0x0], $0xffff  }
0xb6: {  	v1 =	vor.u32 v2, v1  }
0xb7: {  	v1 =	vor.u32 v29, v1;
	_ =	sdelay $0x1  }
0xb8: {  	v2 =	vshll.u32 v3, $0xA;
	v3 =	vshll.u32 v3, $0x7  }
0xb9: {  	[tilespmem:$0x1BD20] =	vst v0;
	v0 =	vand.u32 $0xFFFFE000, v2;
	v2 =	vand.u32 $0x380, v3;
	v3 =	vld [tilespmem:$0x1B950]  }
0xba: {  	v0 =	vor.u32 v2, v0;
	v2 =	vld [tilespmem:$0x1FD50]  }
0xbb: {  	v1 =	vld.idx.msk [tilespmem:v1+s2+$0x0], $0xffff;
	_ =	sdelay $0x3  }
0xbc: {  	v0 =	vor.u32 v2, v0;
	v2 =	vshll.u32 v3, $0xA;
	v3 =	vshll.u32 v3, $0x7  }
0xbd: {  	[tilespmem:$0x1BD30] =	vst v1;
	v1 =	vand.u32 $0xFFFFE000, v2;
	v2 =	vand.u32 $0x380, v3  }
0xbe: {  	v1 =	vor.u32 v2, v1;
	v2 =	vld [tilespmem:$0x1FD60];
	_ =	sdelay $0x2  }
0xbf: {  	v3 =	vld [tilespmem:$0x1B960]  }
0xc0: {  	v0 =	vld.idx.msk [tilespmem:v0+s2+$0x0], $0xffff  }
0xc1: {  	v1 =	vor.u32 v2, v1;
	_ =	sdelay $0x2  }
0xc2: {  	v2 =	vshll.u32 v3, $0xA;
	v3 =	vshll.u32 v3, $0x7  }
0xc3: {  	[tilespmem:$0x1BD40] =	vst v0;
	v0 =	vand.u32 $0xFFFFE000, v2;
	v2 =	vand.u32 $0x380, v3;
	v3 =	vld [tilespmem:$0x1B970]  }
0xc4: {  	v0 =	vor.u32 v2, v0;
	v1 =	vld.idx.msk [tilespmem:v1+s2+$0x0], $0xffff  }
0xc5: {  	v0 =	vor.u32 v15, v0;
	_ =	sdelay $0x2  }
0xc6: {  	v2 =	vshll.u32 v3, $0xA;
	v3 =	vshll.u32 v3, $0x7  }
0xc7: {  	[tilespmem:$0x1BD50] =	vst v1;
	v1 =	vand.u32 $0xFFFFE000, v2;
	v2 =	vand.u32 $0x380, v3;
	v3 =	vld [tilespmem:$0x1B980]  }
0xc8: {  	v0 =	vld.idx.msk [tilespmem:v0+s2+$0x0], $0xffff;
	v1 =	vor.u32 v2, v1  }
0xc9: {  	v1 =	vor.u32 v16, v1;
	_ =	sdelay $0x2  }
0xca: {  	v2 =	vshll.u32 v3, $0xA;
	v3 =	vshll.u32 v3, $0x7  }
0xcb: {  	[tilespmem:$0x1BD60] =	vst v0;
	v0 =	vand.u32 $0xFFFFE000, v2;
	v2 =	vand.u32 $0x380, v3;
	v3 =	vld [tilespmem:$0x1B990]  }
0xcc: {  	v1 =	vld.idx.msk [tilespmem:v1+s2+$0x0], $0xffff;
	v0 =	vor.u32 v2, v0  }
0xcd: {  	v0 =	vor.u32 v17, v0;
	_ =	sdelay $0x2  }
0xce: {  	v2 =	vshll.u32 v3, $0xA;
	v3 =	vshll.u32 v3, $0x7  }
0xcf: {  	[tilespmem:$0x1BD70] =	vst v1;
	v1 =	vand.u32 $0xFFFFE000, v2;
	v2 =	vand.u32 $0x380, v3;
	v3 =	vld [tilespmem:$0x1B9A0]  }
0xd0: {  	v0 =	vld.idx.msk [tilespmem:v0+s2+$0x0], $0xffff;
	v1 =	vor.u32 v2, v1  }
0xd1: {  	v1 =	vor.u32 v19, v1;
	_ =	sdelay $0x2  }
0xd2: {  	v2 =	vshll.u32 v3, $0xA;
	v3 =	vshll.u32 v3, $0x7  }
0xd3: {  	[tilespmem:$0x1BD80] =	vst v0;
	v0 =	vand.u32 $0xFFFFE000, v2;
	v2 =	vand.u32 $0x380, v3;
	v3 =	vld [tilespmem:$0x1B9B0]  }
0xd4: {  	v1 =	vld.idx.msk [tilespmem:v1+s2+$0x0], $0xffff;
	v0 =	vor.u32 v2, v0  }
0xd5: {  	v0 =	vor.u32 v30, v0;
	_ =	sdelay $0x2  }
0xd6: {  	v2 =	vshll.u32 v3, $0xA;
	v3 =	vshll.u32 v3, $0x7  }
0xd7: {  	[tilespmem:$0x1BD90] =	vst v1;
	v1 =	vand.u32 $0xFFFFE000, v2;
	v2 =	vand.u32 $0x380, v3;
	v3 =	vld [tilespmem:$0x1B9C0]  }
0xd8: {  	v0 =	vld.idx.msk [tilespmem:v0+s2+$0x0], $0xffff;
	v1 =	vor.u32 v2, v1  }
0xd9: {  	v1 =	vor.u32 v31, v1;
	_ =	sdelay $0x2  }
0xda: {  	v2 =	vshll.u32 v3, $0xA;
	v3 =	vshll.u32 v3, $0x7  }
0xdb: {  	[tilespmem:$0x1BDA0] =	vst v0;
	v0 =	vand.u32 $0xFFFFE000, v2;
	v2 =	vand.u32 $0x380, v3;
	v3 =	vld [tilespmem:$0x1B9D0]  }
0xdc: {  	v1 =	vld.idx.msk [tilespmem:v1+s2+$0x0], $0xffff;
	v0 =	vor.u32 v2, v0  }
0xdd: {  	v0 =	vor.u32 v32, v0;
	_ =	sdelay $0x2  }
0xde: {  	v2 =	vshll.u32 v3, $0xA;
	v3 =	vshll.u32 v3, $0x7  }
0xdf: {  	[tilespmem:$0x1BDB0] =	vst v1;
	v1 =	vand.u32 $0xFFFFE000, v2;
	v2 =	vand.u32 $0x380, v3;
	v3 =	vld [tilespmem:$0x1B9E0]  }
0xe0: {  	v0 =	vld.idx.msk [tilespmem:v0+s2+$0x0], $0xffff;
	v1 =	vor.u32 v2, v1  }
0xe1: {  	v1 =	vor.u32 v33, v1;
	_ =	sdelay $0x2  }
0xe2: {  	v2 =	vshll.u32 v3, $0xA;
	v3 =	vshll.u32 v3, $0x7  }
0xe3: {  	[tilespmem:$0x1BDC0] =	vst v0;
	v0 =	vand.u32 $0xFFFFE000, v2;
	v2 =	vand.u32 $0x380, v3;
	v3 =	vld [tilespmem:$0x1B9F0]  }
0xe4: {  	v1 =	vld.idx.msk [tilespmem:v1+s2+$0x0], $0xffff;
	v0 =	vor.u32 v2, v0  }
0xe5: {  	v0 =	vor.u32 v34, v0;
	_ =	sdelay $0x2  }
0xe6: {  	v2 =	vshll.u32 v3, $0xA;
	v3 =	vshll.u32 v3, $0x7  }
0xe7: {  	[tilespmem:$0x1BDD0] =	vst v1;
	v1 =	vand.u32 $0xFFFFE000, v2;
	v2 =	vand.u32 $0x380, v3;
	v3 =	vld [tilespmem:$0x1BA00]  }
0xe8: {  	v0 =	vld.idx.msk [tilespmem:v0+s2+$0x0], $0xffff;
	v1 =	vor.u32 v2, v1  }
0xe9: {  	v1 =	vor.u32 v35, v1;
	_ =	sdelay $0x2  }
0xea: {  	v2 =	vshll.u32 v3, $0xA;
	v3 =	vshll.u32 v3, $0x7  }
0xeb: {  	[tilespmem:$0x1BDE0] =	vst v0;
	v0 =	vand.u32 $0xFFFFE000, v2;
	v2 =	vand.u32 $0x380, v3;
	v3 =	vld [tilespmem:$0x1BA10]  }
0xec: {  	v1 =	vld.idx.msk [tilespmem:v1+s2+$0x0], $0xffff;
	v0 =	vor.u32 v2, v0  }
0xed: {  	v0 =	vor.u32 v36, v0;
	_ =	sdelay $0x2  }
0xee: {  	v2 =	vshll.u32 v3, $0xA;
	v3 =	vshll.u32 v3, $0x7  }
0xef: {  	[tilespmem:$0x1BDF0] =	vst v1;
	v1 =	vand.u32 $0xFFFFE000, v2;
	v2 =	vand.u32 $0x380, v3;
	v3 =	vld [tilespmem:$0x1BA20]  }
0xf0: {  	v0 =	vld.idx.msk [tilespmem:v0+s2+$0x0], $0xffff;
	v1 =	vor.u32 v2, v1  }
0xf1: {  	v1 =	vor.u32 v37, v1;
	_ =	sdelay $0x2  }
0xf2: {  	v2 =	vshll.u32 v3, $0xA;
	v3 =	vshll.u32 v3, $0x7  }
0xf3: {  	[tilespmem:$0x1BE00] =	vst v0;
	v0 =	vand.u32 $0xFFFFE000, v2;
	v2 =	vand.u32 $0x380, v3;
	v3 =	vld [tilespmem:$0x1BA30]  }
0xf4: {  	v1 =	vld.idx.msk [tilespmem:v1+s2+$0x0], $0xffff;
	v0 =	vor.u32 v2, v0  }
0xf5: {  	v0 =	vor.u32 v38, v0;
	_ =	sdelay $0x2  }
0xf6: {  	v2 =	vshll.u32 v3, $0xA;
	v3 =	vshll.u32 v3, $0x7  }
0xf7: {  	[tilespmem:$0x1BE10] =	vst v1;
	v1 =	vand.u32 $0xFFFFE000, v2;
	v2 =	vand.u32 $0x380, v3;
	v3 =	vld [tilespmem:$0x1BA40]  }
0xf8: {  	v0 =	vld.idx.msk [tilespmem:v0+s2+$0x0], $0xffff;
	v1 =	vor.u32 v2, v1  }
0xf9: {  	v1 =	vor.u32 v39, v1;
	_ =	sdelay $0x2  }
0xfa: {  	v2 =	vshll.u32 v3, $0xA;
	v3 =	vshll.u32 v3, $0x7  }
0xfb: {  	[tilespmem:$0x1BE20] =	vst v0;
	v0 =	vand.u32 $0xFFFFE000, v2;
	v2 =	vand.u32 $0x380, v3;
	v3 =	vld [tilespmem:$0x1BA50]  }
0xfc: {  	v1 =	vld.idx.msk [tilespmem:v1+s2+$0x0], $0xffff;
	v0 =	vor.u32 v2, v0  }
0xfd: {  	v0 =	vor.u32 v40, v0;
	_ =	sdelay $0x2  }
0xfe: {  	v2 =	vshll.u32 v3, $0xA;
	v3 =	vshll.u32 v3, $0x7  }
0xff: {  	[tilespmem:$0x1BE30] =	vst v1;
	v1 =	vand.u32 $0xFFFFE000, v2;
	v2 =	vand.u32 $0x380, v3;
	v3 =	vld [tilespmem:$0x1BA60]  }
0x100: {  	v0 =	vld.idx.msk [tilespmem:v0+s2+$0x0], $0xffff;
	v1 =	vor.u32 v2, v1  }
0x101: {  	v1 =	vor.u32 v41, v1;
	_ =	sdelay $0x2  }
0x102: {  	v2 =	vshll.u32 v3, $0xA;
	v3 =	vshll.u32 v3, $0x7  }
0x103: {  	[tilespmem:$0x1BE40] =	vst v0;
	v0 =	vand.u32 $0xFFFFE000, v2;
	v2 =	vand.u32 $0x380, v3;
	v3 =	vld [tilespmem:$0x1BA70]  }
0x104: {  	v1 =	vld.idx.msk [tilespmem:v1+s2+$0x0], $0xffff;
	v0 =	vor.u32 v2, v0  }
0x105: {  	v0 =	vor.u32 v42, v0;
	_ =	sdelay $0x2  }
0x106: {  	v2 =	vshll.u32 v3, $0xA;
	v3 =	vshll.u32 v3, $0x7  }
0x107: {  	[tilespmem:$0x1BE50] =	vst v1;
	v1 =	vand.u32 $0xFFFFE000, v2;
	v2 =	vand.u32 $0x380, v3;
	v3 =	vld [tilespmem:$0x1BA80]  }
0x108: {  	v0 =	vld.idx.msk [tilespmem:v0+s2+$0x0], $0xffff;
	v1 =	vor.u32 v2, v1  }
0x109: {  	v1 =	vor.u32 v43, v1;
	_ =	sdelay $0x2  }
0x10a: {  	v2 =	vshll.u32 v3, $0xA;
	v3 =	vshll.u32 v3, $0x7  }
0x10b: {  	[tilespmem:$0x1BE60] =	vst v0;
	v0 =	vand.u32 $0xFFFFE000, v2;
	v2 =	vand.u32 $0x380, v3;
	v3 =	vld [tilespmem:$0x1BA90]  }
0x10c: {  	v1 =	vld.idx.msk [tilespmem:v1+s2+$0x0], $0xffff;
	v0 =	vor.u32 v2, v0  }
0x10d: {  	v0 =	vor.u32 v44, v0;
	_ =	sdelay $0x2  }
0x10e: {  	v2 =	vshll.u32 v3, $0xA;
	v3 =	vshll.u32 v3, $0x7  }
0x10f: {  	[tilespmem:$0x1BE70] =	vst v1;
	v1 =	vand.u32 $0xFFFFE000, v2;
	v2 =	vand.u32 $0x380, v3;
	v3 =	vld [tilespmem:$0x1BAA0]  }
0x110: {  	v0 =	vld.idx.msk [tilespmem:v0+s2+$0x0], $0xffff;
	v1 =	vor.u32 v2, v1  }
0x111: {  	v1 =	vor.u32 v45, v1;
	_ =	sdelay $0x2  }
0x112: {  	v2 =	vshll.u32 v3, $0xA;
	v3 =	vshll.u32 v3, $0x7  }
0x113: {  	[tilespmem:$0x1BE80] =	vst v0;
	v0 =	vand.u32 $0xFFFFE000, v2;
	v2 =	vand.u32 $0x380, v3;
	v3 =	vld [tilespmem:$0x1BAB0]  }
0x114: {  	v1 =	vld.idx.msk [tilespmem:v1+s2+$0x0], $0xffff;
	v0 =	vor.u32 v2, v0  }
0x115: {  	v0 =	vor.u32 v46, v0;
	_ =	sdelay $0x2  }
0x116: {  	v2 =	vshll.u32 v3, $0xA;
	v3 =	vshll.u32 v3, $0x7  }
0x117: {  	[tilespmem:$0x1BE90] =	vst v1;
	v1 =	vand.u32 $0xFFFFE000, v2;
	v2 =	vand.u32 $0x380, v3;
	v3 =	vld [tilespmem:$0x1BAC0]  }
0x118: {  	v0 =	vld.idx.msk [tilespmem:v0+s2+$0x0], $0xffff;
	v1 =	vor.u32 v2, v1  }
0x119: {  	v1 =	vor.u32 v47, v1;
	_ =	sdelay $0x2  }
0x11a: {  	v2 =	vshll.u32 v3, $0xA;
	v3 =	vshll.u32 v3, $0x7  }
0x11b: {  	[tilespmem:$0x1BEA0] =	vst v0;
	v0 =	vand.u32 $0xFFFFE000, v2;
	v2 =	vand.u32 $0x380, v3;
	v3 =	vld [tilespmem:$0x1BAD0]  }
0x11c: {  	v1 =	vld.idx.msk [tilespmem:v1+s2+$0x0], $0xffff;
	v0 =	vor.u32 v2, v0  }
0x11d: {  	v0 =	vor.u32 v48, v0;
	_ =	sdelay $0x2  }
0x11e: {  	v2 =	vshll.u32 v3, $0xA;
	v3 =	vshll.u32 v3, $0x7  }
0x11f: {  	[tilespmem:$0x1BEB0] =	vst v1;
	v1 =	vand.u32 $0xFFFFE000, v2;
	v2 =	vand.u32 $0x380, v3;
	v3 =	vld [tilespmem:$0x1BAE0]  }
0x120: {  	v0 =	vld.idx.msk [tilespmem:v0+s2+$0x0], $0xffff;
	v1 =	vor.u32 v2, v1  }
0x121: {  	v1 =	vor.u32 v49, v1;
	_ =	sdelay $0x2  }
0x122: {  	v2 =	vshll.u32 v3, $0xA;
	v3 =	vshll.u32 v3, $0x7  }
0x123: {  	[tilespmem:$0x1BEC0] =	vst v0;
	v0 =	vand.u32 $0xFFFFE000, v2;
	v2 =	vand.u32 $0x380, v3;
	v3 =	vld [tilespmem:$0x1BAF0]  }
0x124: {  	v1 =	vld.idx.msk [tilespmem:v1+s2+$0x0], $0xffff;
	v0 =	vor.u32 v2, v0  }
0x125: {  	v0 =	vor.u32 v50, v0;
	_ =	sdelay $0x2  }
0x126: {  	v2 =	vshll.u32 v3, $0xA;
	v3 =	vshll.u32 v3, $0x7  }
0x127: {  	[tilespmem:$0x1BED0] =	vst v1;
	v1 =	vand.u32 $0xFFFFE000, v2;
	v2 =	vand.u32 $0x380, v3;
	v3 =	vld [tilespmem:$0x1BB00]  }
0x128: {  	v0 =	vld.idx.msk [tilespmem:v0+s2+$0x0], $0xffff;
	v1 =	vor.u32 v2, v1  }
0x129: {  	v1 =	vor.u32 v51, v1;
	_ =	sdelay $0x2  }
0x12a: {  	v2 =	vshll.u32 v3, $0xA;
	v3 =	vshll.u32 v3, $0x7  }
0x12b: {  	[tilespmem:$0x1BEE0] =	vst v0;
	v0 =	vand.u32 $0xFFFFE000, v2;
	v2 =	vand.u32 $0x380, v3;
	v3 =	vld [tilespmem:$0x1BB10]  }
0x12c: {  	v1 =	vld.idx.msk [tilespmem:v1+s2+$0x0], $0xffff;
	v0 =	vor.u32 v2, v0  }
0x12d: {  	v0 =	vor.u32 v52, v0;
	_ =	sdelay $0x2  }
0x12e: {  	v2 =	vshll.u32 v3, $0xA;
	v3 =	vshll.u32 v3, $0x7  }
0x12f: {  	[tilespmem:$0x1BEF0] =	vst v1;
	v1 =	vand.u32 $0xFFFFE000, v2;
	v2 =	vand.u32 $0x380, v3;
	v3 =	vld [tilespmem:$0x1BB20]  }
0x130: {  	v0 =	vld.idx.msk [tilespmem:v0+s2+$0x0], $0xffff;
	v1 =	vor.u32 v2, v1  }
0x131: {  	v1 =	vor.u32 v53, v1;
	_ =	sdelay $0x2  }
0x132: {  	v2 =	vshll.u32 v3, $0xA;
	v3 =	vshll.u32 v3, $0x7  }
0x133: {  	[tilespmem:$0x1BF00] =	vst v0;
	v0 =	vand.u32 $0xFFFFE000, v2;
	v2 =	vand.u32 $0x380, v3;
	v3 =	vld [tilespmem:$0x1BB30]  }
0x134: {  	v1 =	vld.idx.msk [tilespmem:v1+s2+$0x0], $0xffff;
	v0 =	vor.u32 v2, v0  }
0x135: {  	v0 =	vor.u32 v54, v0;
	_ =	sdelay $0x2  }
0x136: {  	v2 =	vshll.u32 v3, $0xA;
	v3 =	vshll.u32 v3, $0x7  }
0x137: {  	[tilespmem:$0x1BF10] =	vst v1;
	v1 =	vand.u32 $0xFFFFE000, v2;
	v2 =	vand.u32 $0x380, v3;
	v3 =	vld [tilespmem:$0x1BB40]  }
0x138: {  	v0 =	vld.idx.msk [tilespmem:v0+s2+$0x0], $0xffff;
	v1 =	vor.u32 v2, v1  }
0x139: {  	v1 =	vor.u32 v55, v1;
	_ =	sdelay $0x2  }
0x13a: {  	v2 =	vshll.u32 v3, $0xA;
	v3 =	vshll.u32 v3, $0x7  }
0x13b: {  	[tilespmem:$0x1BF20] =	vst v0;
	v0 =	vand.u32 $0xFFFFE000, v2;
	v2 =	vand.u32 $0x380, v3;
	v3 =	vld [tilespmem:$0x1BB50]  }
0x13c: {  	v1 =	vld.idx.msk [tilespmem:v1+s2+$0x0], $0xffff;
	v0 =	vor.u32 v2, v0  }
0x13d: {  	v0 =	vor.u32 v56, v0;
	_ =	sdelay $0x2  }
0x13e: {  	v2 =	vshll.u32 v3, $0xA;
	v3 =	vshll.u32 v3, $0x7  }
0x13f: {  	[tilespmem:$0x1BF30] =	vst v1;
	v1 =	vand.u32 $0xFFFFE000, v2;
	v2 =	vand.u32 $0x380, v3;
	v3 =	vld [tilespmem:$0x1BB60]  }
0x140: {  	v0 =	vld.idx.msk [tilespmem:v0+s2+$0x0], $0xffff;
	v1 =	vor.u32 v2, v1  }
0x141: {  	v1 =	vor.u32 v57, v1;
	_ =	sdelay $0x2  }
0x142: {  	v2 =	vshll.u32 v3, $0xA;
	v3 =	vshll.u32 v3, $0x7  }
0x143: {  	[tilespmem:$0x1BF40] =	vst v0;
	v0 =	vand.u32 $0xFFFFE000, v2;
	v2 =	vand.u32 $0x380, v3;
	v3 =	vld [tilespmem:$0x1BB70]  }
0x144: {  	v1 =	vld.idx.msk [tilespmem:v1+s2+$0x0], $0xffff;
	v0 =	vor.u32 v2, v0  }
0x145: {  	v0 =	vor.u32 v58, v0;
	_ =	sdelay $0x2  }
0x146: {  	v2 =	vshll.u32 v3, $0xA;
	v3 =	vshll.u32 v3, $0x7  }
0x147: {  	[tilespmem:$0x1BF50] =	vst v1;
	v1 =	vand.u32 $0xFFFFE000, v2;
	v2 =	vand.u32 $0x380, v3;
	v3 =	vld [tilespmem:$0x1BB80]  }
0x148: {  	v0 =	vld.idx.msk [tilespmem:v0+s2+$0x0], $0xffff;
	v1 =	vor.u32 v2, v1  }
0x149: {  	v1 =	vor.u32 v59, v1;
	_ =	sdelay $0x2  }
0x14a: {  	v2 =	vshll.u32 v3, $0x7  }
0x14b: {  	[tilespmem:$0x1BF60] =	vst v0;
	v0 =	vshll.u32 v3, $0xA;
	v2 =	vand.u32 $0x380, v2;
	v3 =	vld [tilespmem:$0x1BB90]  }
0x14c: {  	v1 =	vld.idx.msk [tilespmem:v1+s2+$0x0], $0xffff;
	v0 =	vor.u32 v2, v0  }
0x14d: {  	v0 =	vor.u32 v60, v0;
	_ =	sdelay $0x2  }
0x14e: {  	v2 =	vshll.u32 v3, $0x7  }
0x14f: {  	[tilespmem:$0x1BF70] =	vst v1;
	v1 =	vshll.u32 v3, $0xA;
	v2 =	vand.u32 $0x380, v2;
	v3 =	vld [tilespmem:$0x1BBA0]  }
0x150: {  	v0 =	vld.idx.msk [tilespmem:v0+s2+$0x0], $0xffff;
	v1 =	vor.u32 v2, v1  }
0x151: {  	v1 =	vor.u32 v61, v1;
	_ =	sdelay $0x2  }
0x152: {  	v2 =	vshll.u32 v3, $0x7  }
0x153: {  	[tilespmem:$0x1BF80] =	vst v0;
	v0 =	vshll.u32 v3, $0xA;
	v2 =	vand.u32 $0x380, v2;
	v3 =	vld [tilespmem:$0x1BBB0]  }
0x154: {  	v1 =	vld.idx.msk [tilespmem:v1+s2+$0x0], $0xffff;
	v0 =	vor.u32 v2, v0  }
0x155: {  	v0 =	vor.u32 v62, v0;
	_ =	sdelay $0x2  }
0x156: {  	v2 =	vshll.u32 v3, $0x7  }
0x157: {  	[tilespmem:$0x1BF90] =	vst v1;
	v1 =	vshll.u32 v3, $0xA;
	v2 =	vand.u32 $0x380, v2;
	v3 =	vld [tilespmem:$0x1BBC0]  }
0x158: {  	v0 =	vld.idx.msk [tilespmem:v0+s2+$0x0], $0xffff;
	v1 =	vor.u32 v2, v1  }
0x159: {  	v1 =	vor.u32 v63, v1;
	_ =	sdelay $0x2  }
0x15a: {  	v2 =	vshll.u32 v3, $0x7  }
0x15b: {  	[tilespmem:$0x1BFA0] =	vst v0;
	v0 =	vshll.u32 v3, $0xA;
	v2 =	vand.u32 $0x380, v2;
	v3 =	vld [tilespmem:$0x1BBD0]  }
0x15c: {  	v1 =	vld.idx.msk [tilespmem:v1+s2+$0x0], $0xffff;
	v0 =	vor.u32 v2, v0  }
0x15d: {  	v0 =	vor.u32 v4, v0;
	_ =	sdelay $0x2  }
0x15e: {  	v2 =	vshll.u32 v3, $0x7  }
0x15f: {  	[tilespmem:$0x1BFB0] =	vst v1;
	v1 =	vshll.u32 v3, $0xA;
	v2 =	vand.u32 $0x380, v2;
	v3 =	vld [tilespmem:$0x1BBE0]  }
0x160: {  	v0 =	vld.idx.msk [tilespmem:v0+s2+$0x0], $0xffff;
	v1 =	vor.u32 v2, v1  }
0x161: {  	v1 =	vor.u32 v5, v1;
	_ =	sdelay $0x2  }
0x162: {  	v2 =	vshll.u32 v3, $0x7  }
0x163: {  	[tilespmem:$0x1BFC0] =	vst v0;
	v0 =	vshll.u32 v3, $0xA;
	v2 =	vand.u32 $0x380, v2;
	v3 =	vld [tilespmem:$0x1BBF0]  }
0x164: {  	v1 =	vld.idx.msk [tilespmem:v1+s2+$0x0], $0xffff;
	v0 =	vor.u32 v2, v0  }
0x165: {  	v0 =	vor.u32 v12, v0;
	_ =	sdelay $0x2  }
0x166: {  	v2 =	vshll.u32 v3, $0x7  }
0x167: {  	[tilespmem:$0x1BFD0] =	vst v1;
	v1 =	vshll.u32 v3, $0xA;
	v2 =	vand.u32 $0x380, v2  }
0x168: {  	v1 =	vor.u32 v2, v1;
	v0 =	vld.idx.msk [tilespmem:v0+s2+$0x0], $0xffff  }
0x169: {  	v1 =	vor.u32 v13, v1;
	_ =	sdelay $0x3  }
0x16a: {  	[tilespmem:$0x1BFE0] =	vst v0  }
0x16b: {  	v0 =	vld.idx.msk [tilespmem:v1+s2+$0x0], $0xffff;
	_ =	sdelay $0x3  }
0x16c: {  	p1 =	sne.s32 s21, $0x1  }
.Ltmp2:
0x16d: {  	[tilespmem:$0x1BFF0] =	vst v0;
	(pc) =	sbr.rel @p1 .LBB2_2-.Ltmp2, $4  }
0x16e: {  	[hbm4b:s20+s2] =	stream.linear.scatter [tilespmem:s15], [sflag:$0x1], $0x400, $0x38;
	[tilespmem:$0x1C000] =	vst v63  }
0x16f: {  	_ =	swait.ge [sflag:s13], $0x400  }
0x170: {  	s19 =	sadd.s32 $0x1000, s19;
	s21 =	sadd.s32 $0xFFFFFFFF, s21;
	[sflag:s13] =	ssyncset.done $0x0  }
0x171: {  	s18 =	sadd.s32 $0x8000, s18;
	v2 =	vmov v13;
	s20 =	sadd.s32 $0x1000, s20;
	[sflag:s13] =	ssyncadd.s32 $0xFFFFFC00  }
.Ltmp3:
0x172: {  	(pc) =	sbr.rel @p0 .LBB2_5-.Ltmp3, $1  }
0x173: {  	_ =	sdelay $0x3  }
0x174: {  	[tilespmem:s11], [sflag:$0x1] =	stream.linear.gather [hbm4b:s5+s2], $0x400, $0x38;
	[tilespmem:$0x1C000] =	vst v63  }
0x175: {  	_ =	swait.ge [sflag:s13], $0x400  }
0x176: {  	[sflag:s13] =	ssyncset.done $0x0  }
0x177: {  	[sflag:s13] =	ssyncadd.s32 $0xFFFFFC00  }
0x178: {  	[tilespmem:s16], [sflag:$0x1] =	stream.linear.gather [hbm4b:s3+s2], $0x7800, $0x38;
	[tilespmem:$0x1C000] =	vst v63  }
0x179: {  	_ =	swait.ge [sflag:s13], $0x7800  }
0x17a: {  	[sflag:s13] =	ssyncset.done $0x0  }
0x17b: {  	[sflag:s13] =	ssyncadd.s32 $0xFFFF8800  }
0x17c: {  	v0 =	vld [tilespmem:$0x1B800];
	_ =	sdelay $0x4  }
0x17d: {  	v1 =	vshrl.u32 v0, $0x3  }
0x17e: {  	v0 =	vshll.u32 v0, $0x7;
	v1 =	vmul.u32 $0xC00, v1  }
0x17f: {  	v0 =	vand.u32 $0x380, v0  }
0x180: {  	v0 =	vor.u32 v0, v1;
	v1 =	vlaneseq.u32  }
0x181: {  	v0 =	vor.u32 v1, v0;
	_ =	sdelay $0x1  }
0x182: {  	v2 =	vld [tilespmem:$0x1B810];
	_ =	sdelay $0x2  }
0x183: {  	v4 =	vld.idx.msk [tilespmem:v0+s16+$0x0], $0xffff  }
0x184: {  	v0 =	vld [tilespmem:$0x1FD40]  }
0x185: {  	v1 =	vshrl.u32 v2, $0x3  }
0x186: {  	v3 =	vld [tilespmem:$0x1B820];
	v2 =	vshll.u32 v2, $0x7;
	v1 =	vmul.u32 $0xC00, v1  }
0x187: {  	v2 =	vand.u32 $0x380, v2  }
0x188: {  	v1 =	vor.u32 v2, v1  }
0x189: {  	v1 =	vor.u32 v0, v1;
	_ =	sdelay $0x1  }
0x18a: {  	v2 =	vshrl.u32 v3, $0x3  }
0x18b: {  	v3 =	vshll.u32 v3, $0x7;
	v2 =	vmul.u32 $0xC00, v2;
	v0 =	vld [tilespmem:$0x1B830]  }
0x18c: {  	v3 =	vand.u32 $0x380, v3;
	[tilespmem:$0x1BC00] =	vst v4  }
0x18d: {  	v2 =	vor.u32 v3, v2;
	v1 =	vld.idx.msk [tilespmem:v1+s16+$0x0], $0xffff  }
0x18e: {  	v2 =	vor.u32 v6, v2;
	_ =	sdelay $0x1  }
0x18f: {  	v3 =	vshrl.u32 v0, $0x3  }
0x190: {  	v4 =	vld [tilespmem:$0x1B840];
	v0 =	vshll.u32 v0, $0x7;
	v3 =	vmul.u32 $0xC00, v3  }
0x191: {  	v0 =	vand.u32 $0x380, v0;
	[tilespmem:$0x1BC10] =	vst v1  }
0x192: {  	v0 =	vor.u32 v0, v3;
	v1 =	vld.idx.msk [tilespmem:v2+s16+$0x0], $0xffff  }
0x193: {  	v0 =	vor.u32 v20, v0;
	_ =	sdelay $0x1  }
0x194: {  	v2 =	vshrl.u32 v4, $0x3  }
0x195: {  	v3 =	vshll.u32 v4, $0x7;
	v4 =	vld [tilespmem:$0x1B850];
	v2 =	vmul.u32 $0xC00, v2  }
0x196: {  	[tilespmem:$0x1BC20] =	vst v1;
	v1 =	vand.u32 $0x380, v3  }
0x197: {  	v0 =	vld.idx.msk [tilespmem:v0+s16+$0x0], $0xffff;
	v1 =	vor.u32 v1, v2  }
0x198: {  	v1 =	vor.u32 v7, v1;
	_ =	sdelay $0x1  }
0x199: {  	v2 =	vshrl.u32 v4, $0x3  }
0x19a: {  	v3 =	vshll.u32 v4, $0x7;
	v4 =	vld [tilespmem:$0x1B860];
	v2 =	vmul.u32 $0xC00, v2  }
0x19b: {  	[tilespmem:$0x1BC30] =	vst v0;
	v0 =	vand.u32 $0x380, v3  }
0x19c: {  	v1 =	vld.idx.msk [tilespmem:v1+s16+$0x0], $0xffff;
	v0 =	vor.u32 v0, v2  }
0x19d: {  	v0 =	vor.u32 v21, v0;
	_ =	sdelay $0x1  }
0x19e: {  	v2 =	vshrl.u32 v4, $0x3  }
0x19f: {  	v3 =	vshll.u32 v4, $0x7;
	v4 =	vld [tilespmem:$0x1B870];
	v2 =	vmul.u32 $0xC00, v2  }
0x1a0: {  	[tilespmem:$0x1BC40] =	vst v1;
	v1 =	vand.u32 $0x380, v3  }
0x1a1: {  	v0 =	vld.idx.msk [tilespmem:v0+s16+$0x0], $0xffff;
	v1 =	vor.u32 v1, v2  }
0x1a2: {  	v1 =	vor.u32 v8, v1;
	_ =	sdelay $0x1  }
0x1a3: {  	v2 =	vshrl.u32 v4, $0x3  }
0x1a4: {  	v3 =	vshll.u32 v4, $0x7;
	v4 =	vld [tilespmem:$0x1B880];
	v2 =	vmul.u32 $0xC00, v2  }
0x1a5: {  	[tilespmem:$0x1BC50] =	vst v0;
	v0 =	vand.u32 $0x380, v3  }
0x1a6: {  	v1 =	vld.idx.msk [tilespmem:v1+s16+$0x0], $0xffff;
	v0 =	vor.u32 v0, v2  }
0x1a7: {  	v0 =	vor.u32 v9, v0;
	_ =	sdelay $0x1  }
0x1a8: {  	v2 =	vshrl.u32 v4, $0x3  }
0x1a9: {  	v3 =	vshll.u32 v4, $0x7;
	v4 =	vld [tilespmem:$0x1B890];
	v2 =	vmul.u32 $0xC00, v2  }
0x1aa: {  	[tilespmem:$0x1BC60] =	vst v1;
	v1 =	vand.u32 $0x380, v3  }
0x1ab: {  	v0 =	vld.idx.msk [tilespmem:v0+s16+$0x0], $0xffff;
	v1 =	vor.u32 v1, v2  }
0x1ac: {  	v1 =	vadd.s32 v10, v1;
	_ =	sdelay $0x1  }
0x1ad: {  	v2 =	vshrl.u32 v4, $0x3  }
0x1ae: {  	v3 =	vshll.u32 v4, $0x7;
	v4 =	vld [tilespmem:$0x1B8A0];
	v2 =	vmul.u32 $0xC00, v2  }
0x1af: {  	[tilespmem:$0x1BC70] =	vst v0;
	v0 =	vand.u32 $0x380, v3  }
0x1b0: {  	v1 =	vld.idx.msk [tilespmem:v1+s16+$0x0], $0xffff;
	v0 =	vor.u32 v0, v2  }
0x1b1: {  	v0 =	vadd.s32 v22, v0;
	_ =	sdelay $0x1  }
0x1b2: {  	v2 =	vshrl.u32 v4, $0x3  }
0x1b3: {  	v3 =	vshll.u32 v4, $0x7;
	v4 =	vld [tilespmem:$0x1B8B0];
	v2 =	vmul.u32 $0xC00, v2  }
0x1b4: {  	[tilespmem:$0x1BC80] =	vst v1;
	v1 =	vand.u32 $0x380, v3  }
0x1b5: {  	v0 =	vld.idx.msk [tilespmem:v0+s16+$0x0], $0xffff;
	v1 =	vor.u32 v1, v2  }
0x1b6: {  	v1 =	vadd.s32 v11, v1;
	_ =	sdelay $0x1  }
0x1b7: {  	v2 =	vshrl.u32 v4, $0x3  }
0x1b8: {  	v3 =	vshll.u32 v4, $0x7;
	v4 =	vld [tilespmem:$0x1B8C0];
	v2 =	vmul.u32 $0xC00, v2  }
0x1b9: {  	[tilespmem:$0x1BC90] =	vst v0;
	v0 =	vand.u32 $0x380, v3  }
0x1ba: {  	v1 =	vld.idx.msk [tilespmem:v1+s16+$0x0], $0xffff;
	v0 =	vor.u32 v0, v2  }
0x1bb: {  	v0 =	vadd.s32 v23, v0;
	_ =	sdelay $0x1  }
0x1bc: {  	v2 =	vshrl.u32 v4, $0x3  }
0x1bd: {  	v3 =	vshll.u32 v4, $0x7;
	v4 =	vld [tilespmem:$0x1B8D0];
	v2 =	vmul.u32 $0xC00, v2  }
0x1be: {  	[tilespmem:$0x1BCA0] =	vst v1;
	v1 =	vand.u32 $0x380, v3  }
0x1bf: {  	v0 =	vld.idx.msk [tilespmem:v0+s16+$0x0], $0xffff;
	v1 =	vor.u32 v1, v2  }
0x1c0: {  	v1 =	vadd.s32 v24, v1;
	_ =	sdelay $0x1  }
0x1c1: {  	v2 =	vshrl.u32 v4, $0x3  }
0x1c2: {  	v3 =	vshll.u32 v4, $0x7;
	v4 =	vld [tilespmem:$0x1B8E0];
	v2 =	vmul.u32 $0xC00, v2  }
0x1c3: {  	[tilespmem:$0x1BCB0] =	vst v0;
	v0 =	vand.u32 $0x380, v3  }
0x1c4: {  	v1 =	vld.idx.msk [tilespmem:v1+s16+$0x0], $0xffff;
	v0 =	vor.u32 v0, v2  }
0x1c5: {  	v0 =	vadd.s32 v14, v0;
	_ =	sdelay $0x1  }
0x1c6: {  	v2 =	vshrl.u32 v4, $0x3  }
0x1c7: {  	v3 =	vshll.u32 v4, $0x7;
	v4 =	vld [tilespmem:$0x1B8F0];
	v2 =	vmul.u32 $0xC00, v2  }
0x1c8: {  	[tilespmem:$0x1BCC0] =	vst v1;
	v1 =	vand.u32 $0x380, v3  }
0x1c9: {  	v0 =	vld.idx.msk [tilespmem:v0+s16+$0x0], $0xffff;
	v1 =	vor.u32 v1, v2  }
0x1ca: {  	v1 =	vadd.s32 v25, v1;
	_ =	sdelay $0x1  }
0x1cb: {  	v2 =	vshrl.u32 v4, $0x3  }
0x1cc: {  	v3 =	vshll.u32 v4, $0x7;
	v4 =	vld [tilespmem:$0x1B900];
	v2 =	vmul.u32 $0xC00, v2  }
0x1cd: {  	[tilespmem:$0x1BCD0] =	vst v0;
	v0 =	vand.u32 $0x380, v3  }
0x1ce: {  	v1 =	vld.idx.msk [tilespmem:v1+s16+$0x0], $0xffff;
	v0 =	vor.u32 v0, v2  }
0x1cf: {  	v0 =	vadd.s32 v26, v0;
	_ =	sdelay $0x1  }
0x1d0: {  	v2 =	vshrl.u32 v4, $0x3  }
0x1d1: {  	v3 =	vshll.u32 v4, $0x7;
	v4 =	vld [tilespmem:$0x1B910];
	v2 =	vmul.u32 $0xC00, v2  }
0x1d2: {  	[tilespmem:$0x1BCE0] =	vst v1;
	v1 =	vand.u32 $0x380, v3  }
0x1d3: {  	v0 =	vld.idx.msk [tilespmem:v0+s16+$0x0], $0xffff;
	v1 =	vor.u32 v1, v2  }
0x1d4: {  	v1 =	vadd.s32 v27, v1;
	_ =	sdelay $0x1  }
0x1d5: {  	v2 =	vshrl.u32 v4, $0x3  }
0x1d6: {  	v3 =	vshll.u32 v4, $0x7;
	v4 =	vld [tilespmem:$0x1B920];
	v2 =	vmul.u32 $0xC00, v2  }
0x1d7: {  	[tilespmem:$0x1BCF0] =	vst v0;
	v0 =	vand.u32 $0x380, v3  }
0x1d8: {  	v1 =	vld.idx.msk [tilespmem:v1+s16+$0x0], $0xffff;
	v0 =	vor.u32 v0, v2  }
0x1d9: {  	v0 =	vadd.s32 v18, v0;
	_ =	sdelay $0x1  }
0x1da: {  	v2 =	vshrl.u32 v4, $0x3  }
0x1db: {  	v3 =	vshll.u32 v4, $0x7;
	v4 =	vld [tilespmem:$0x1B930];
	v2 =	vmul.u32 $0xC00, v2  }
0x1dc: {  	[tilespmem:$0x1BD00] =	vst v1;
	v1 =	vand.u32 $0x380, v3  }
0x1dd: {  	v0 =	vld.idx.msk [tilespmem:v0+s16+$0x0], $0xffff;
	v1 =	vor.u32 v1, v2  }
0x1de: {  	v1 =	vadd.s32 v28, v1;
	_ =	sdelay $0x1  }
0x1df: {  	v2 =	vshrl.u32 v4, $0x3  }
0x1e0: {  	v3 =	vshll.u32 v4, $0x7;
	v2 =	vmul.u32 $0xC00, v2  }
0x1e1: {  	[tilespmem:$0x1BD10] =	vst v0;
	v0 =	vand.u32 $0x380, v3  }
0x1e2: {  	v0 =	vor.u32 v0, v2;
	v1 =	vld.idx.msk [tilespmem:v1+s16+$0x0], $0xffff  }
0x1e3: {  	v0 =	vadd.s32 v29, v0;
	_ =	sdelay $0x3  }
0x1e4: {  	[tilespmem:$0x1BD20] =	vst v1  }
0x1e5: {  	v0 =	vld.idx.msk [tilespmem:v0+s16+$0x0], $0xffff;
	_ =	sdelay $0x4  }
.Ltmp4:
0x1e6: {  	[tilespmem:$0x1BD30] =	vst v0;
	(pc) =	sbr.rel .LBB2_5-.Ltmp4, $4  }
0x1e7: {  	[hbm4b:s6+s2] =	stream.linear.scatter [tilespmem:s15], [sflag:$0x1], $0x140, $0x38;
	[tilespmem:$0x1C000] =	vst v63  }
0x1e8: {  	_ =	swait.ge [sflag:s13], $0x140  }
0x1e9: {  	[sflag:s13] =	ssyncset.done $0x0  }
0x1ea: {  	v2 =	vmov v13;
	[sflag:s13] =	ssyncadd.s32 $0xFFFFFEC0  }
.LBB2_6:
0x1eb: {  	_ =	sfence.sel $0x180000  }
0x1ec: {  	[bflag:$0x0] =	sbarrier.arrive $0xFFFF  }
0x1ed: {  	p0 =	sne.s32 s1, $0x0;
	_ =	strace $0x90000047  }
0x1ee: {  	s0 =	sadd.s32 @!p0 $0x100000, s0;
	[bflag:$0x2] =	sbarrier.arrive $0xFFFF  }
0x1ef: {  	[sflag:s0] =	ssyncadd.tile.s32 @!p0 $0x1;
	_ =	shalt  }
.Lfunc_end2:
_tile_overlayer_lowered:
.L_overlay_start_2:
0x1f0: {  	(tag) =	ssettag $0x2  }
0x1f1: {  	s0 =	rddreg [dreg:$0x0];
	s2 =	stileid.u32  }
0x1f2: {  	s1 =	rddreg [dreg:$0x1];
	p0 =	sne.s32 s2, $0x0  }
0x1f3: {  	s3 =	rddreg [dreg:$0x2];
	[bflag:$0x3] =	sbarrier.arrive $0xFFFF;
	s2 =	simm.s32 @!p0 $0x1C01  }
0x1f4: {  	[timem:s3], [sflag:s2] =	dma.local @!p0 [hbm:s0], s1  }
0x1f5: {  	s0 =	simm.s32 @!p0 $0x1  }
0x1f6: {  	_ =	swait.ge @!p0 [sflag:s0], s1  }
0x1f7: {  	s1 =	ssub.s32 @!p0 $0x0, s1;
	[sflag:s0] =	ssyncset.done @!p0 $0x0  }
0x1f8: {  	[sflag:s0] =	ssyncadd.s32 @!p0 s1  }
0x1f9: {  	[bflag:$0x3] =	sbarrier.arrive $0xFFFF  }
0x1fa: {  	_ =	shalt  }

</sc_bundles>
